<compile_context>
chip_gen: v7x
topology: tpu7x:2x2x1
jax: 0.10.2.dev20260603
libtpu: 0.0.44.dev20260713+nightly
codegen_flags: <defaults>
</compile_context>

<pallas_src>
import functools

import jax
import jax.numpy as jnp
from jax import lax
from jax.experimental import pallas as pl
from jax.experimental.pallas import tpu as pltpu
from jax.experimental.pallas import tpu_sc as plsc

B = 16384
NC, NS = 2, 16
NW = NC * NS
BPT = B // (NW // 2)
GSZ = 16
TFLAT = 10 * 1024
EPS = 1e-5


def _sc_gather_body(tabs_hbm, out_hbm, tv, iv, ov, sem):
  wid = lax.axis_index("s") * NC + lax.axis_index("c")
  half = wid // (NW // 2)
  base = (wid % (NW // 2)) * BPT

  c1 = pltpu.async_copy(tabs_hbm.at[pl.ds(half * TFLAT, TFLAT)], tv, sem)
  c2 = pltpu.async_copy(
      tabs_hbm.at[pl.ds(2 * TFLAT + half * B + base, BPT)], iv, sem)
  c1.wait()
  c2.wait()

  @plsc.parallel_loop(0, BPT // GSZ, unroll=8)
  def _group(g):
    sl = pl.ds(g * GSZ, GSZ)
    pc = plsc.bitcast(iv[sl], jnp.int32)
    for d in range(10):
      ov[d, sl] = plsc.load_gather(tv, [pc + d * 1024])

  zeros = jnp.zeros((GSZ,), jnp.float32)
  for k in range(BPT // GSZ):
    sl = pl.ds(k * GSZ, GSZ)
    for d in range(10, 16):
      ov[d, sl] = zeros

  pltpu.sync_copy(ov, out_hbm.at[pl.ds(half * 16, 16), pl.ds(base, BPT)])


def _sc_gather(tabs):
  mesh = plsc.VectorSubcoreMesh(core_axis_name="c", subcore_axis_name="s")
  fn = functools.partial(
      pl.kernel,
      out_type=jax.ShapeDtypeStruct((32, B), jnp.float32),
      mesh=mesh,
      scratch_types=[
          pltpu.VMEM((TFLAT,), jnp.float32),
          pltpu.VMEM((BPT,), jnp.float32),
          pltpu.VMEM((16, BPT), jnp.float32),
          pltpu.SemaphoreType.DMA,
      ],
      compiler_params=pltpu.CompilerParams(needs_layout_passes=False),
  )(_sc_gather_body)
  return fn(tabs)


def _tc_dense_body(co_ref, xt_ref, wall_ref, out_ref):
  inv_b = 1.0 / B

  def bn(xp, g, b):
    m = jnp.sum(xp, axis=1, keepdims=True) * inv_b
    d = xp - m
    v = jnp.sum(d * d, axis=1, keepdims=True) * inv_b
    s = g * lax.rsqrt(v + EPS)
    return d * s + b

  pc = jnp.transpose(wall_ref[16:32, 48:80])
  wall = wall_ref[...]
  co = co_ref[...]
  xt = xt_ref[...]
  xc = bn(co[0:16], pc[0:16, 0:1], pc[0:16, 1:2])
  xo = bn(co[16:32], pc[0:16, 2:3], pc[0:16, 3:4])
  xn = bn(xt, pc[0:10, 4:5], pc[0:10, 5:6])
  y1 = (jnp.dot(wall[:, 0:16], xc, preferred_element_type=jnp.float32)
        + jnp.dot(wall[:, 16:32], xo, preferred_element_type=jnp.float32)
        + jnp.dot(wall[:, 32:42], xn, preferred_element_type=jnp.float32)
        + pc[:, 6:7])
  h1 = jnp.maximum(y1, 0.0)
  h2 = jnp.maximum(
      jnp.dot(wall[0:16, 48:80], h1, preferred_element_type=jnp.float32)
      + pc[0:16, 7:8], 0.0)
  out_ref[...] = (jnp.dot(wall[0:4, 80:96], h2,
                          preferred_element_type=jnp.float32)
                  + pc[0:4, 8:9])


def _tc_dense(co, xt, wall, interpret=False):
  return pl.pallas_call(
      _tc_dense_body,
      out_shape=jax.ShapeDtypeStruct((4, B), jnp.float32),
      interpret=interpret,
  )(co, xt, wall)


def _flat_table(tab):
  return jnp.pad(tab.T, ((0, 0), (0, 24))).reshape(TFLAT)


def _pack_params(bn_gamma, bn_beta, W1, b1, W2, b2, W3, b3):
  z6 = jnp.zeros((6,), jnp.float32)
  z16 = jnp.zeros((16,), jnp.float32)
  z2 = jnp.zeros((2,), jnp.float32)

  def spread10(v6):
    return jnp.concatenate([v6[0:1], z2, v6[1:6], z2])

  prow = jnp.stack([
      jnp.concatenate([bn_gamma[0:10], z6, z16]),
      jnp.concatenate([bn_beta[0:10], z6, z16]),
      jnp.concatenate([bn_gamma[10:20], z6, z16]),
      jnp.concatenate([bn_beta[10:20], z6, z16]),
      jnp.concatenate([spread10(bn_gamma[20:26]), z6, z16]),
      jnp.concatenate([spread10(bn_beta[20:26]), z6, z16]),
      b1,
      jnp.concatenate([b2, z16]),
      jnp.concatenate([b3, jnp.zeros((28,), jnp.float32)]),
  ] + [jnp.zeros((32,), jnp.float32)] * 7, axis=0)

  zc = jnp.zeros((32, 6), jnp.float32)
  z2c = jnp.zeros((32, 2), jnp.float32)
  wall = jnp.concatenate([
      W1[:, 0:10], zc,
      W1[:, 10:20], zc,
      W1[:, 20:21], z2c, W1[:, 21:26], z2c, zc,
      jnp.concatenate([W2, prow], axis=0),
      jnp.pad(W3, ((0, 28), (0, 0))),
  ], axis=1)
  return wall


def kernel(x, country_table, occupation_table, bn_gamma, bn_beta,
           W1, b1, W2, b2, W3, b3):
  xt_all = x.T
  iall = jnp.stack([xt_all[1], xt_all[8]]).astype(jnp.int32)
  tabs = jnp.concatenate([
      _flat_table(country_table), _flat_table(occupation_table),
      lax.bitcast_convert_type(iall, jnp.float32).reshape(2 * B)])
  co = _sc_gather(tabs)
  wall = _pack_params(bn_gamma, bn_beta, W1, b1, W2, b2, W3, b3)
  y3 = _tc_dense(co, xt_all, wall)
  return y3.T

# --- scband reference (transcript-rebuilt; emitter-appended) ---
"""Pipeline reference for scband-coffee-model-89223650607150 (READ-ONLY COPY).

The authoritative reference and input builder live on the scoring server;
editing this copy changes nothing except your own understanding.
"""

import jax, jax.numpy as jnp
import numpy as np

B = 16384
N_COUNTRIES = 1000
N_OCCUPATIONS = 1000
EMBED_DIM = 10
IN_F = EMBED_DIM * 2 + 6  # 26
EPS = 1e-5


def setup_inputs(seed: int = 0):
    key = jax.random.key(seed)
    ks = jax.random.split(key, 8)
    # float tensor whose integer-valued entries serve as indices in cols 1 and 8
    x = jax.random.randint(ks[0], (B, 10), 0, 1000).astype(jnp.float32)
    country_table = jax.random.normal(ks[1], (N_COUNTRIES, EMBED_DIM), dtype=jnp.float32)
    occupation_table = jax.random.normal(ks[2], (N_OCCUPATIONS, EMBED_DIM), dtype=jnp.float32)
    bn_gamma = jnp.ones((IN_F,), dtype=jnp.float32)
    bn_beta = jnp.zeros((IN_F,), dtype=jnp.float32)
    W1 = jax.random.normal(ks[3], (32, IN_F), dtype=jnp.float32) * 0.1
    b1 = jnp.zeros((32,), dtype=jnp.float32)
    W2 = jax.random.normal(ks[4], (16, 32), dtype=jnp.float32) * 0.1
    b2 = jnp.zeros((16,), dtype=jnp.float32)
    W3 = jax.random.normal(ks[5], (4, 16), dtype=jnp.float32) * 0.1
    b3 = jnp.zeros((4,), dtype=jnp.float32)
    return {
        'x': x,
        'country_table': country_table,
        'occupation_table': occupation_table,
        'bn_gamma': bn_gamma,
        'bn_beta': bn_beta,
        'W1': W1, 'b1': b1,
        'W2': W2, 'b2': b2,
        'W3': W3, 'b3': b3,
    }


def reference(x, country_table, occupation_table, bn_gamma, bn_beta, W1, b1, W2, b2, W3, b3):
    idx_c = x[:, 1].astype(jnp.int32)
    idx_o = x[:, 8].astype(jnp.int32)
    country = jnp.take(country_table, idx_c, axis=0)
    occupation = jnp.take(occupation_table, idx_o, axis=0)
    # only 'other_features_original' feeds the head (cols 0,3,4,5,6,7)
    other = jnp.stack([x[:, 0], x[:, 3], x[:, 4], x[:, 5], x[:, 6], x[:, 7]], axis=1)
    xc = jnp.concatenate([country, occupation, other], axis=1)
    # BatchNorm1d in training mode: biased batch statistics
    mean = jnp.mean(xc, axis=0)
    var = jnp.var(xc, axis=0)
    h = (xc - mean) / jnp.sqrt(var + EPS) * bn_gamma + bn_beta
    h = jax.nn.relu(h @ W1.T + b1)
    # dropout acts as identity (deterministic reference)
    h = jax.nn.relu(h @ W2.T + b2)
    out = h @ W3.T + b3
    return out

if __name__ == "__main__":
    import jax
    _d = setup_inputs()
    print(jax.jit(kernel)(*tuple(_d.values())))

</pallas_src>

<mosaic_0001>
#map = affine_map<(d0, d1) -> (0)>
#map1 = affine_map<(d0, d1) -> (0, 0)>
module attributes {stable_mosaic.version = 14 : i64} {
  func.func @_sc_gather_body(%arg0: i32, %arg1: i32, %arg2: memref<53248xf32, #tpu.memory_space<hbm>>, %arg3: memref<32x16384xf32, #tpu.memory_space<hbm>>, %arg4: memref<10240xf32, #tpu.memory_space<vmem>>, %arg5: memref<1024xf32, #tpu.memory_space<vmem>>, %arg6: memref<16x1024xf32, #tpu.memory_space<vmem>>, %arg7: memref<!tpu.dma_semaphore, #tpu.memory_space<semaphore_mem>>) attributes {dimension_semantics = [#tpu.dimension_semantics<core_parallel>, #tpu.dimension_semantics<subcore_parallel>], iteration_bounds = array<i64: 2, 16>, scalar_prefetch = 0 : i64, scratch_operands = 4 : i64, tpu.core_type = #tpu.core_type<sc_vector_subcore>, window_params = [{transform_indices = #map}, {transform_indices = #map1}]} {
    %mul3A = arith.constant 2 : i32
    %mul3A_0 = arith.muli %arg1, %mul3A : i32
    %add3A = arith.addi %mul3A_0, %arg0 : i32
    %jit3A = arith.constant 16 : i32
    %div3A = arith.divsi %add3A, %jit3A : i32
    %sign3A = arith.constant 0 : i32
    %sign3A_1 = arith.cmpi sgt, %add3A, %sign3A : i32
    %sign3A_2 = arith.extui %sign3A_1 : i1 to i32
    %sign3A_3 = arith.constant 0 : i32
    %sign3A_4 = arith.cmpi slt, %add3A, %sign3A_3 : i32
    %sign3A_5 = arith.extui %sign3A_4 : i1 to i32
    %sign3A_6 = arith.subi %sign3A_2, %sign3A_5 : i32
    %sign3A_7 = arith.constant 0 : i32
    %sign3A_8 = arith.cmpi sgt, %jit3A, %sign3A_7 : i32
    %sign3A_9 = arith.extui %sign3A_8 : i1 to i32
    %sign3A_10 = arith.constant 0 : i32
    %sign3A_11 = arith.cmpi slt, %jit3A, %sign3A_10 : i32
    %sign3A_12 = arith.extui %sign3A_11 : i1 to i32
    %sign3A_13 = arith.subi %sign3A_9, %sign3A_12 : i32
    %ne3A = arith.cmpi ne, %sign3A_6, %sign3A_13 : i32
    %rem3A = arith.remsi %add3A, %jit3A : i32
    %ne3A_14 = arith.constant 0 : i32
    %ne3A_15 = arith.cmpi ne, %rem3A, %ne3A_14 : i32
    %and3A = arith.andi %ne3A, %ne3A_15 : i1
    %sub3A = arith.constant 1 : i32
    %sub3A_16 = arith.subi %div3A, %sub3A : i32
    %select_n3A = arith.select %and3A, %sub3A_16, %div3A : i32
    %jit3A_17 = arith.constant 16 : i32
    %eq3A = arith.constant 0 : i32
    %eq3A_18 = arith.cmpi eq, %jit3A_17, %eq3A : i32
    %jit3A_19 = arith.constant 1 : i32
    %select_n3A_20 = arith.select %eq3A_18, %jit3A_19, %jit3A_17 : i32
    %rem3A_21 = arith.remsi %add3A, %select_n3A_20 : i32
    %ne3A_22 = arith.constant 0 : i32
    %ne3A_23 = arith.cmpi ne, %rem3A_21, %ne3A_22 : i32
    %lt3A = arith.constant 0 : i32
    %lt3A_24 = arith.cmpi slt, %rem3A_21, %lt3A : i32
    %lt3A_25 = arith.constant 0 : i32
    %lt3A_26 = arith.cmpi slt, %select_n3A_20, %lt3A_25 : i32
    %ne3A_27 = arith.xori %lt3A_24, %lt3A_26 : i1
    %and3A_28 = arith.andi %ne3A_27, %ne3A_23 : i1
    %add3A_29 = arith.addi %rem3A_21, %select_n3A_20 : i32
    %select_n3A_30 = arith.select %and3A_28, %add3A_29, %rem3A_21 : i32
    %mul3A_31 = arith.constant 1024 : i32
    %mul3A_32 = arith.muli %select_n3A_30, %mul3A_31 : i32
    %mul3A_33 = arith.constant 10240 : i32
    %mul3A_34 = arith.muli %select_n3A, %mul3A_33 : i32
    %dma_start3A = tpu.memref_slice %arg2[%mul3A_34] : memref<53248xf32, #tpu.memory_space<hbm>> -> memref<10240xf32, #tpu.memory_space<hbm>>
    %dma_start3A_35 = tpu.memref_slice %arg2[%mul3A_34] : memref<53248xf32, #tpu.memory_space<hbm>> -> memref<10240xf32, #tpu.memory_space<hbm>>
    tpu.enqueue_dma source(%dma_start3A_35 : memref<10240xf32, #tpu.memory_space<hbm>>) target(%arg4 : memref<10240xf32, #tpu.memory_space<vmem>>) target_semaphore(%arg7 : memref<!tpu.dma_semaphore, #tpu.memory_space<semaphore_mem>>)
    %mul3A_36 = arith.constant 16384 : i32
    %mul3A_37 = arith.muli %select_n3A, %mul3A_36 : i32
    %add3A_38 = arith.constant 20480 : i32
    %add3A_39 = arith.addi %add3A_38, %mul3A_37 : i32
    %add3A_40 = arith.addi %add3A_39, %mul3A_32 : i32
    %dma_start3A_41 = tpu.memref_slice %arg2[%add3A_40] : memref<53248xf32, #tpu.memory_space<hbm>> -> memref<1024xf32, #tpu.memory_space<hbm>>
    %dma_start3A_42 = tpu.memref_slice %arg2[%add3A_40] : memref<53248xf32, #tpu.memory_space<hbm>> -> memref<1024xf32, #tpu.memory_space<hbm>>
    tpu.enqueue_dma source(%dma_start3A_42 : memref<1024xf32, #tpu.memory_space<hbm>>) target(%arg5 : memref<1024xf32, #tpu.memory_space<vmem>>) target_semaphore(%arg7 : memref<!tpu.dma_semaphore, #tpu.memory_space<semaphore_mem>>)
    %dma_wait3A = tpu.memref_slice %arg2[%mul3A_34] : memref<53248xf32, #tpu.memory_space<hbm>> -> memref<10240xf32, #tpu.memory_space<hbm>>
    %dma_wait3A_43 = tpu.memref_slice %arg2[%mul3A_34] : memref<53248xf32, #tpu.memory_space<hbm>> -> memref<10240xf32, #tpu.memory_space<hbm>>
    tpu.wait_dma2 semaphore(%arg7 : memref<!tpu.dma_semaphore, #tpu.memory_space<semaphore_mem>>) src(%dma_wait3A_43 : memref<10240xf32, #tpu.memory_space<hbm>>) dst(%arg4 : memref<10240xf32, #tpu.memory_space<vmem>>)
    %dma_wait3A_44 = tpu.memref_slice %arg2[%add3A_40] : memref<53248xf32, #tpu.memory_space<hbm>> -> memref<1024xf32, #tpu.memory_space<hbm>>
    %dma_wait3A_45 = tpu.memref_slice %arg2[%add3A_40] : memref<53248xf32, #tpu.memory_space<hbm>> -> memref<1024xf32, #tpu.memory_space<hbm>>
    tpu.wait_dma2 semaphore(%arg7 : memref<!tpu.dma_semaphore, #tpu.memory_space<semaphore_mem>>) src(%dma_wait3A_45 : memref<1024xf32, #tpu.memory_space<hbm>>) dst(%arg5 : memref<1024xf32, #tpu.memory_space<vmem>>)
    %parallel_loop3A = arith.constant 0 : i32
    %parallel_loop3A_46 = arith.constant 64 : i32
    %parallel_loop3A_47 = arith.constant 1 : i32
    scf.for %parallel_loop3A_1586 = %parallel_loop3A to %parallel_loop3A_46 step %parallel_loop3A_47  : i32 {
      %parallel_loop3A_1587 = arith.constant 16 : i32
      %parallel_loop3A_1588 = arith.muli %parallel_loop3A_1586, %parallel_loop3A_1587 : i32
      %parallel_loop3A_1589 = arith.index_cast %parallel_loop3A_1588 : i32 to index
      %parallel_loop3A_1590 = tpu.vector_load %arg5[%parallel_loop3A_1589] {strides = array<i32>} : memref<1024xf32, #tpu.memory_space<vmem>>, vector<16xf32>,
      %parallel_loop3A_1591 = vector.bitcast %parallel_loop3A_1590 : vector<16xf32> to vector<16xi32>
      %parallel_loop3A_1592 = arith.constant 0 : i32
      %parallel_loop3A_1593 = vector.broadcast %parallel_loop3A_1592 : i32 to vector<16xi32>
      %parallel_loop3A_1594 = arith.addi %parallel_loop3A_1591, %parallel_loop3A_1593 : vector<16xi32>
      %parallel_loop3A_1595 = tpu.vector_load_idx %arg4[%parallel_loop3A_1594] : memref<10240xf32, #tpu.memory_space<vmem>>[vector<16xi32>], vector<16xf32>,
      %parallel_loop3A_1596 = arith.constant 0 : i32
      %parallel_loop3A_1597 = arith.index_cast %parallel_loop3A_1596 : i32 to index
      %parallel_loop3A_1598 = arith.index_cast %parallel_loop3A_1588 : i32 to index
      %parallel_loop3A_1599 = tpu.vector_load %arg6[%parallel_loop3A_1597, %parallel_loop3A_1598] {strides = array<i32>} : memref<16x1024xf32, #tpu.memory_space<vmem>>, vector<16xf32>,
      tpu.vector_store %arg6[%parallel_loop3A_1597, %parallel_loop3A_1598], %parallel_loop3A_1595 {strides = array<i32>} : memref<16x1024xf32, #tpu.memory_space<vmem>>, vector<16xf32>,
      %parallel_loop3A_1600 = arith.constant 1024 : i32
      %parallel_loop3A_1601 = vector.broadcast %parallel_loop3A_1600 : i32 to vector<16xi32>
      %parallel_loop3A_1602 = arith.addi %parallel_loop3A_1591, %parallel_loop3A_1601 : vector<16xi32>
      %parallel_loop3A_1603 = tpu.vector_load_idx %arg4[%parallel_loop3A_1602] : memref<10240xf32, #tpu.memory_space<vmem>>[vector<16xi32>], vector<16xf32>,
      %parallel_loop3A_1604 = arith.constant 1 : i32
      %parallel_loop3A_1605 = arith.index_cast %parallel_loop3A_1604 : i32 to index
      %parallel_loop3A_1606 = arith.index_cast %parallel_loop3A_1588 : i32 to index
      %parallel_loop3A_1607 = tpu.vector_load %arg6[%parallel_loop3A_1605, %parallel_loop3A_1606] {strides = array<i32>} : memref<16x1024xf32, #tpu.memory_space<vmem>>, vector<16xf32>,
      tpu.vector_store %arg6[%parallel_loop3A_1605, %parallel_loop3A_1606], %parallel_loop3A_1603 {strides = array<i32>} : memref<16x1024xf32, #tpu.memory_space<vmem>>, vector<16xf32>,
      %parallel_loop3A_1608 = arith.constant 2048 : i32
      %parallel_loop3A_1609 = vector.broadcast %parallel_loop3A_1608 : i32 to vector<16xi32>
      %parallel_loop3A_1610 = arith.addi %parallel_loop3A_1591, %parallel_loop3A_1609 : vector<16xi32>
      %parallel_loop3A_1611 = tpu.vector_load_idx %arg4[%parallel_loop3A_1610] : memref<10240xf32, #tpu.memory_space<vmem>>[vector<16xi32>], vector<16xf32>,
      %parallel_loop3A_1612 = arith.constant 2 : i32
      %parallel_loop3A_1613 = arith.index_cast %parallel_loop3A_1612 : i32 to index
      %parallel_loop3A_1614 = arith.index_cast %parallel_loop3A_1588 : i32 to index
      %parallel_loop3A_1615 = tpu.vector_load %arg6[%parallel_loop3A_1613, %parallel_loop3A_1614] {strides = array<i32>} : memref<16x1024xf32, #tpu.memory_space<vmem>>, vector<16xf32>,
      tpu.vector_store %arg6[%parallel_loop3A_1613, %parallel_loop3A_1614], %parallel_loop3A_1611 {strides = array<i32>} : memref<16x1024xf32, #tpu.memory_space<vmem>>, vector<16xf32>,
      %parallel_loop3A_1616 = arith.constant 3072 : i32
      %parallel_loop3A_1617 = vector.broadcast %parallel_loop3A_1616 : i32 to vector<16xi32>
      %parallel_loop3A_1618 = arith.addi %parallel_loop3A_1591, %parallel_loop3A_1617 : vector<16xi32>
      %parallel_loop3A_1619 = tpu.vector_load_idx %arg4[%parallel_loop3A_1618] : memref<10240xf32, #tpu.memory_space<vmem>>[vector<16xi32>], vector<16xf32>,
      %parallel_loop3A_1620 = arith.constant 3 : i32
      %parallel_loop3A_1621 = arith.index_cast %parallel_loop3A_1620 : i32 to index
      %parallel_loop3A_1622 = arith.index_cast %parallel_loop3A_1588 : i32 to index
      %parallel_loop3A_1623 = tpu.vector_load %arg6[%parallel_loop3A_1621, %parallel_loop3A_1622] {strides = array<i32>} : memref<16x1024xf32, #tpu.memory_space<vmem>>, vector<16xf32>,
      tpu.vector_store %arg6[%parallel_loop3A_1621, %parallel_loop3A_1622], %parallel_loop3A_1619 {strides = array<i32>} : memref<16x1024xf32, #tpu.memory_space<vmem>>, vector<16xf32>,
      %parallel_loop3A_1624 = arith.constant 4096 : i32
      %parallel_loop3A_1625 = vector.broadcast %parallel_loop3A_1624 : i32 to vector<16xi32>
      %parallel_loop3A_1626 = arith.addi %parallel_loop3A_1591, %parallel_loop3A_1625 : vector<16xi32>
      %parallel_loop3A_1627 = tpu.vector_load_idx %arg4[%parallel_loop3A_1626] : memref<10240xf32, #tpu.memory_space<vmem>>[vector<16xi32>], vector<16xf32>,
      %parallel_loop3A_1628 = arith.constant 4 : i32
      %parallel_loop3A_1629 = arith.index_cast %parallel_loop3A_1628 : i32 to index
      %parallel_loop3A_1630 = arith.index_cast %parallel_loop3A_1588 : i32 to index
      %parallel_loop3A_1631 = tpu.vector_load %arg6[%parallel_loop3A_1629, %parallel_loop3A_1630] {strides = array<i32>} : memref<16x1024xf32, #tpu.memory_space<vmem>>, vector<16xf32>,
      tpu.vector_store %arg6[%parallel_loop3A_1629, %parallel_loop3A_1630], %parallel_loop3A_1627 {strides = array<i32>} : memref<16x1024xf32, #tpu.memory_space<vmem>>, vector<16xf32>,
      %parallel_loop3A_1632 = arith.constant 5120 : i32
      %parallel_loop3A_1633 = vector.broadcast %parallel_loop3A_1632 : i32 to vector<16xi32>
      %parallel_loop3A_1634 = arith.addi %parallel_loop3A_1591, %parallel_loop3A_1633 : vector<16xi32>
      %parallel_loop3A_1635 = tpu.vector_load_idx %arg4[%parallel_loop3A_1634] : memref<10240xf32, #tpu.memory_space<vmem>>[vector<16xi32>], vector<16xf32>,
      %parallel_loop3A_1636 = arith.constant 5 : i32
      %parallel_loop3A_1637 = arith.index_cast %parallel_loop3A_1636 : i32 to index
      %parallel_loop3A_1638 = arith.index_cast %parallel_loop3A_1588 : i32 to index
      %parallel_loop3A_1639 = tpu.vector_load %arg6[%parallel_loop3A_1637, %parallel_loop3A_1638] {strides = array<i32>} : memref<16x1024xf32, #tpu.memory_space<vmem>>, vector<16xf32>,
      tpu.vector_store %arg6[%parallel_loop3A_1637, %parallel_loop3A_1638], %parallel_loop3A_1635 {strides = array<i32>} : memref<16x1024xf32, #tpu.memory_space<vmem>>, vector<16xf32>,
      %parallel_loop3A_1640 = arith.constant 6144 : i32
      %parallel_loop3A_1641 = vector.broadcast %parallel_loop3A_1640 : i32 to vector<16xi32>
      %parallel_loop3A_1642 = arith.addi %parallel_loop3A_1591, %parallel_loop3A_1641 : vector<16xi32>
      %parallel_loop3A_1643 = tpu.vector_load_idx %arg4[%parallel_loop3A_1642] : memref<10240xf32, #tpu.memory_space<vmem>>[vector<16xi32>], vector<16xf32>,
      %parallel_loop3A_1644 = arith.constant 6 : i32
      %parallel_loop3A_1645 = arith.index_cast %parallel_loop3A_1644 : i32 to index
      %parallel_loop3A_1646 = arith.index_cast %parallel_loop3A_1588 : i32 to index
      %parallel_loop3A_1647 = tpu.vector_load %arg6[%parallel_loop3A_1645, %parallel_loop3A_1646] {strides = array<i32>} : memref<16x1024xf32, #tpu.memory_space<vmem>>, vector<16xf32>,
      tpu.vector_store %arg6[%parallel_loop3A_1645, %parallel_loop3A_1646], %parallel_loop3A_1643 {strides = array<i32>} : memref<16x1024xf32, #tpu.memory_space<vmem>>, vector<16xf32>,
      %parallel_loop3A_1648 = arith.constant 7168 : i32
      %parallel_loop3A_1649 = vector.broadcast %parallel_loop3A_1648 : i32 to vector<16xi32>
      %parallel_loop3A_1650 = arith.addi %parallel_loop3A_1591, %parallel_loop3A_1649 : vector<16xi32>
      %parallel_loop3A_1651 = tpu.vector_load_idx %arg4[%parallel_loop3A_1650] : memref<10240xf32, #tpu.memory_space<vmem>>[vector<16xi32>], vector<16xf32>,
      %parallel_loop3A_1652 = arith.constant 7 : i32
      %parallel_loop3A_1653 = arith.index_cast %parallel_loop3A_1652 : i32 to index
      %parallel_loop3A_1654 = arith.index_cast %parallel_loop3A_1588 : i32 to index
      %parallel_loop3A_1655 = tpu.vector_load %arg6[%parallel_loop3A_1653, %parallel_loop3A_1654] {strides = array<i32>} : memref<16x1024xf32, #tpu.memory_space<vmem>>, vector<16xf32>,
      tpu.vector_store %arg6[%parallel_loop3A_1653, %parallel_loop3A_1654], %parallel_loop3A_1651 {strides = array<i32>} : memref<16x1024xf32, #tpu.memory_space<vmem>>, vector<16xf32>,
      %parallel_loop3A_1656 = arith.constant 8192 : i32
      %parallel_loop3A_1657 = vector.broadcast %parallel_loop3A_1656 : i32 to vector<16xi32>
      %parallel_loop3A_1658 = arith.addi %parallel_loop3A_1591, %parallel_loop3A_1657 : vector<16xi32>
      %parallel_loop3A_1659 = tpu.vector_load_idx %arg4[%parallel_loop3A_1658] : memref<10240xf32, #tpu.memory_space<vmem>>[vector<16xi32>], vector<16xf32>,
      %parallel_loop3A_1660 = arith.constant 8 : i32
      %parallel_loop3A_1661 = arith.index_cast %parallel_loop3A_1660 : i32 to index
      %parallel_loop3A_1662 = arith.index_cast %parallel_loop3A_1588 : i32 to index
      %parallel_loop3A_1663 = tpu.vector_load %arg6[%parallel_loop3A_1661, %parallel_loop3A_1662] {strides = array<i32>} : memref<16x1024xf32, #tpu.memory_space<vmem>>, vector<16xf32>,
      tpu.vector_store %arg6[%parallel_loop3A_1661, %parallel_loop3A_1662], %parallel_loop3A_1659 {strides = array<i32>} : memref<16x1024xf32, #tpu.memory_space<vmem>>, vector<16xf32>,
      %parallel_loop3A_1664 = arith.constant 9216 : i32
      %parallel_loop3A_1665 = vector.broadcast %parallel_loop3A_1664 : i32 to vector<16xi32>
      %parallel_loop3A_1666 = arith.addi %parallel_loop3A_1591, %parallel_loop3A_1665 : vector<16xi32>
      %parallel_loop3A_1667 = tpu.vector_load_idx %arg4[%parallel_loop3A_1666] : memref<10240xf32, #tpu.memory_space<vmem>>[vector<16xi32>], vector<16xf32>,
      %parallel_loop3A_1668 = arith.constant 9 : i32
      %parallel_loop3A_1669 = arith.index_cast %parallel_loop3A_1668 : i32 to index
      %parallel_loop3A_1670 = arith.index_cast %parallel_loop3A_1588 : i32 to index
      %parallel_loop3A_1671 = tpu.vector_load %arg6[%parallel_loop3A_1669, %parallel_loop3A_1670] {strides = array<i32>} : memref<16x1024xf32, #tpu.memory_space<vmem>>, vector<16xf32>,
      tpu.vector_store %arg6[%parallel_loop3A_1669, %parallel_loop3A_1670], %parallel_loop3A_1667 {strides = array<i32>} : memref<16x1024xf32, #tpu.memory_space<vmem>>, vector<16xf32>,
    } {sc.loop_unroll_factor = 8 : i64, sc.parallel_access}
    %broadcast_in_dim3A = arith.constant 0.000000e+00 : f32
    %broadcast_in_dim3A_48 = vector.broadcast %broadcast_in_dim3A : f32 to vector<16xf32>
    %swap3A = arith.constant 10 : i32
    %swap3A_49 = arith.index_cast %swap3A : i32 to index
    %swap3A_50 = arith.constant 0 : index
    %swap3A_51 = tpu.vector_load %arg6[%swap3A_49, %swap3A_50] {strides = array<i32>} : memref<16x1024xf32, #tpu.memory_space<vmem>>, vector<16xf32>,
    tpu.vector_store %arg6[%swap3A_49, %swap3A_50], %broadcast_in_dim3A_48 {strides = array<i32>} : memref<16x1024xf32, #tpu.memory_space<vmem>>, vector<16xf32>,
    %swap3A_52 = arith.constant 11 : i32
    %swap3A_53 = arith.index_cast %swap3A_52 : i32 to index
    %swap3A_54 = arith.constant 0 : index
    %swap3A_55 = tpu.vector_load %arg6[%swap3A_53, %swap3A_54] {strides = array<i32>} : memref<16x1024xf32, #tpu.memory_space<vmem>>, vector<16xf32>,
    tpu.vector_store %arg6[%swap3A_53, %swap3A_54], %broadcast_in_dim3A_48 {strides = array<i32>} : memref<16x1024xf32, #tpu.memory_space<vmem>>, vector<16xf32>,
    %swap3A_56 = arith.constant 12 : i32
    %swap3A_57 = arith.index_cast %swap3A_56 : i32 to index
    %swap3A_58 = arith.constant 0 : index
    %swap3A_59 = tpu.vector_load %arg6[%swap3A_57, %swap3A_58] {strides = array<i32>} : memref<16x1024xf32, #tpu.memory_space<vmem>>, vector<16xf32>,
    tpu.vector_store %arg6[%swap3A_57, %swap3A_58], %broadcast_in_dim3A_48 {strides = array<i32>} : memref<16x1024xf32, #tpu.memory_space<vmem>>, vector<16xf32>,
    %swap3A_60 = arith.constant 13 : i32
    %swap3A_61 = arith.index_cast %swap3A_60 : i32 to index
    %swap3A_62 = arith.constant 0 : index
    %swap3A_63 = tpu.vector_load %arg6[%swap3A_61, %swap3A_62] {strides = array<i32>} : memref<16x1024xf32, #tpu.memory_space<vmem>>, vector<16xf32>,
    tpu.vector_store %arg6[%swap3A_61, %swap3A_62], %broadcast_in_dim3A_48 {strides = array<i32>} : memref<16x1024xf32, #tpu.memory_space<vmem>>, vector<16xf32>,
    %swap3A_64 = arith.constant 14 : i32
    %swap3A_65 = arith.index_cast %swap3A_64 : i32 to index
    %swap3A_66 = arith.constant 0 : index
    %swap3A_67 = tpu.vector_load %arg6[%swap3A_65, %swap3A_66] {strides = array<i32>} : memref<16x1024xf32, #tpu.memory_space<vmem>>, vector<16xf32>,
    tpu.vector_store %arg6[%swap3A_65, %swap3A_66], %broadcast_in_dim3A_48 {strides = array<i32>} : memref<16x1024xf32, #tpu.memory_space<vmem>>, vector<16xf32>,
    %swap3A_68 = arith.constant 15 : i32
    %swap3A_69 = arith.index_cast %swap3A_68 : i32 to index
    %swap3A_70 = arith.constant 0 : index
    %swap3A_71 = tpu.vector_load %arg6[%swap3A_69, %swap3A_70] {strides = array<i32>} : memref<16x1024xf32, #tpu.memory_space<vmem>>, vector<16xf32>,
    tpu.vector_store %arg6[%swap3A_69, %swap3A_70], %broadcast_in_dim3A_48 {strides = array<i32>} : memref<16x1024xf32, #tpu.memory_space<vmem>>, vector<16xf32>,
    %swap3A_72 = arith.constant 10 : i32
    %swap3A_73 = arith.index_cast %swap3A_72 : i32 to index
    %swap3A_74 = arith.constant 16 : index
    %swap3A_75 = tpu.vector_load %arg6[%swap3A_73, %swap3A_74] {strides = array<i32>} : memref<16x1024xf32, #tpu.memory_space<vmem>>, vector<16xf32>,
    tpu.vector_store %arg6[%swap3A_73, %swap3A_74], %broadcast_in_dim3A_48 {strides = array<i32>} : memref<16x1024xf32, #tpu.memory_space<vmem>>, vector<16xf32>,
    %swap3A_76 = arith.constant 11 : i32
    %swap3A_77 = arith.index_cast %swap3A_76 : i32 to index
    %swap3A_78 = arith.constant 16 : index
    %swap3A_79 = tpu.vector_load %arg6[%swap3A_77, %swap3A_78] {strides = array<i32>} : memref<16x1024xf32, #tpu.memory_space<vmem>>, vector<16xf32>,
    tpu.vector_store %arg6[%swap3A_77, %swap3A_78], %broadcast_in_dim3A_48 {strides = array<i32>} : memref<16x1024xf32, #tpu.memory_space<vmem>>, vector<16xf32>,
    %swap3A_80 = arith.constant 12 : i32
    %swap3A_81 = arith.index_cast %swap3A_80 : i32 to index
    %swap3A_82 = arith.constant 16 : index
    %swap3A_83 = tpu.vector_load %arg6[%swap3A_81, %swap3A_82] {strides = array<i32>} : memref<16x1024xf32, #tpu.memory_space<vmem>>, vector<16xf32>,
    tpu.vector_store %arg6[%swap3A_81, %swap3A_82], %broadcast_in_dim3A_48 {strides = array<i32>} : memref<16x1024xf32, #tpu.memory_space<vmem>>, vector<16xf32>,
    %swap3A_84 = arith.constant 13 : i32
    %swap3A_85 = arith.index_cast %swap3A_84 : i32 to index
    %swap3A_86 = arith.constant 16 : index
    %swap3A_87 = tpu.vector_load %arg6[%swap3A_85, %swap3A_86] {strides = array<i32>} : memref<16x1024xf32, #tpu.memory_space<vmem>>, vector<16xf32>,
    tpu.vector_store %arg6[%swap3A_85, %swap3A_86], %broadcast_in_dim3A_48 {strides = array<i32>} : memref<16x1024xf32, #tpu.memory_space<vmem>>, vector<16xf32>,
    %swap3A_88 = arith.constant 14 : i32
    %swap3A_89 = arith.index_cast %swap3A_88 : i32 to index
    %swap3A_90 = arith.constant 16 : index
    %swap3A_91 = tpu.vector_load %arg6[%swap3A_89, %swap3A_90] {strides = array<i32>} : memref<16x1024xf32, #tpu.memory_space<vmem>>, vector<16xf32>,
    tpu.vector_store %arg6[%swap3A_89, %swap3A_90], %broadcast_in_dim3A_48 {strides = array<i32>} : memref<16x1024xf32, #tpu.memory_space<vmem>>, vector<16xf32>,
    %swap3A_92 = arith.constant 15 : i32
    %swap3A_93 = arith.index_cast %swap3A_92 : i32 to index
    %swap3A_94 = arith.constant 16 : index
    %swap3A_95 = tpu.vector_load %arg6[%swap3A_93, %swap3A_94] {strides = array<i32>} : memref<16x1024xf32, #tpu.memory_space<vmem>>, vector<16xf32>,
    tpu.vector_store %arg6[%swap3A_93, %swap3A_94], %broadcast_in_dim3A_48 {strides = array<i32>} : memref<16x1024xf32, #tpu.memory_space<vmem>>, vector<16xf32>,
    %swap3A_96 = arith.constant 10 : i32
    %swap3A_97 = arith.index_cast %swap3A_96 : i32 to index
    %swap3A_98 = arith.constant 32 : index
    %swap3A_99 = tpu.vector_load %arg6[%swap3A_97, %swap3A_98] {strides = array<i32>} : memref<16x1024xf32, #tpu.memory_space<vmem>>, vector<16xf32>,
    tpu.vector_store %arg6[%swap3A_97, %swap3A_98], %broadcast_in_dim3A_48 {strides = array<i32>} : memref<16x1024xf32, #tpu.memory_space<vmem>>, vector<16xf32>,
    %swap3A_100 = arith.constant 11 : i32
    %swap3A_101 = arith.index_cast %swap3A_100 : i32 to index
    %swap3A_102 = arith.constant 32 : index
    %swap3A_103 = tpu.vector_load %arg6[%swap3A_101, %swap3A_102] {strides = array<i32>} : memref<16x1024xf32, #tpu.memory_space<vmem>>, vector<16xf32>,
    tpu.vector_store %arg6[%swap3A_101, %swap3A_102], %broadcast_in_dim3A_48 {strides = array<i32>} : memref<16x1024xf32, #tpu.memory_space<vmem>>, vector<16xf32>,
    %swap3A_104 = arith.constant 12 : i32
    %swap3A_105 = arith.index_cast %swap3A_104 : i32 to index
    %swap3A_106 = arith.constant 32 : index
    %swap3A_107 = tpu.vector_load %arg6[%swap3A_105, %swap3A_106] {strides = array<i32>} : memref<16x1024xf32, #tpu.memory_space<vmem>>, vector<16xf32>,
    tpu.vector_store %arg6[%swap3A_105, %swap3A_106], %broadcast_in_dim3A_48 {strides = array<i32>} : memref<16x1024xf32, #tpu.memory_space<vmem>>, vector<16xf32>,
    %swap3A_108 = arith.constant 13 : i32
    %swap3A_109 = arith.index_cast %swap3A_108 : i32 to index
    %swap3A_110 = arith.constant 32 : index
    %swap3A_111 = tpu.vector_load %arg6[%swap3A_109, %swap3A_110] {strides = array<i32>} : memref<16x1024xf32, #tpu.memory_space<vmem>>, vector<16xf32>,
    tpu.vector_store %arg6[%swap3A_109, %swap3A_110], %broadcast_in_dim3A_48 {strides = array<i32>} : memref<16x1024xf32, #tpu.memory_space<vmem>>, vector<16xf32>,
    %swap3A_112 = arith.constant 14 : i32
    %swap3A_113 = arith.index_cast %swap3A_112 : i32 to index
    %swap3A_114 = arith.constant 32 : index
    %swap3A_115 = tpu.vector_load %arg6[%swap3A_113, %swap3A_114] {strides = array<i32>} : memref<16x1024xf32, #tpu.memory_space<vmem>>, vector<16xf32>,
    tpu.vector_store %arg6[%swap3A_113, %swap3A_114], %broadcast_in_dim3A_48 {strides = array<i32>} : memref<16x1024xf32, #tpu.memory_space<vmem>>, vector<16xf32>,
    %swap3A_116 = arith.constant 15 : i32
    %swap3A_117 = arith.index_cast %swap3A_116 : i32 to index
    %swap3A_118 = arith.constant 32 : index
    %swap3A_119 = tpu.vector_load %arg6[%swap3A_117, %swap3A_118] {strides = array<i32>} : memref<16x1024xf32, #tpu.memory_space<vmem>>, vector<16xf32>,
    tpu.vector_store %arg6[%swap3A_117, %swap3A_118], %broadcast_in_dim3A_48 {strides = array<i32>} : memref<16x1024xf32, #tpu.memory_space<vmem>>, vector<16xf32>,
    %swap3A_120 = arith.constant 10 : i32
    %swap3A_121 = arith.index_cast %swap3A_120 : i32 to index
    %swap3A_122 = arith.constant 48 : index
    %swap3A_123 = tpu.vector_load %arg6[%swap3A_121, %swap3A_122] {strides = array<i32>} : memref<16x1024xf32, #tpu.memory_space<vmem>>, vector<16xf32>,
    tpu.vector_store %arg6[%swap3A_121, %swap3A_122], %broadcast_in_dim3A_48 {strides = array<i32>} : memref<16x1024xf32, #tpu.memory_space<vmem>>, vector<16xf32>,
    %swap3A_124 = arith.constant 11 : i32
    %swap3A_125 = arith.index_cast %swap3A_124 : i32 to index
    %swap3A_126 = arith.constant 48 : index
    %swap3A_127 = tpu.vector_load %arg6[%swap3A_125, %swap3A_126] {strides = array<i32>} : memref<16x1024xf32, #tpu.memory_space<vmem>>, vector<16xf32>,
    tpu.vector_store %arg6[%swap3A_125, %swap3A_126], %broadcast_in_dim3A_48 {strides = array<i32>} : memref<16x1024xf32, #tpu.memory_space<vmem>>, vector<16xf32>,
    %swap3A_128 = arith.constant 12 : i32
    %swap3A_129 = arith.index_cast %swap3A_128 : i32 to index
    %swap3A_130 = arith.constant 48 : index
    %swap3A_131 = tpu.vector_load %arg6[%swap3A_129, %swap3A_130] {strides = array<i32>} : memref<16x1024xf32, #tpu.memory_space<vmem>>, vector<16xf32>,
    tpu.vector_store %arg6[%swap3A_129, %swap3A_130], %broadcast_in_dim3A_48 {strides = array<i32>} : memref<16x1024xf32, #tpu.memory_space<vmem>>, vector<16xf32>,
    %swap3A_132 = arith.constant 13 : i32
    %swap3A_133 = arith.index_cast %swap3A_132 : i32 to index
    %swap3A_134 = arith.constant 48 : index
    %swap3A_135 = tpu.vector_load %arg6[%swap3A_133, %swap3A_134] {strides = array<i32>} : memref<16x1024xf32, #tpu.memory_space<vmem>>, vector<16xf32>,
    tpu.vector_store %arg6[%swap3A_133, %swap3A_134], %broadcast_in_dim3A_48 {strides = array<i32>} : memref<16x1024xf32, #tpu.memory_space<vmem>>, vector<16xf32>,
    %swap3A_136 = arith.constant 14 : i32
    %swap3A_137 = arith.index_cast %swap3A_136 : i32 to index
    %swap3A_138 = arith.constant 48 : index
    %swap3A_139 = tpu.vector_load %arg6[%swap3A_137, %swap3A_138] {strides = array<i32>} : memref<16x1024xf32, #tpu.memory_space<vmem>>, vector<16xf32>,
    tpu.vector_store %arg6[%swap3A_137, %swap3A_138], %broadcast_in_dim3A_48 {strides = array<i32>} : memref<16x1024xf32, #tpu.memory_space<vmem>>, vector<16xf32>,
    %swap3A_140 = arith.constant 15 : i32
    %swap3A_141 = arith.index_cast %swap3A_140 : i32 to index
    %swap3A_142 = arith.constant 48 : index
    %swap3A_143 = tpu.vector_load %arg6[%swap3A_141, %swap3A_142] {strides = array<i32>} : memref<16x1024xf32, #tpu.memory_space<vmem>>, vector<16xf32>,
    tpu.vector_store %arg6[%swap3A_141, %swap3A_142], %broadcast_in_dim3A_48 {strides = array<i32>} : memref<16x1024xf32, #tpu.memory_space<vmem>>, vector<16xf32>,
    %swap3A_144 = arith.constant 10 : i32
    %swap3A_145 = arith.index_cast %swap3A_144 : i32 to index
    %swap3A_146 = arith.constant 64 : index
    %swap3A_147 = tpu.vector_load %arg6[%swap3A_145, %swap3A_146] {strides = array<i32>} : memref<16x1024xf32, #tpu.memory_space<vmem>>, vector<16xf32>,
    tpu.vector_store %arg6[%swap3A_145, %swap3A_146], %broadcast_in_dim3A_48 {strides = array<i32>} : memref<16x1024xf32, #tpu.memory_space<vmem>>, vector<16xf32>,
    %swap3A_148 = arith.constant 11 : i32
    %swap3A_149 = arith.index_cast %swap3A_148 : i32 to index
    %swap3A_150 = arith.constant 64 : index
    %swap3A_151 = tpu.vector_load %arg6[%swap3A_149, %swap3A_150] {strides = array<i32>} : memref<16x1024xf32, #tpu.memory_space<vmem>>, vector<16xf32>,
    tpu.vector_store %arg6[%swap3A_149, %swap3A_150], %broadcast_in_dim3A_48 {strides = array<i32>} : memref<16x1024xf32, #tpu.memory_space<vmem>>, vector<16xf32>,
    %swap3A_152 = arith.constant 12 : i32
    %swap3A_153 = arith.index_cast %swap3A_152 : i32 to index
    %swap3A_154 = arith.constant 64 : index
    %swap3A_155 = tpu.vector_load %arg6[%swap3A_153, %swap3A_154] {strides = array<i32>} : memref<16x1024xf32, #tpu.memory_space<vmem>>, vector<16xf32>,
    tpu.vector_store %arg6[%swap3A_153, %swap3A_154], %broadcast_in_dim3A_48 {strides = array<i32>} : memref<16x1024xf32, #tpu.memory_space<vmem>>, vector<16xf32>,
    %swap3A_156 = arith.constant 13 : i32
    %swap3A_157 = arith.index_cast %swap3A_156 : i32 to index
    %swap3A_158 = arith.constant 64 : index
    %swap3A_159 = tpu.vector_load %arg6[%swap3A_157, %swap3A_158] {strides = array<i32>} : memref<16x1024xf32, #tpu.memory_space<vmem>>, vector<16xf32>,
    tpu.vector_store %arg6[%swap3A_157, %swap3A_158], %broadcast_in_dim3A_48 {strides = array<i32>} : memref<16x1024xf32, #tpu.memory_space<vmem>>, vector<16xf32>,
    %swap3A_160 = arith.constant 14 : i32
    %swap3A_161 = arith.index_cast %swap3A_160 : i32 to index
    %swap3A_162 = arith.constant 64 : index
    %swap3A_163 = tpu.vector_load %arg6[%swap3A_161, %swap3A_162] {strides = array<i32>} : memref<16x1024xf32, #tpu.memory_space<vmem>>, vector<16xf32>,
    tpu.vector_store %arg6[%swap3A_161, %swap3A_162], %broadcast_in_dim3A_48 {strides = array<i32>} : memref<16x1024xf32, #tpu.memory_space<vmem>>, vector<16xf32>,
    %swap3A_164 = arith.constant 15 : i32
    %swap3A_165 = arith.index_cast %swap3A_164 : i32 to index
    %swap3A_166 = arith.constant 64 : index
    %swap3A_167 = tpu.vector_load %arg6[%swap3A_165, %swap3A_166] {strides = array<i32>} : memref<16x1024xf32, #tpu.memory_space<vmem>>, vector<16xf32>,
    tpu.vector_store %arg6[%swap3A_165, %swap3A_166], %broadcast_in_dim3A_48 {strides = array<i32>} : memref<16x1024xf32, #tpu.memory_space<vmem>>, vector<16xf32>,
    %swap3A_168 = arith.constant 10 : i32
    %swap3A_169 = arith.index_cast %swap3A_168 : i32 to index
    %swap3A_170 = arith.constant 80 : index
    %swap3A_171 = tpu.vector_load %arg6[%swap3A_169, %swap3A_170] {strides = array<i32>} : memref<16x1024xf32, #tpu.memory_space<vmem>>, vector<16xf32>,
    tpu.vector_store %arg6[%swap3A_169, %swap3A_170], %broadcast_in_dim3A_48 {strides = array<i32>} : memref<16x1024xf32, #tpu.memory_space<vmem>>, vector<16xf32>,
    %swap3A_172 = arith.constant 11 : i32
    %swap3A_173 = arith.index_cast %swap3A_172 : i32 to index
    %swap3A_174 = arith.constant 80 : index
    %swap3A_175 = tpu.vector_load %arg6[%swap3A_173, %swap3A_174] {strides = array<i32>} : memref<16x1024xf32, #tpu.memory_space<vmem>>, vector<16xf32>,
    tpu.vector_store %arg6[%swap3A_173, %swap3A_174], %broadcast_in_dim3A_48 {strides = array<i32>} : memref<16x1024xf32, #tpu.memory_space<vmem>>, vector<16xf32>,
    %swap3A_176 = arith.constant 12 : i32
    %swap3A_177 = arith.index_cast %swap3A_176 : i32 to index
    %swap3A_178 = arith.constant 80 : index
    %swap3A_179 = tpu.vector_load %arg6[%swap3A_177, %swap3A_178] {strides = array<i32>} : memref<16x1024xf32, #tpu.memory_space<vmem>>, vector<16xf32>,
    tpu.vector_store %arg6[%swap3A_177, %swap3A_178], %broadcast_in_dim3A_48 {strides = array<i32>} : memref<16x1024xf32, #tpu.memory_space<vmem>>, vector<16xf32>,
    %swap3A_180 = arith.constant 13 : i32
    %swap3A_181 = arith.index_cast %swap3A_180 : i32 to index
    %swap3A_182 = arith.constant 80 : index
    %swap3A_183 = tpu.vector_load %arg6[%swap3A_181, %swap3A_182] {strides = array<i32>} : memref<16x1024xf32, #tpu.memory_space<vmem>>, vector<16xf32>,
    tpu.vector_store %arg6[%swap3A_181, %swap3A_182], %broadcast_in_dim3A_48 {strides = array<i32>} : memref<16x1024xf32, #tpu.memory_space<vmem>>, vector<16xf32>,
    %swap3A_184 = arith.constant 14 : i32
    %swap3A_185 = arith.index_cast %swap3A_184 : i32 to index
    %swap3A_186 = arith.constant 80 : index
    %swap3A_187 = tpu.vector_load %arg6[%swap3A_185, %swap3A_186] {strides = array<i32>} : memref<16x1024xf32, #tpu.memory_space<vmem>>, vector<16xf32>,
    tpu.vector_store %arg6[%swap3A_185, %swap3A_186], %broadcast_in_dim3A_48 {strides = array<i32>} : memref<16x1024xf32, #tpu.memory_space<vmem>>, vector<16xf32>,
    %swap3A_188 = arith.constant 15 : i32
    %swap3A_189 = arith.index_cast %swap3A_188 : i32 to index
    %swap3A_190 = arith.constant 80 : index
    %swap3A_191 = tpu.vector_load %arg6[%swap3A_189, %swap3A_190] {strides = array<i32>} : memref<16x1024xf32, #tpu.memory_space<vmem>>, vector<16xf32>,
    tpu.vector_store %arg6[%swap3A_189, %swap3A_190], %broadcast_in_dim3A_48 {strides = array<i32>} : memref<16x1024xf32, #tpu.memory_space<vmem>>, vector<16xf32>,
    %swap3A_192 = arith.constant 10 : i32
    %swap3A_193 = arith.index_cast %swap3A_192 : i32 to index
    %swap3A_194 = arith.constant 96 : index
    %swap3A_195 = tpu.vector_load %arg6[%swap3A_193, %swap3A_194] {strides = array<i32>} : memref<16x1024xf32, #tpu.memory_space<vmem>>, vector<16xf32>,
    tpu.vector_store %arg6[%swap3A_193, %swap3A_194], %broadcast_in_dim3A_48 {strides = array<i32>} : memref<16x1024xf32, #tpu.memory_space<vmem>>, vector<16xf32>,
    %swap3A_196 = arith.constant 11 : i32
    %swap3A_197 = arith.index_cast %swap3A_196 : i32 to index
    %swap3A_198 = arith.constant 96 : index
    %swap3A_199 = tpu.vector_load %arg6[%swap3A_197, %swap3A_198] {strides = array<i32>} : memref<16x1024xf32, #tpu.memory_space<vmem>>, vector<16xf32>,
    tpu.vector_store %arg6[%swap3A_197, %swap3A_198], %broadcast_in_dim3A_48 {strides = array<i32>} : memref<16x1024xf32, #tpu.memory_space<vmem>>, vector<16xf32>,
    %swap3A_200 = arith.constant 12 : i32
    %swap3A_201 = arith.index_cast %swap3A_200 : i32 to index
    %swap3A_202 = arith.constant 96 : index
    %swap3A_203 = tpu.vector_load %arg6[%swap3A_201, %swap3A_202] {strides = array<i32>} : memref<16x1024xf32, #tpu.memory_space<vmem>>, vector<16xf32>,
    tpu.vector_store %arg6[%swap3A_201, %swap3A_202], %broadcast_in_dim3A_48 {strides = array<i32>} : memref<16x1024xf32, #tpu.memory_space<vmem>>, vector<16xf32>,
    %swap3A_204 = arith.constant 13 : i32
    %swap3A_205 = arith.index_cast %swap3A_204 : i32 to index
    %swap3A_206 = arith.constant 96 : index
    %swap3A_207 = tpu.vector_load %arg6[%swap3A_205, %swap3A_206] {strides = array<i32>} : memref<16x1024xf32, #tpu.memory_space<vmem>>, vector<16xf32>,
    tpu.vector_store %arg6[%swap3A_205, %swap3A_206], %broadcast_in_dim3A_48 {strides = array<i32>} : memref<16x1024xf32, #tpu.memory_space<vmem>>, vector<16xf32>,
    %swap3A_208 = arith.constant 14 : i32
    %swap3A_209 = arith.index_cast %swap3A_208 : i32 to index
    %swap3A_210 = arith.constant 96 : index
    %swap3A_211 = tpu.vector_load %arg6[%swap3A_209, %swap3A_210] {strides = array<i32>} : memref<16x1024xf32, #tpu.memory_space<vmem>>, vector<16xf32>,
    tpu.vector_store %arg6[%swap3A_209, %swap3A_210], %broadcast_in_dim3A_48 {strides = array<i32>} : memref<16x1024xf32, #tpu.memory_space<vmem>>, vector<16xf32>,
    %swap3A_212 = arith.constant 15 : i32
    %swap3A_213 = arith.index_cast %swap3A_212 : i32 to index
    %swap3A_214 = arith.constant 96 : index
    %swap3A_215 = tpu.vector_load %arg6[%swap3A_213, %swap3A_214] {strides = array<i32>} : memref<16x1024xf32, #tpu.memory_space<vmem>>, vector<16xf32>,
    tpu.vector_store %arg6[%swap3A_213, %swap3A_214], %broadcast_in_dim3A_48 {strides = array<i32>} : memref<16x1024xf32, #tpu.memory_space<vmem>>, vector<16xf32>,
    %swap3A_216 = arith.constant 10 : i32
    %swap3A_217 = arith.index_cast %swap3A_216 : i32 to index
    %swap3A_218 = arith.constant 112 : index
    %swap3A_219 = tpu.vector_load %arg6[%swap3A_217, %swap3A_218] {strides = array<i32>} : memref<16x1024xf32, #tpu.memory_space<vmem>>, vector<16xf32>,
    tpu.vector_store %arg6[%swap3A_217, %swap3A_218], %broadcast_in_dim3A_48 {strides = array<i32>} : memref<16x1024xf32, #tpu.memory_space<vmem>>, vector<16xf32>,
    %swap3A_220 = arith.constant 11 : i32
    %swap3A_221 = arith.index_cast %swap3A_220 : i32 to index
    %swap3A_222 = arith.constant 112 : index
    %swap3A_223 = tpu.vector_load %arg6[%swap3A_221, %swap3A_222] {strides = array<i32>} : memref<16x1024xf32, #tpu.memory_space<vmem>>, vector<16xf32>,
    tpu.vector_store %arg6[%swap3A_221, %swap3A_222], %broadcast_in_dim3A_48 {strides = array<i32>} : memref<16x1024xf32, #tpu.memory_space<vmem>>, vector<16xf32>,
    %swap3A_224 = arith.constant 12 : i32
    %swap3A_225 = arith.index_cast %swap3A_224 : i32 to index
    %swap3A_226 = arith.constant 112 : index
    %swap3A_227 = tpu.vector_load %arg6[%swap3A_225, %swap3A_226] {strides = array<i32>} : memref<16x1024xf32, #tpu.memory_space<vmem>>, vector<16xf32>,
    tpu.vector_store %arg6[%swap3A_225, %swap3A_226], %broadcast_in_dim3A_48 {strides = array<i32>} : memref<16x1024xf32, #tpu.memory_space<vmem>>, vector<16xf32>,
    %swap3A_228 = arith.constant 13 : i32
    %swap3A_229 = arith.index_cast %swap3A_228 : i32 to index
    %swap3A_230 = arith.constant 112 : index
    %swap3A_231 = tpu.vector_load %arg6[%swap3A_229, %swap3A_230] {strides = array<i32>} : memref<16x1024xf32, #tpu.memory_space<vmem>>, vector<16xf32>,
    tpu.vector_store %arg6[%swap3A_229, %swap3A_230], %broadcast_in_dim3A_48 {strides = array<i32>} : memref<16x1024xf32, #tpu.memory_space<vmem>>, vector<16xf32>,
    %swap3A_232 = arith.constant 14 : i32
    %swap3A_233 = arith.index_cast %swap3A_232 : i32 to index
    %swap3A_234 = arith.constant 112 : index
    %swap3A_235 = tpu.vector_load %arg6[%swap3A_233, %swap3A_234] {strides = array<i32>} : memref<16x1024xf32, #tpu.memory_space<vmem>>, vector<16xf32>,
    tpu.vector_store %arg6[%swap3A_233, %swap3A_234], %broadcast_in_dim3A_48 {strides = array<i32>} : memref<16x1024xf32, #tpu.memory_space<vmem>>, vector<16xf32>,
    %swap3A_236 = arith.constant 15 : i32
    %swap3A_237 = arith.index_cast %swap3A_236 : i32 to index
    %swap3A_238 = arith.constant 112 : index
    %swap3A_239 = tpu.vector_load %arg6[%swap3A_237, %swap3A_238] {strides = array<i32>} : memref<16x1024xf32, #tpu.memory_space<vmem>>, vector<16xf32>,
    tpu.vector_store %arg6[%swap3A_237, %swap3A_238], %broadcast_in_dim3A_48 {strides = array<i32>} : memref<16x1024xf32, #tpu.memory_space<vmem>>, vector<16xf32>,
    %swap3A_240 = arith.constant 10 : i32
    %swap3A_241 = arith.index_cast %swap3A_240 : i32 to index
    %swap3A_242 = arith.constant 128 : index
    %swap3A_243 = tpu.vector_load %arg6[%swap3A_241, %swap3A_242] {strides = array<i32>} : memref<16x1024xf32, #tpu.memory_space<vmem>>, vector<16xf32>,
    tpu.vector_store %arg6[%swap3A_241, %swap3A_242], %broadcast_in_dim3A_48 {strides = array<i32>} : memref<16x1024xf32, #tpu.memory_space<vmem>>, vector<16xf32>,
    %swap3A_244 = arith.constant 11 : i32
    %swap3A_245 = arith.index_cast %swap3A_244 : i32 to index
    %swap3A_246 = arith.constant 128 : index
    %swap3A_247 = tpu.vector_load %arg6[%swap3A_245, %swap3A_246] {strides = array<i32>} : memref<16x1024xf32, #tpu.memory_space<vmem>>, vector<16xf32>,
    tpu.vector_store %arg6[%swap3A_245, %swap3A_246], %broadcast_in_dim3A_48 {strides = array<i32>} : memref<16x1024xf32, #tpu.memory_space<vmem>>, vector<16xf32>,
    %swap3A_248 = arith.constant 12 : i32
    %swap3A_249 = arith.index_cast %swap3A_248 : i32 to index
    %swap3A_250 = arith.constant 128 : index
    %swap3A_251 = tpu.vector_load %arg6[%swap3A_249, %swap3A_250] {strides = array<i32>} : memref<16x1024xf32, #tpu.memory_space<vmem>>, vector<16xf32>,
    tpu.vector_store %arg6[%swap3A_249, %swap3A_250], %broadcast_in_dim3A_48 {strides = array<i32>} : memref<16x1024xf32, #tpu.memory_space<vmem>>, vector<16xf32>,
    %swap3A_252 = arith.constant 13 : i32
    %swap3A_253 = arith.index_cast %swap3A_252 : i32 to index
    %swap3A_254 = arith.constant 128 : index
    %swap3A_255 = tpu.vector_load %arg6[%swap3A_253, %swap3A_254] {strides = array<i32>} : memref<16x1024xf32, #tpu.memory_space<vmem>>, vector<16xf32>,
    tpu.vector_store %arg6[%swap3A_253, %swap3A_254], %broadcast_in_dim3A_48 {strides = array<i32>} : memref<16x1024xf32, #tpu.memory_space<vmem>>, vector<16xf32>,
    %swap3A_256 = arith.constant 14 : i32
    %swap3A_257 = arith.index_cast %swap3A_256 : i32 to index
    %swap3A_258 = arith.constant 128 : index
    %swap3A_259 = tpu.vector_load %arg6[%swap3A_257, %swap3A_258] {strides = array<i32>} : memref<16x1024xf32, #tpu.memory_space<vmem>>, vector<16xf32>,
    tpu.vector_store %arg6[%swap3A_257, %swap3A_258], %broadcast_in_dim3A_48 {strides = array<i32>} : memref<16x1024xf32, #tpu.memory_space<vmem>>, vector<16xf32>,
    %swap3A_260 = arith.constant 15 : i32
    %swap3A_261 = arith.index_cast %swap3A_260 : i32 to index
    %swap3A_262 = arith.constant 128 : index
    %swap3A_263 = tpu.vector_load %arg6[%swap3A_261, %swap3A_262] {strides = array<i32>} : memref<16x1024xf32, #tpu.memory_space<vmem>>, vector<16xf32>,
    tpu.vector_store %arg6[%swap3A_261, %swap3A_262], %broadcast_in_dim3A_48 {strides = array<i32>} : memref<16x1024xf32, #tpu.memory_space<vmem>>, vector<16xf32>,
    %swap3A_264 = arith.constant 10 : i32
    %swap3A_265 = arith.index_cast %swap3A_264 : i32 to index
    %swap3A_266 = arith.constant 144 : index
    %swap3A_267 = tpu.vector_load %arg6[%swap3A_265, %swap3A_266] {strides = array<i32>} : memref<16x1024xf32, #tpu.memory_space<vmem>>, vector<16xf32>,
    tpu.vector_store %arg6[%swap3A_265, %swap3A_266], %broadcast_in_dim3A_48 {strides = array<i32>} : memref<16x1024xf32, #tpu.memory_space<vmem>>, vector<16xf32>,
    %swap3A_268 = arith.constant 11 : i32
    %swap3A_269 = arith.index_cast %swap3A_268 : i32 to index
    %swap3A_270 = arith.constant 144 : index
    %swap3A_271 = tpu.vector_load %arg6[%swap3A_269, %swap3A_270] {strides = array<i32>} : memref<16x1024xf32, #tpu.memory_space<vmem>>, vector<16xf32>,
    tpu.vector_store %arg6[%swap3A_269, %swap3A_270], %broadcast_in_dim3A_48 {strides = array<i32>} : memref<16x1024xf32, #tpu.memory_space<vmem>>, vector<16xf32>,
    %swap3A_272 = arith.constant 12 : i32
    %swap3A_273 = arith.index_cast %swap3A_272 : i32 to index
    %swap3A_274 = arith.constant 144 : index
    %swap3A_275 = tpu.vector_load %arg6[%swap3A_273, %swap3A_274] {strides = array<i32>} : memref<16x1024xf32, #tpu.memory_space<vmem>>, vector<16xf32>,
    tpu.vector_store %arg6[%swap3A_273, %swap3A_274], %broadcast_in_dim3A_48 {strides = array<i32>} : memref<16x1024xf32, #tpu.memory_space<vmem>>, vector<16xf32>,
    %swap3A_276 = arith.constant 13 : i32
    %swap3A_277 = arith.index_cast %swap3A_276 : i32 to index
    %swap3A_278 = arith.constant 144 : index
    %swap3A_279 = tpu.vector_load %arg6[%swap3A_277, %swap3A_278] {strides = array<i32>} : memref<16x1024xf32, #tpu.memory_space<vmem>>, vector<16xf32>,
    tpu.vector_store %arg6[%swap3A_277, %swap3A_278], %broadcast_in_dim3A_48 {strides = array<i32>} : memref<16x1024xf32, #tpu.memory_space<vmem>>, vector<16xf32>,
    %swap3A_280 = arith.constant 14 : i32
    %swap3A_281 = arith.index_cast %swap3A_280 : i32 to index
    %swap3A_282 = arith.constant 144 : index
    %swap3A_283 = tpu.vector_load %arg6[%swap3A_281, %swap3A_282] {strides = array<i32>} : memref<16x1024xf32, #tpu.memory_space<vmem>>, vector<16xf32>,
    tpu.vector_store %arg6[%swap3A_281, %swap3A_282], %broadcast_in_dim3A_48 {strides = array<i32>} : memref<16x1024xf32, #tpu.memory_space<vmem>>, vector<16xf32>,
    %swap3A_284 = arith.constant 15 : i32
    %swap3A_285 = arith.index_cast %swap3A_284 : i32 to index
    %swap3A_286 = arith.constant 144 : index
    %swap3A_287 = tpu.vector_load %arg6[%swap3A_285, %swap3A_286] {strides = array<i32>} : memref<16x1024xf32, #tpu.memory_space<vmem>>, vector<16xf32>,
    tpu.vector_store %arg6[%swap3A_285, %swap3A_286], %broadcast_in_dim3A_48 {strides = array<i32>} : memref<16x1024xf32, #tpu.memory_space<vmem>>, vector<16xf32>,
    %swap3A_288 = arith.constant 10 : i32
    %swap3A_289 = arith.index_cast %swap3A_288 : i32 to index
    %swap3A_290 = arith.constant 160 : index
    %swap3A_291 = tpu.vector_load %arg6[%swap3A_289, %swap3A_290] {strides = array<i32>} : memref<16x1024xf32, #tpu.memory_space<vmem>>, vector<16xf32>,
    tpu.vector_store %arg6[%swap3A_289, %swap3A_290], %broadcast_in_dim3A_48 {strides = array<i32>} : memref<16x1024xf32, #tpu.memory_space<vmem>>, vector<16xf32>,
    %swap3A_292 = arith.constant 11 : i32
    %swap3A_293 = arith.index_cast %swap3A_292 : i32 to index
    %swap3A_294 = arith.constant 160 : index
    %swap3A_295 = tpu.vector_load %arg6[%swap3A_293, %swap3A_294] {strides = array<i32>} : memref<16x1024xf32, #tpu.memory_space<vmem>>, vector<16xf32>,
    tpu.vector_store %arg6[%swap3A_293, %swap3A_294], %broadcast_in_dim3A_48 {strides = array<i32>} : memref<16x1024xf32, #tpu.memory_space<vmem>>, vector<16xf32>,
    %swap3A_296 = arith.constant 12 : i32
    %swap3A_297 = arith.index_cast %swap3A_296 : i32 to index
    %swap3A_298 = arith.constant 160 : index
    %swap3A_299 = tpu.vector_load %arg6[%swap3A_297, %swap3A_298] {strides = array<i32>} : memref<16x1024xf32, #tpu.memory_space<vmem>>, vector<16xf32>,
    tpu.vector_store %arg6[%swap3A_297, %swap3A_298], %broadcast_in_dim3A_48 {strides = array<i32>} : memref<16x1024xf32, #tpu.memory_space<vmem>>, vector<16xf32>,
    %swap3A_300 = arith.constant 13 : i32
    %swap3A_301 = arith.index_cast %swap3A_300 : i32 to index
    %swap3A_302 = arith.constant 160 : index
    %swap3A_303 = tpu.vector_load %arg6[%swap3A_301, %swap3A_302] {strides = array<i32>} : memref<16x1024xf32, #tpu.memory_space<vmem>>, vector<16xf32>,
    tpu.vector_store %arg6[%swap3A_301, %swap3A_302], %broadcast_in_dim3A_48 {strides = array<i32>} : memref<16x1024xf32, #tpu.memory_space<vmem>>, vector<16xf32>,
    %swap3A_304 = arith.constant 14 : i32
    %swap3A_305 = arith.index_cast %swap3A_304 : i32 to index
    %swap3A_306 = arith.constant 160 : index
    %swap3A_307 = tpu.vector_load %arg6[%swap3A_305, %swap3A_306] {strides = array<i32>} : memref<16x1024xf32, #tpu.memory_space<vmem>>, vector<16xf32>,
    tpu.vector_store %arg6[%swap3A_305, %swap3A_306], %broadcast_in_dim3A_48 {strides = array<i32>} : memref<16x1024xf32, #tpu.memory_space<vmem>>, vector<16xf32>,
    %swap3A_308 = arith.constant 15 : i32
    %swap3A_309 = arith.index_cast %swap3A_308 : i32 to index
    %swap3A_310 = arith.constant 160 : index
    %swap3A_311 = tpu.vector_load %arg6[%swap3A_309, %swap3A_310] {strides = array<i32>} : memref<16x1024xf32, #tpu.memory_space<vmem>>, vector<16xf32>,
    tpu.vector_store %arg6[%swap3A_309, %swap3A_310], %broadcast_in_dim3A_48 {strides = array<i32>} : memref<16x1024xf32, #tpu.memory_space<vmem>>, vector<16xf32>,
    %swap3A_312 = arith.constant 10 : i32
    %swap3A_313 = arith.index_cast %swap3A_312 : i32 to index
    %swap3A_314 = arith.constant 176 : index
    %swap3A_315 = tpu.vector_load %arg6[%swap3A_313, %swap3A_314] {strides = array<i32>} : memref<16x1024xf32, #tpu.memory_space<vmem>>, vector<16xf32>,
    tpu.vector_store %arg6[%swap3A_313, %swap3A_314], %broadcast_in_dim3A_48 {strides = array<i32>} : memref<16x1024xf32, #tpu.memory_space<vmem>>, vector<16xf32>,
    %swap3A_316 = arith.constant 11 : i32
    %swap3A_317 = arith.index_cast %swap3A_316 : i32 to index
    %swap3A_318 = arith.constant 176 : index
    %swap3A_319 = tpu.vector_load %arg6[%swap3A_317, %swap3A_318] {strides = array<i32>} : memref<16x1024xf32, #tpu.memory_space<vmem>>, vector<16xf32>,
    tpu.vector_store %arg6[%swap3A_317, %swap3A_318], %broadcast_in_dim3A_48 {strides = array<i32>} : memref<16x1024xf32, #tpu.memory_space<vmem>>, vector<16xf32>,
    %swap3A_320 = arith.constant 12 : i32
    %swap3A_321 = arith.index_cast %swap3A_320 : i32 to index
    %swap3A_322 = arith.constant 176 : index
    %swap3A_323 = tpu.vector_load %arg6[%swap3A_321, %swap3A_322] {strides = array<i32>} : memref<16x1024xf32, #tpu.memory_space<vmem>>, vector<16xf32>,
    tpu.vector_store %arg6[%swap3A_321, %swap3A_322], %broadcast_in_dim3A_48 {strides = array<i32>} : memref<16x1024xf32, #tpu.memory_space<vmem>>, vector<16xf32>,
    %swap3A_324 = arith.constant 13 : i32
    %swap3A_325 = arith.index_cast %swap3A_324 : i32 to index
    %swap3A_326 = arith.constant 176 : index
    %swap3A_327 = tpu.vector_load %arg6[%swap3A_325, %swap3A_326] {strides = array<i32>} : memref<16x1024xf32, #tpu.memory_space<vmem>>, vector<16xf32>,
    tpu.vector_store %arg6[%swap3A_325, %swap3A_326], %broadcast_in_dim3A_48 {strides = array<i32>} : memref<16x1024xf32, #tpu.memory_space<vmem>>, vector<16xf32>,
    %swap3A_328 = arith.constant 14 : i32
    %swap3A_329 = arith.index_cast %swap3A_328 : i32 to index
    %swap3A_330 = arith.constant 176 : index
    %swap3A_331 = tpu.vector_load %arg6[%swap3A_329, %swap3A_330] {strides = array<i32>} : memref<16x1024xf32, #tpu.memory_space<vmem>>, vector<16xf32>,
    tpu.vector_store %arg6[%swap3A_329, %swap3A_330], %broadcast_in_dim3A_48 {strides = array<i32>} : memref<16x1024xf32, #tpu.memory_space<vmem>>, vector<16xf32>,
    %swap3A_332 = arith.constant 15 : i32
    %swap3A_333 = arith.index_cast %swap3A_332 : i32 to index
    %swap3A_334 = arith.constant 176 : index
    %swap3A_335 = tpu.vector_load %arg6[%swap3A_333, %swap3A_334] {strides = array<i32>} : memref<16x1024xf32, #tpu.memory_space<vmem>>, vector<16xf32>,
    tpu.vector_store %arg6[%swap3A_333, %swap3A_334], %broadcast_in_dim3A_48 {strides = array<i32>} : memref<16x1024xf32, #tpu.memory_space<vmem>>, vector<16xf32>,
    %swap3A_336 = arith.constant 10 : i32
    %swap3A_337 = arith.index_cast %swap3A_336 : i32 to index
    %swap3A_338 = arith.constant 192 : index
    %swap3A_339 = tpu.vector_load %arg6[%swap3A_337, %swap3A_338] {strides = array<i32>} : memref<16x1024xf32, #tpu.memory_space<vmem>>, vector<16xf32>,
    tpu.vector_store %arg6[%swap3A_337, %swap3A_338], %broadcast_in_dim3A_48 {strides = array<i32>} : memref<16x1024xf32, #tpu.memory_space<vmem>>, vector<16xf32>,
    %swap3A_340 = arith.constant 11 : i32
    %swap3A_341 = arith.index_cast %swap3A_340 : i32 to index
    %swap3A_342 = arith.constant 192 : index
    %swap3A_343 = tpu.vector_load %arg6[%swap3A_341, %swap3A_342] {strides = array<i32>} : memref<16x1024xf32, #tpu.memory_space<vmem>>, vector<16xf32>,
    tpu.vector_store %arg6[%swap3A_341, %swap3A_342], %broadcast_in_dim3A_48 {strides = array<i32>} : memref<16x1024xf32, #tpu.memory_space<vmem>>, vector<16xf32>,
    %swap3A_344 = arith.constant 12 : i32
    %swap3A_345 = arith.index_cast %swap3A_344 : i32 to index
    %swap3A_346 = arith.constant 192 : index
    %swap3A_347 = tpu.vector_load %arg6[%swap3A_345, %swap3A_346] {strides = array<i32>} : memref<16x1024xf32, #tpu.memory_space<vmem>>, vector<16xf32>,
    tpu.vector_store %arg6[%swap3A_345, %swap3A_346], %broadcast_in_dim3A_48 {strides = array<i32>} : memref<16x1024xf32, #tpu.memory_space<vmem>>, vector<16xf32>,
    %swap3A_348 = arith.constant 13 : i32
    %swap3A_349 = arith.index_cast %swap3A_348 : i32 to index
    %swap3A_350 = arith.constant 192 : index
    %swap3A_351 = tpu.vector_load %arg6[%swap3A_349, %swap3A_350] {strides = array<i32>} : memref<16x1024xf32, #tpu.memory_space<vmem>>, vector<16xf32>,
    tpu.vector_store %arg6[%swap3A_349, %swap3A_350], %broadcast_in_dim3A_48 {strides = array<i32>} : memref<16x1024xf32, #tpu.memory_space<vmem>>, vector<16xf32>,
    %swap3A_352 = arith.constant 14 : i32
    %swap3A_353 = arith.index_cast %swap3A_352 : i32 to index
    %swap3A_354 = arith.constant 192 : index
    %swap3A_355 = tpu.vector_load %arg6[%swap3A_353, %swap3A_354] {strides = array<i32>} : memref<16x1024xf32, #tpu.memory_space<vmem>>, vector<16xf32>,
    tpu.vector_store %arg6[%swap3A_353, %swap3A_354], %broadcast_in_dim3A_48 {strides = array<i32>} : memref<16x1024xf32, #tpu.memory_space<vmem>>, vector<16xf32>,
    %swap3A_356 = arith.constant 15 : i32
    %swap3A_357 = arith.index_cast %swap3A_356 : i32 to index
    %swap3A_358 = arith.constant 192 : index
    %swap3A_359 = tpu.vector_load %arg6[%swap3A_357, %swap3A_358] {strides = array<i32>} : memref<16x1024xf32, #tpu.memory_space<vmem>>, vector<16xf32>,
    tpu.vector_store %arg6[%swap3A_357, %swap3A_358], %broadcast_in_dim3A_48 {strides = array<i32>} : memref<16x1024xf32, #tpu.memory_space<vmem>>, vector<16xf32>,
    %swap3A_360 = arith.constant 10 : i32
    %swap3A_361 = arith.index_cast %swap3A_360 : i32 to index
    %swap3A_362 = arith.constant 208 : index
    %swap3A_363 = tpu.vector_load %arg6[%swap3A_361, %swap3A_362] {strides = array<i32>} : memref<16x1024xf32, #tpu.memory_space<vmem>>, vector<16xf32>,
    tpu.vector_store %arg6[%swap3A_361, %swap3A_362], %broadcast_in_dim3A_48 {strides = array<i32>} : memref<16x1024xf32, #tpu.memory_space<vmem>>, vector<16xf32>,
    %swap3A_364 = arith.constant 11 : i32
    %swap3A_365 = arith.index_cast %swap3A_364 : i32 to index
    %swap3A_366 = arith.constant 208 : index
    %swap3A_367 = tpu.vector_load %arg6[%swap3A_365, %swap3A_366] {strides = array<i32>} : memref<16x1024xf32, #tpu.memory_space<vmem>>, vector<16xf32>,
    tpu.vector_store %arg6[%swap3A_365, %swap3A_366], %broadcast_in_dim3A_48 {strides = array<i32>} : memref<16x1024xf32, #tpu.memory_space<vmem>>, vector<16xf32>,
    %swap3A_368 = arith.constant 12 : i32
    %swap3A_369 = arith.index_cast %swap3A_368 : i32 to index
    %swap3A_370 = arith.constant 208 : index
    %swap3A_371 = tpu.vector_load %arg6[%swap3A_369, %swap3A_370] {strides = array<i32>} : memref<16x1024xf32, #tpu.memory_space<vmem>>, vector<16xf32>,
    tpu.vector_store %arg6[%swap3A_369, %swap3A_370], %broadcast_in_dim3A_48 {strides = array<i32>} : memref<16x1024xf32, #tpu.memory_space<vmem>>, vector<16xf32>,
    %swap3A_372 = arith.constant 13 : i32
    %swap3A_373 = arith.index_cast %swap3A_372 : i32 to index
    %swap3A_374 = arith.constant 208 : index
    %swap3A_375 = tpu.vector_load %arg6[%swap3A_373, %swap3A_374] {strides = array<i32>} : memref<16x1024xf32, #tpu.memory_space<vmem>>, vector<16xf32>,
    tpu.vector_store %arg6[%swap3A_373, %swap3A_374], %broadcast_in_dim3A_48 {strides = array<i32>} : memref<16x1024xf32, #tpu.memory_space<vmem>>, vector<16xf32>,
    %swap3A_376 = arith.constant 14 : i32
    %swap3A_377 = arith.index_cast %swap3A_376 : i32 to index
    %swap3A_378 = arith.constant 208 : index
    %swap3A_379 = tpu.vector_load %arg6[%swap3A_377, %swap3A_378] {strides = array<i32>} : memref<16x1024xf32, #tpu.memory_space<vmem>>, vector<16xf32>,
    tpu.vector_store %arg6[%swap3A_377, %swap3A_378], %broadcast_in_dim3A_48 {strides = array<i32>} : memref<16x1024xf32, #tpu.memory_space<vmem>>, vector<16xf32>,
    %swap3A_380 = arith.constant 15 : i32
    %swap3A_381 = arith.index_cast %swap3A_380 : i32 to index
    %swap3A_382 = arith.constant 208 : index
    %swap3A_383 = tpu.vector_load %arg6[%swap3A_381, %swap3A_382] {strides = array<i32>} : memref<16x1024xf32, #tpu.memory_space<vmem>>, vector<16xf32>,
    tpu.vector_store %arg6[%swap3A_381, %swap3A_382], %broadcast_in_dim3A_48 {strides = array<i32>} : memref<16x1024xf32, #tpu.memory_space<vmem>>, vector<16xf32>,
    %swap3A_384 = arith.constant 10 : i32
    %swap3A_385 = arith.index_cast %swap3A_384 : i32 to index
    %swap3A_386 = arith.constant 224 : index
    %swap3A_387 = tpu.vector_load %arg6[%swap3A_385, %swap3A_386] {strides = array<i32>} : memref<16x1024xf32, #tpu.memory_space<vmem>>, vector<16xf32>,
    tpu.vector_store %arg6[%swap3A_385, %swap3A_386], %broadcast_in_dim3A_48 {strides = array<i32>} : memref<16x1024xf32, #tpu.memory_space<vmem>>, vector<16xf32>,
    %swap3A_388 = arith.constant 11 : i32
    %swap3A_389 = arith.index_cast %swap3A_388 : i32 to index
    %swap3A_390 = arith.constant 224 : index
    %swap3A_391 = tpu.vector_load %arg6[%swap3A_389, %swap3A_390] {strides = array<i32>} : memref<16x1024xf32, #tpu.memory_space<vmem>>, vector<16xf32>,
    tpu.vector_store %arg6[%swap3A_389, %swap3A_390], %broadcast_in_dim3A_48 {strides = array<i32>} : memref<16x1024xf32, #tpu.memory_space<vmem>>, vector<16xf32>,
    %swap3A_392 = arith.constant 12 : i32
    %swap3A_393 = arith.index_cast %swap3A_392 : i32 to index
    %swap3A_394 = arith.constant 224 : index
    %swap3A_395 = tpu.vector_load %arg6[%swap3A_393, %swap3A_394] {strides = array<i32>} : memref<16x1024xf32, #tpu.memory_space<vmem>>, vector<16xf32>,
    tpu.vector_store %arg6[%swap3A_393, %swap3A_394], %broadcast_in_dim3A_48 {strides = array<i32>} : memref<16x1024xf32, #tpu.memory_space<vmem>>, vector<16xf32>,
    %swap3A_396 = arith.constant 13 : i32
    %swap3A_397 = arith.index_cast %swap3A_396 : i32 to index
    %swap3A_398 = arith.constant 224 : index
    %swap3A_399 = tpu.vector_load %arg6[%swap3A_397, %swap3A_398] {strides = array<i32>} : memref<16x1024xf32, #tpu.memory_space<vmem>>, vector<16xf32>,
    tpu.vector_store %arg6[%swap3A_397, %swap3A_398], %broadcast_in_dim3A_48 {strides = array<i32>} : memref<16x1024xf32, #tpu.memory_space<vmem>>, vector<16xf32>,
    %swap3A_400 = arith.constant 14 : i32
    %swap3A_401 = arith.index_cast %swap3A_400 : i32 to index
    %swap3A_402 = arith.constant 224 : index
    %swap3A_403 = tpu.vector_load %arg6[%swap3A_401, %swap3A_402] {strides = array<i32>} : memref<16x1024xf32, #tpu.memory_space<vmem>>, vector<16xf32>,
    tpu.vector_store %arg6[%swap3A_401, %swap3A_402], %broadcast_in_dim3A_48 {strides = array<i32>} : memref<16x1024xf32, #tpu.memory_space<vmem>>, vector<16xf32>,
    %swap3A_404 = arith.constant 15 : i32
    %swap3A_405 = arith.index_cast %swap3A_404 : i32 to index
    %swap3A_406 = arith.constant 224 : index
    %swap3A_407 = tpu.vector_load %arg6[%swap3A_405, %swap3A_406] {strides = array<i32>} : memref<16x1024xf32, #tpu.memory_space<vmem>>, vector<16xf32>,
    tpu.vector_store %arg6[%swap3A_405, %swap3A_406], %broadcast_in_dim3A_48 {strides = array<i32>} : memref<16x1024xf32, #tpu.memory_space<vmem>>, vector<16xf32>,
    %swap3A_408 = arith.constant 10 : i32
    %swap3A_409 = arith.index_cast %swap3A_408 : i32 to index
    %swap3A_410 = arith.constant 240 : index
    %swap3A_411 = tpu.vector_load %arg6[%swap3A_409, %swap3A_410] {strides = array<i32>} : memref<16x1024xf32, #tpu.memory_space<vmem>>, vector<16xf32>,
    tpu.vector_store %arg6[%swap3A_409, %swap3A_410], %broadcast_in_dim3A_48 {strides = array<i32>} : memref<16x1024xf32, #tpu.memory_space<vmem>>, vector<16xf32>,
    %swap3A_412 = arith.constant 11 : i32
    %swap3A_413 = arith.index_cast %swap3A_412 : i32 to index
    %swap3A_414 = arith.constant 240 : index
    %swap3A_415 = tpu.vector_load %arg6[%swap3A_413, %swap3A_414] {strides = array<i32>} : memref<16x1024xf32, #tpu.memory_space<vmem>>, vector<16xf32>,
    tpu.vector_store %arg6[%swap3A_413, %swap3A_414], %broadcast_in_dim3A_48 {strides = array<i32>} : memref<16x1024xf32, #tpu.memory_space<vmem>>, vector<16xf32>,
    %swap3A_416 = arith.constant 12 : i32
    %swap3A_417 = arith.index_cast %swap3A_416 : i32 to index
    %swap3A_418 = arith.constant 240 : index
    %swap3A_419 = tpu.vector_load %arg6[%swap3A_417, %swap3A_418] {strides = array<i32>} : memref<16x1024xf32, #tpu.memory_space<vmem>>, vector<16xf32>,
    tpu.vector_store %arg6[%swap3A_417, %swap3A_418], %broadcast_in_dim3A_48 {strides = array<i32>} : memref<16x1024xf32, #tpu.memory_space<vmem>>, vector<16xf32>,
    %swap3A_420 = arith.constant 13 : i32
    %swap3A_421 = arith.index_cast %swap3A_420 : i32 to index
    %swap3A_422 = arith.constant 240 : index
    %swap3A_423 = tpu.vector_load %arg6[%swap3A_421, %swap3A_422] {strides = array<i32>} : memref<16x1024xf32, #tpu.memory_space<vmem>>, vector<16xf32>,
    tpu.vector_store %arg6[%swap3A_421, %swap3A_422], %broadcast_in_dim3A_48 {strides = array<i32>} : memref<16x1024xf32, #tpu.memory_space<vmem>>, vector<16xf32>,
    %swap3A_424 = arith.constant 14 : i32
    %swap3A_425 = arith.index_cast %swap3A_424 : i32 to index
    %swap3A_426 = arith.constant 240 : index
    %swap3A_427 = tpu.vector_load %arg6[%swap3A_425, %swap3A_426] {strides = array<i32>} : memref<16x1024xf32, #tpu.memory_space<vmem>>, vector<16xf32>,
    tpu.vector_store %arg6[%swap3A_425, %swap3A_426], %broadcast_in_dim3A_48 {strides = array<i32>} : memref<16x1024xf32, #tpu.memory_space<vmem>>, vector<16xf32>,
    %swap3A_428 = arith.constant 15 : i32
    %swap3A_429 = arith.index_cast %swap3A_428 : i32 to index
    %swap3A_430 = arith.constant 240 : index
    %swap3A_431 = tpu.vector_load %arg6[%swap3A_429, %swap3A_430] {strides = array<i32>} : memref<16x1024xf32, #tpu.memory_space<vmem>>, vector<16xf32>,
    tpu.vector_store %arg6[%swap3A_429, %swap3A_430], %broadcast_in_dim3A_48 {strides = array<i32>} : memref<16x1024xf32, #tpu.memory_space<vmem>>, vector<16xf32>,
    %swap3A_432 = arith.constant 10 : i32
    %swap3A_433 = arith.index_cast %swap3A_432 : i32 to index
    %swap3A_434 = arith.constant 256 : index
    %swap3A_435 = tpu.vector_load %arg6[%swap3A_433, %swap3A_434] {strides = array<i32>} : memref<16x1024xf32, #tpu.memory_space<vmem>>, vector<16xf32>,
    tpu.vector_store %arg6[%swap3A_433, %swap3A_434], %broadcast_in_dim3A_48 {strides = array<i32>} : memref<16x1024xf32, #tpu.memory_space<vmem>>, vector<16xf32>,
    %swap3A_436 = arith.constant 11 : i32
    %swap3A_437 = arith.index_cast %swap3A_436 : i32 to index
    %swap3A_438 = arith.constant 256 : index
    %swap3A_439 = tpu.vector_load %arg6[%swap3A_437, %swap3A_438] {strides = array<i32>} : memref<16x1024xf32, #tpu.memory_space<vmem>>, vector<16xf32>,
    tpu.vector_store %arg6[%swap3A_437, %swap3A_438], %broadcast_in_dim3A_48 {strides = array<i32>} : memref<16x1024xf32, #tpu.memory_space<vmem>>, vector<16xf32>,
    %swap3A_440 = arith.constant 12 : i32
    %swap3A_441 = arith.index_cast %swap3A_440 : i32 to index
    %swap3A_442 = arith.constant 256 : index
    %swap3A_443 = tpu.vector_load %arg6[%swap3A_441, %swap3A_442] {strides = array<i32>} : memref<16x1024xf32, #tpu.memory_space<vmem>>, vector<16xf32>,
    tpu.vector_store %arg6[%swap3A_441, %swap3A_442], %broadcast_in_dim3A_48 {strides = array<i32>} : memref<16x1024xf32, #tpu.memory_space<vmem>>, vector<16xf32>,
    %swap3A_444 = arith.constant 13 : i32
    %swap3A_445 = arith.index_cast %swap3A_444 : i32 to index
    %swap3A_446 = arith.constant 256 : index
    %swap3A_447 = tpu.vector_load %arg6[%swap3A_445, %swap3A_446] {strides = array<i32>} : memref<16x1024xf32, #tpu.memory_space<vmem>>, vector<16xf32>,
    tpu.vector_store %arg6[%swap3A_445, %swap3A_446], %broadcast_in_dim3A_48 {strides = array<i32>} : memref<16x1024xf32, #tpu.memory_space<vmem>>, vector<16xf32>,
    %swap3A_448 = arith.constant 14 : i32
    %swap3A_449 = arith.index_cast %swap3A_448 : i32 to index
    %swap3A_450 = arith.constant 256 : index
    %swap3A_451 = tpu.vector_load %arg6[%swap3A_449, %swap3A_450] {strides = array<i32>} : memref<16x1024xf32, #tpu.memory_space<vmem>>, vector<16xf32>,
    tpu.vector_store %arg6[%swap3A_449, %swap3A_450], %broadcast_in_dim3A_48 {strides = array<i32>} : memref<16x1024xf32, #tpu.memory_space<vmem>>, vector<16xf32>,
    %swap3A_452 = arith.constant 15 : i32
    %swap3A_453 = arith.index_cast %swap3A_452 : i32 to index
    %swap3A_454 = arith.constant 256 : index
    %swap3A_455 = tpu.vector_load %arg6[%swap3A_453, %swap3A_454] {strides = array<i32>} : memref<16x1024xf32, #tpu.memory_space<vmem>>, vector<16xf32>,
    tpu.vector_store %arg6[%swap3A_453, %swap3A_454], %broadcast_in_dim3A_48 {strides = array<i32>} : memref<16x1024xf32, #tpu.memory_space<vmem>>, vector<16xf32>,
    %swap3A_456 = arith.constant 10 : i32
    %swap3A_457 = arith.index_cast %swap3A_456 : i32 to index
    %swap3A_458 = arith.constant 272 : index
    %swap3A_459 = tpu.vector_load %arg6[%swap3A_457, %swap3A_458] {strides = array<i32>} : memref<16x1024xf32, #tpu.memory_space<vmem>>, vector<16xf32>,
    tpu.vector_store %arg6[%swap3A_457, %swap3A_458], %broadcast_in_dim3A_48 {strides = array<i32>} : memref<16x1024xf32, #tpu.memory_space<vmem>>, vector<16xf32>,
    %swap3A_460 = arith.constant 11 : i32
    %swap3A_461 = arith.index_cast %swap3A_460 : i32 to index
    %swap3A_462 = arith.constant 272 : index
    %swap3A_463 = tpu.vector_load %arg6[%swap3A_461, %swap3A_462] {strides = array<i32>} : memref<16x1024xf32, #tpu.memory_space<vmem>>, vector<16xf32>,
    tpu.vector_store %arg6[%swap3A_461, %swap3A_462], %broadcast_in_dim3A_48 {strides = array<i32>} : memref<16x1024xf32, #tpu.memory_space<vmem>>, vector<16xf32>,
    %swap3A_464 = arith.constant 12 : i32
    %swap3A_465 = arith.index_cast %swap3A_464 : i32 to index
    %swap3A_466 = arith.constant 272 : index
    %swap3A_467 = tpu.vector_load %arg6[%swap3A_465, %swap3A_466] {strides = array<i32>} : memref<16x1024xf32, #tpu.memory_space<vmem>>, vector<16xf32>,
    tpu.vector_store %arg6[%swap3A_465, %swap3A_466], %broadcast_in_dim3A_48 {strides = array<i32>} : memref<16x1024xf32, #tpu.memory_space<vmem>>, vector<16xf32>,
    %swap3A_468 = arith.constant 13 : i32
    %swap3A_469 = arith.index_cast %swap3A_468 : i32 to index
    %swap3A_470 = arith.constant 272 : index
    %swap3A_471 = tpu.vector_load %arg6[%swap3A_469, %swap3A_470] {strides = array<i32>} : memref<16x1024xf32, #tpu.memory_space<vmem>>, vector<16xf32>,
    tpu.vector_store %arg6[%swap3A_469, %swap3A_470], %broadcast_in_dim3A_48 {strides = array<i32>} : memref<16x1024xf32, #tpu.memory_space<vmem>>, vector<16xf32>,
    %swap3A_472 = arith.constant 14 : i32
    %swap3A_473 = arith.index_cast %swap3A_472 : i32 to index
    %swap3A_474 = arith.constant 272 : index
    %swap3A_475 = tpu.vector_load %arg6[%swap3A_473, %swap3A_474] {strides = array<i32>} : memref<16x1024xf32, #tpu.memory_space<vmem>>, vector<16xf32>,
    tpu.vector_store %arg6[%swap3A_473, %swap3A_474], %broadcast_in_dim3A_48 {strides = array<i32>} : memref<16x1024xf32, #tpu.memory_space<vmem>>, vector<16xf32>,
    %swap3A_476 = arith.constant 15 : i32
    %swap3A_477 = arith.index_cast %swap3A_476 : i32 to index
    %swap3A_478 = arith.constant 272 : index
    %swap3A_479 = tpu.vector_load %arg6[%swap3A_477, %swap3A_478] {strides = array<i32>} : memref<16x1024xf32, #tpu.memory_space<vmem>>, vector<16xf32>,
    tpu.vector_store %arg6[%swap3A_477, %swap3A_478], %broadcast_in_dim3A_48 {strides = array<i32>} : memref<16x1024xf32, #tpu.memory_space<vmem>>, vector<16xf32>,
    %swap3A_480 = arith.constant 10 : i32
    %swap3A_481 = arith.index_cast %swap3A_480 : i32 to index
    %swap3A_482 = arith.constant 288 : index
    %swap3A_483 = tpu.vector_load %arg6[%swap3A_481, %swap3A_482] {strides = array<i32>} : memref<16x1024xf32, #tpu.memory_space<vmem>>, vector<16xf32>,
    tpu.vector_store %arg6[%swap3A_481, %swap3A_482], %broadcast_in_dim3A_48 {strides = array<i32>} : memref<16x1024xf32, #tpu.memory_space<vmem>>, vector<16xf32>,
    %swap3A_484 = arith.constant 11 : i32
    %swap3A_485 = arith.index_cast %swap3A_484 : i32 to index
    %swap3A_486 = arith.constant 288 : index
    %swap3A_487 = tpu.vector_load %arg6[%swap3A_485, %swap3A_486] {strides = array<i32>} : memref<16x1024xf32, #tpu.memory_space<vmem>>, vector<16xf32>,
    tpu.vector_store %arg6[%swap3A_485, %swap3A_486], %broadcast_in_dim3A_48 {strides = array<i32>} : memref<16x1024xf32, #tpu.memory_space<vmem>>, vector<16xf32>,
    %swap3A_488 = arith.constant 12 : i32
    %swap3A_489 = arith.index_cast %swap3A_488 : i32 to index
    %swap3A_490 = arith.constant 288 : index
    %swap3A_491 = tpu.vector_load %arg6[%swap3A_489, %swap3A_490] {strides = array<i32>} : memref<16x1024xf32, #tpu.memory_space<vmem>>, vector<16xf32>,
    tpu.vector_store %arg6[%swap3A_489, %swap3A_490], %broadcast_in_dim3A_48 {strides = array<i32>} : memref<16x1024xf32, #tpu.memory_space<vmem>>, vector<16xf32>,
    %swap3A_492 = arith.constant 13 : i32
    %swap3A_493 = arith.index_cast %swap3A_492 : i32 to index
    %swap3A_494 = arith.constant 288 : index
    %swap3A_495 = tpu.vector_load %arg6[%swap3A_493, %swap3A_494] {strides = array<i32>} : memref<16x1024xf32, #tpu.memory_space<vmem>>, vector<16xf32>,
    tpu.vector_store %arg6[%swap3A_493, %swap3A_494], %broadcast_in_dim3A_48 {strides = array<i32>} : memref<16x1024xf32, #tpu.memory_space<vmem>>, vector<16xf32>,
    %swap3A_496 = arith.constant 14 : i32
    %swap3A_497 = arith.index_cast %swap3A_496 : i32 to index
    %swap3A_498 = arith.constant 288 : index
    %swap3A_499 = tpu.vector_load %arg6[%swap3A_497, %swap3A_498] {strides = array<i32>} : memref<16x1024xf32, #tpu.memory_space<vmem>>, vector<16xf32>,
    tpu.vector_store %arg6[%swap3A_497, %swap3A_498], %broadcast_in_dim3A_48 {strides = array<i32>} : memref<16x1024xf32, #tpu.memory_space<vmem>>, vector<16xf32>,
    %swap3A_500 = arith.constant 15 : i32
    %swap3A_501 = arith.index_cast %swap3A_500 : i32 to index
    %swap3A_502 = arith.constant 288 : index
    %swap3A_503 = tpu.vector_load %arg6[%swap3A_501, %swap3A_502] {strides = array<i32>} : memref<16x1024xf32, #tpu.memory_space<vmem>>, vector<16xf32>,
    tpu.vector_store %arg6[%swap3A_501, %swap3A_502], %broadcast_in_dim3A_48 {strides = array<i32>} : memref<16x1024xf32, #tpu.memory_space<vmem>>, vector<16xf32>,
    %swap3A_504 = arith.constant 10 : i32
    %swap3A_505 = arith.index_cast %swap3A_504 : i32 to index
    %swap3A_506 = arith.constant 304 : index
    %swap3A_507 = tpu.vector_load %arg6[%swap3A_505, %swap3A_506] {strides = array<i32>} : memref<16x1024xf32, #tpu.memory_space<vmem>>, vector<16xf32>,
    tpu.vector_store %arg6[%swap3A_505, %swap3A_506], %broadcast_in_dim3A_48 {strides = array<i32>} : memref<16x1024xf32, #tpu.memory_space<vmem>>, vector<16xf32>,
    %swap3A_508 = arith.constant 11 : i32
    %swap3A_509 = arith.index_cast %swap3A_508 : i32 to index
    %swap3A_510 = arith.constant 304 : index
    %swap3A_511 = tpu.vector_load %arg6[%swap3A_509, %swap3A_510] {strides = array<i32>} : memref<16x1024xf32, #tpu.memory_space<vmem>>, vector<16xf32>,
    tpu.vector_store %arg6[%swap3A_509, %swap3A_510], %broadcast_in_dim3A_48 {strides = array<i32>} : memref<16x1024xf32, #tpu.memory_space<vmem>>, vector<16xf32>,
    %swap3A_512 = arith.constant 12 : i32
    %swap3A_513 = arith.index_cast %swap3A_512 : i32 to index
    %swap3A_514 = arith.constant 304 : index
    %swap3A_515 = tpu.vector_load %arg6[%swap3A_513, %swap3A_514] {strides = array<i32>} : memref<16x1024xf32, #tpu.memory_space<vmem>>, vector<16xf32>,
    tpu.vector_store %arg6[%swap3A_513, %swap3A_514], %broadcast_in_dim3A_48 {strides = array<i32>} : memref<16x1024xf32, #tpu.memory_space<vmem>>, vector<16xf32>,
    %swap3A_516 = arith.constant 13 : i32
    %swap3A_517 = arith.index_cast %swap3A_516 : i32 to index
    %swap3A_518 = arith.constant 304 : index
    %swap3A_519 = tpu.vector_load %arg6[%swap3A_517, %swap3A_518] {strides = array<i32>} : memref<16x1024xf32, #tpu.memory_space<vmem>>, vector<16xf32>,
    tpu.vector_store %arg6[%swap3A_517, %swap3A_518], %broadcast_in_dim3A_48 {strides = array<i32>} : memref<16x1024xf32, #tpu.memory_space<vmem>>, vector<16xf32>,
    %swap3A_520 = arith.constant 14 : i32
    %swap3A_521 = arith.index_cast %swap3A_520 : i32 to index
    %swap3A_522 = arith.constant 304 : index
    %swap3A_523 = tpu.vector_load %arg6[%swap3A_521, %swap3A_522] {strides = array<i32>} : memref<16x1024xf32, #tpu.memory_space<vmem>>, vector<16xf32>,
    tpu.vector_store %arg6[%swap3A_521, %swap3A_522], %broadcast_in_dim3A_48 {strides = array<i32>} : memref<16x1024xf32, #tpu.memory_space<vmem>>, vector<16xf32>,
    %swap3A_524 = arith.constant 15 : i32
    %swap3A_525 = arith.index_cast %swap3A_524 : i32 to index
    %swap3A_526 = arith.constant 304 : index
    %swap3A_527 = tpu.vector_load %arg6[%swap3A_525, %swap3A_526] {strides = array<i32>} : memref<16x1024xf32, #tpu.memory_space<vmem>>, vector<16xf32>,
    tpu.vector_store %arg6[%swap3A_525, %swap3A_526], %broadcast_in_dim3A_48 {strides = array<i32>} : memref<16x1024xf32, #tpu.memory_space<vmem>>, vector<16xf32>,
    %swap3A_528 = arith.constant 10 : i32
    %swap3A_529 = arith.index_cast %swap3A_528 : i32 to index
    %swap3A_530 = arith.constant 320 : index
    %swap3A_531 = tpu.vector_load %arg6[%swap3A_529, %swap3A_530] {strides = array<i32>} : memref<16x1024xf32, #tpu.memory_space<vmem>>, vector<16xf32>,
    tpu.vector_store %arg6[%swap3A_529, %swap3A_530], %broadcast_in_dim3A_48 {strides = array<i32>} : memref<16x1024xf32, #tpu.memory_space<vmem>>, vector<16xf32>,
    %swap3A_532 = arith.constant 11 : i32
    %swap3A_533 = arith.index_cast %swap3A_532 : i32 to index
    %swap3A_534 = arith.constant 320 : index
    %swap3A_535 = tpu.vector_load %arg6[%swap3A_533, %swap3A_534] {strides = array<i32>} : memref<16x1024xf32, #tpu.memory_space<vmem>>, vector<16xf32>,
    tpu.vector_store %arg6[%swap3A_533, %swap3A_534], %broadcast_in_dim3A_48 {strides = array<i32>} : memref<16x1024xf32, #tpu.memory_space<vmem>>, vector<16xf32>,
    %swap3A_536 = arith.constant 12 : i32
    %swap3A_537 = arith.index_cast %swap3A_536 : i32 to index
    %swap3A_538 = arith.constant 320 : index
    %swap3A_539 = tpu.vector_load %arg6[%swap3A_537, %swap3A_538] {strides = array<i32>} : memref<16x1024xf32, #tpu.memory_space<vmem>>, vector<16xf32>,
    tpu.vector_store %arg6[%swap3A_537, %swap3A_538], %broadcast_in_dim3A_48 {strides = array<i32>} : memref<16x1024xf32, #tpu.memory_space<vmem>>, vector<16xf32>,
    %swap3A_540 = arith.constant 13 : i32
    %swap3A_541 = arith.index_cast %swap3A_540 : i32 to index
    %swap3A_542 = arith.constant 320 : index
    %swap3A_543 = tpu.vector_load %arg6[%swap3A_541, %swap3A_542] {strides = array<i32>} : memref<16x1024xf32, #tpu.memory_space<vmem>>, vector<16xf32>,
    tpu.vector_store %arg6[%swap3A_541, %swap3A_542], %broadcast_in_dim3A_48 {strides = array<i32>} : memref<16x1024xf32, #tpu.memory_space<vmem>>, vector<16xf32>,
    %swap3A_544 = arith.constant 14 : i32
    %swap3A_545 = arith.index_cast %swap3A_544 : i32 to index
    %swap3A_546 = arith.constant 320 : index
    %swap3A_547 = tpu.vector_load %arg6[%swap3A_545, %swap3A_546] {strides = array<i32>} : memref<16x1024xf32, #tpu.memory_space<vmem>>, vector<16xf32>,
    tpu.vector_store %arg6[%swap3A_545, %swap3A_546], %broadcast_in_dim3A_48 {strides = array<i32>} : memref<16x1024xf32, #tpu.memory_space<vmem>>, vector<16xf32>,
    %swap3A_548 = arith.constant 15 : i32
    %swap3A_549 = arith.index_cast %swap3A_548 : i32 to index
    %swap3A_550 = arith.constant 320 : index
    %swap3A_551 = tpu.vector_load %arg6[%swap3A_549, %swap3A_550] {strides = array<i32>} : memref<16x1024xf32, #tpu.memory_space<vmem>>, vector<16xf32>,
    tpu.vector_store %arg6[%swap3A_549, %swap3A_550], %broadcast_in_dim3A_48 {strides = array<i32>} : memref<16x1024xf32, #tpu.memory_space<vmem>>, vector<16xf32>,
    %swap3A_552 = arith.constant 10 : i32
    %swap3A_553 = arith.index_cast %swap3A_552 : i32 to index
    %swap3A_554 = arith.constant 336 : index
    %swap3A_555 = tpu.vector_load %arg6[%swap3A_553, %swap3A_554] {strides = array<i32>} : memref<16x1024xf32, #tpu.memory_space<vmem>>, vector<16xf32>,
    tpu.vector_store %arg6[%swap3A_553, %swap3A_554], %broadcast_in_dim3A_48 {strides = array<i32>} : memref<16x1024xf32, #tpu.memory_space<vmem>>, vector<16xf32>,
    %swap3A_556 = arith.constant 11 : i32
    %swap3A_557 = arith.index_cast %swap3A_556 : i32 to index
    %swap3A_558 = arith.constant 336 : index
    %swap3A_559 = tpu.vector_load %arg6[%swap3A_557, %swap3A_558] {strides = array<i32>} : memref<16x1024xf32, #tpu.memory_space<vmem>>, vector<16xf32>,
    tpu.vector_store %arg6[%swap3A_557, %swap3A_558], %broadcast_in_dim3A_48 {strides = array<i32>} : memref<16x1024xf32, #tpu.memory_space<vmem>>, vector<16xf32>,
    %swap3A_560 = arith.constant 12 : i32
    %swap3A_561 = arith.index_cast %swap3A_560 : i32 to index
    %swap3A_562 = arith.constant 336 : index
    %swap3A_563 = tpu.vector_load %arg6[%swap3A_561, %swap3A_562] {strides = array<i32>} : memref<16x1024xf32, #tpu.memory_space<vmem>>, vector<16xf32>,
    tpu.vector_store %arg6[%swap3A_561, %swap3A_562], %broadcast_in_dim3A_48 {strides = array<i32>} : memref<16x1024xf32, #tpu.memory_space<vmem>>, vector<16xf32>,
    %swap3A_564 = arith.constant 13 : i32
    %swap3A_565 = arith.index_cast %swap3A_564 : i32 to index
    %swap3A_566 = arith.constant 336 : index
    %swap3A_567 = tpu.vector_load %arg6[%swap3A_565, %swap3A_566] {strides = array<i32>} : memref<16x1024xf32, #tpu.memory_space<vmem>>, vector<16xf32>,
    tpu.vector_store %arg6[%swap3A_565, %swap3A_566], %broadcast_in_dim3A_48 {strides = array<i32>} : memref<16x1024xf32, #tpu.memory_space<vmem>>, vector<16xf32>,
    %swap3A_568 = arith.constant 14 : i32
    %swap3A_569 = arith.index_cast %swap3A_568 : i32 to index
    %swap3A_570 = arith.constant 336 : index
    %swap3A_571 = tpu.vector_load %arg6[%swap3A_569, %swap3A_570] {strides = array<i32>} : memref<16x1024xf32, #tpu.memory_space<vmem>>, vector<16xf32>,
    tpu.vector_store %arg6[%swap3A_569, %swap3A_570], %broadcast_in_dim3A_48 {strides = array<i32>} : memref<16x1024xf32, #tpu.memory_space<vmem>>, vector<16xf32>,
    %swap3A_572 = arith.constant 15 : i32
    %swap3A_573 = arith.index_cast %swap3A_572 : i32 to index
    %swap3A_574 = arith.constant 336 : index
    %swap3A_575 = tpu.vector_load %arg6[%swap3A_573, %swap3A_574] {strides = array<i32>} : memref<16x1024xf32, #tpu.memory_space<vmem>>, vector<16xf32>,
    tpu.vector_store %arg6[%swap3A_573, %swap3A_574], %broadcast_in_dim3A_48 {strides = array<i32>} : memref<16x1024xf32, #tpu.memory_space<vmem>>, vector<16xf32>,
    %swap3A_576 = arith.constant 10 : i32
    %swap3A_577 = arith.index_cast %swap3A_576 : i32 to index
    %swap3A_578 = arith.constant 352 : index
    %swap3A_579 = tpu.vector_load %arg6[%swap3A_577, %swap3A_578] {strides = array<i32>} : memref<16x1024xf32, #tpu.memory_space<vmem>>, vector<16xf32>,
    tpu.vector_store %arg6[%swap3A_577, %swap3A_578], %broadcast_in_dim3A_48 {strides = array<i32>} : memref<16x1024xf32, #tpu.memory_space<vmem>>, vector<16xf32>,
    %swap3A_580 = arith.constant 11 : i32
    %swap3A_581 = arith.index_cast %swap3A_580 : i32 to index
    %swap3A_582 = arith.constant 352 : index
    %swap3A_583 = tpu.vector_load %arg6[%swap3A_581, %swap3A_582] {strides = array<i32>} : memref<16x1024xf32, #tpu.memory_space<vmem>>, vector<16xf32>,
    tpu.vector_store %arg6[%swap3A_581, %swap3A_582], %broadcast_in_dim3A_48 {strides = array<i32>} : memref<16x1024xf32, #tpu.memory_space<vmem>>, vector<16xf32>,
    %swap3A_584 = arith.constant 12 : i32
    %swap3A_585 = arith.index_cast %swap3A_584 : i32 to index
    %swap3A_586 = arith.constant 352 : index
    %swap3A_587 = tpu.vector_load %arg6[%swap3A_585, %swap3A_586] {strides = array<i32>} : memref<16x1024xf32, #tpu.memory_space<vmem>>, vector<16xf32>,
    tpu.vector_store %arg6[%swap3A_585, %swap3A_586], %broadcast_in_dim3A_48 {strides = array<i32>} : memref<16x1024xf32, #tpu.memory_space<vmem>>, vector<16xf32>,
    %swap3A_588 = arith.constant 13 : i32
    %swap3A_589 = arith.index_cast %swap3A_588 : i32 to index
    %swap3A_590 = arith.constant 352 : index
    %swap3A_591 = tpu.vector_load %arg6[%swap3A_589, %swap3A_590] {strides = array<i32>} : memref<16x1024xf32, #tpu.memory_space<vmem>>, vector<16xf32>,
    tpu.vector_store %arg6[%swap3A_589, %swap3A_590], %broadcast_in_dim3A_48 {strides = array<i32>} : memref<16x1024xf32, #tpu.memory_space<vmem>>, vector<16xf32>,
    %swap3A_592 = arith.constant 14 : i32
    %swap3A_593 = arith.index_cast %swap3A_592 : i32 to index
    %swap3A_594 = arith.constant 352 : index
    %swap3A_595 = tpu.vector_load %arg6[%swap3A_593, %swap3A_594] {strides = array<i32>} : memref<16x1024xf32, #tpu.memory_space<vmem>>, vector<16xf32>,
    tpu.vector_store %arg6[%swap3A_593, %swap3A_594], %broadcast_in_dim3A_48 {strides = array<i32>} : memref<16x1024xf32, #tpu.memory_space<vmem>>, vector<16xf32>,
    %swap3A_596 = arith.constant 15 : i32
    %swap3A_597 = arith.index_cast %swap3A_596 : i32 to index
    %swap3A_598 = arith.constant 352 : index
    %swap3A_599 = tpu.vector_load %arg6[%swap3A_597, %swap3A_598] {strides = array<i32>} : memref<16x1024xf32, #tpu.memory_space<vmem>>, vector<16xf32>,
    tpu.vector_store %arg6[%swap3A_597, %swap3A_598], %broadcast_in_dim3A_48 {strides = array<i32>} : memref<16x1024xf32, #tpu.memory_space<vmem>>, vector<16xf32>,
    %swap3A_600 = arith.constant 10 : i32
    %swap3A_601 = arith.index_cast %swap3A_600 : i32 to index
    %swap3A_602 = arith.constant 368 : index
    %swap3A_603 = tpu.vector_load %arg6[%swap3A_601, %swap3A_602] {strides = array<i32>} : memref<16x1024xf32, #tpu.memory_space<vmem>>, vector<16xf32>,
    tpu.vector_store %arg6[%swap3A_601, %swap3A_602], %broadcast_in_dim3A_48 {strides = array<i32>} : memref<16x1024xf32, #tpu.memory_space<vmem>>, vector<16xf32>,
    %swap3A_604 = arith.constant 11 : i32
    %swap3A_605 = arith.index_cast %swap3A_604 : i32 to index
    %swap3A_606 = arith.constant 368 : index
    %swap3A_607 = tpu.vector_load %arg6[%swap3A_605, %swap3A_606] {strides = array<i32>} : memref<16x1024xf32, #tpu.memory_space<vmem>>, vector<16xf32>,
    tpu.vector_store %arg6[%swap3A_605, %swap3A_606], %broadcast_in_dim3A_48 {strides = array<i32>} : memref<16x1024xf32, #tpu.memory_space<vmem>>, vector<16xf32>,
    %swap3A_608 = arith.constant 12 : i32
    %swap3A_609 = arith.index_cast %swap3A_608 : i32 to index
    %swap3A_610 = arith.constant 368 : index
    %swap3A_611 = tpu.vector_load %arg6[%swap3A_609, %swap3A_610] {strides = array<i32>} : memref<16x1024xf32, #tpu.memory_space<vmem>>, vector<16xf32>,
    tpu.vector_store %arg6[%swap3A_609, %swap3A_610], %broadcast_in_dim3A_48 {strides = array<i32>} : memref<16x1024xf32, #tpu.memory_space<vmem>>, vector<16xf32>,
    %swap3A_612 = arith.constant 13 : i32
    %swap3A_613 = arith.index_cast %swap3A_612 : i32 to index
    %swap3A_614 = arith.constant 368 : index
    %swap3A_615 = tpu.vector_load %arg6[%swap3A_613, %swap3A_614] {strides = array<i32>} : memref<16x1024xf32, #tpu.memory_space<vmem>>, vector<16xf32>,
    tpu.vector_store %arg6[%swap3A_613, %swap3A_614], %broadcast_in_dim3A_48 {strides = array<i32>} : memref<16x1024xf32, #tpu.memory_space<vmem>>, vector<16xf32>,
    %swap3A_616 = arith.constant 14 : i32
    %swap3A_617 = arith.index_cast %swap3A_616 : i32 to index
    %swap3A_618 = arith.constant 368 : index
    %swap3A_619 = tpu.vector_load %arg6[%swap3A_617, %swap3A_618] {strides = array<i32>} : memref<16x1024xf32, #tpu.memory_space<vmem>>, vector<16xf32>,
    tpu.vector_store %arg6[%swap3A_617, %swap3A_618], %broadcast_in_dim3A_48 {strides = array<i32>} : memref<16x1024xf32, #tpu.memory_space<vmem>>, vector<16xf32>,
    %swap3A_620 = arith.constant 15 : i32
    %swap3A_621 = arith.index_cast %swap3A_620 : i32 to index
    %swap3A_622 = arith.constant 368 : index
    %swap3A_623 = tpu.vector_load %arg6[%swap3A_621, %swap3A_622] {strides = array<i32>} : memref<16x1024xf32, #tpu.memory_space<vmem>>, vector<16xf32>,
    tpu.vector_store %arg6[%swap3A_621, %swap3A_622], %broadcast_in_dim3A_48 {strides = array<i32>} : memref<16x1024xf32, #tpu.memory_space<vmem>>, vector<16xf32>,
    %swap3A_624 = arith.constant 10 : i32
    %swap3A_625 = arith.index_cast %swap3A_624 : i32 to index
    %swap3A_626 = arith.constant 384 : index
    %swap3A_627 = tpu.vector_load %arg6[%swap3A_625, %swap3A_626] {strides = array<i32>} : memref<16x1024xf32, #tpu.memory_space<vmem>>, vector<16xf32>,
    tpu.vector_store %arg6[%swap3A_625, %swap3A_626], %broadcast_in_dim3A_48 {strides = array<i32>} : memref<16x1024xf32, #tpu.memory_space<vmem>>, vector<16xf32>,
    %swap3A_628 = arith.constant 11 : i32
    %swap3A_629 = arith.index_cast %swap3A_628 : i32 to index
    %swap3A_630 = arith.constant 384 : index
    %swap3A_631 = tpu.vector_load %arg6[%swap3A_629, %swap3A_630] {strides = array<i32>} : memref<16x1024xf32, #tpu.memory_space<vmem>>, vector<16xf32>,
    tpu.vector_store %arg6[%swap3A_629, %swap3A_630], %broadcast_in_dim3A_48 {strides = array<i32>} : memref<16x1024xf32, #tpu.memory_space<vmem>>, vector<16xf32>,
    %swap3A_632 = arith.constant 12 : i32
    %swap3A_633 = arith.index_cast %swap3A_632 : i32 to index
    %swap3A_634 = arith.constant 384 : index
    %swap3A_635 = tpu.vector_load %arg6[%swap3A_633, %swap3A_634] {strides = array<i32>} : memref<16x1024xf32, #tpu.memory_space<vmem>>, vector<16xf32>,
    tpu.vector_store %arg6[%swap3A_633, %swap3A_634], %broadcast_in_dim3A_48 {strides = array<i32>} : memref<16x1024xf32, #tpu.memory_space<vmem>>, vector<16xf32>,
    %swap3A_636 = arith.constant 13 : i32
    %swap3A_637 = arith.index_cast %swap3A_636 : i32 to index
    %swap3A_638 = arith.constant 384 : index
    %swap3A_639 = tpu.vector_load %arg6[%swap3A_637, %swap3A_638] {strides = array<i32>} : memref<16x1024xf32, #tpu.memory_space<vmem>>, vector<16xf32>,
    tpu.vector_store %arg6[%swap3A_637, %swap3A_638], %broadcast_in_dim3A_48 {strides = array<i32>} : memref<16x1024xf32, #tpu.memory_space<vmem>>, vector<16xf32>,
    %swap3A_640 = arith.constant 14 : i32
    %swap3A_641 = arith.index_cast %swap3A_640 : i32 to index
    %swap3A_642 = arith.constant 384 : index
    %swap3A_643 = tpu.vector_load %arg6[%swap3A_641, %swap3A_642] {strides = array<i32>} : memref<16x1024xf32, #tpu.memory_space<vmem>>, vector<16xf32>,
    tpu.vector_store %arg6[%swap3A_641, %swap3A_642], %broadcast_in_dim3A_48 {strides = array<i32>} : memref<16x1024xf32, #tpu.memory_space<vmem>>, vector<16xf32>,
    %swap3A_644 = arith.constant 15 : i32
    %swap3A_645 = arith.index_cast %swap3A_644 : i32 to index
    %swap3A_646 = arith.constant 384 : index
    %swap3A_647 = tpu.vector_load %arg6[%swap3A_645, %swap3A_646] {strides = array<i32>} : memref<16x1024xf32, #tpu.memory_space<vmem>>, vector<16xf32>,
    tpu.vector_store %arg6[%swap3A_645, %swap3A_646], %broadcast_in_dim3A_48 {strides = array<i32>} : memref<16x1024xf32, #tpu.memory_space<vmem>>, vector<16xf32>,
    %swap3A_648 = arith.constant 10 : i32
    %swap3A_649 = arith.index_cast %swap3A_648 : i32 to index
    %swap3A_650 = arith.constant 400 : index
    %swap3A_651 = tpu.vector_load %arg6[%swap3A_649, %swap3A_650] {strides = array<i32>} : memref<16x1024xf32, #tpu.memory_space<vmem>>, vector<16xf32>,
    tpu.vector_store %arg6[%swap3A_649, %swap3A_650], %broadcast_in_dim3A_48 {strides = array<i32>} : memref<16x1024xf32, #tpu.memory_space<vmem>>, vector<16xf32>,
    %swap3A_652 = arith.constant 11 : i32
    %swap3A_653 = arith.index_cast %swap3A_652 : i32 to index
    %swap3A_654 = arith.constant 400 : index
    %swap3A_655 = tpu.vector_load %arg6[%swap3A_653, %swap3A_654] {strides = array<i32>} : memref<16x1024xf32, #tpu.memory_space<vmem>>, vector<16xf32>,
    tpu.vector_store %arg6[%swap3A_653, %swap3A_654], %broadcast_in_dim3A_48 {strides = array<i32>} : memref<16x1024xf32, #tpu.memory_space<vmem>>, vector<16xf32>,
    %swap3A_656 = arith.constant 12 : i32
    %swap3A_657 = arith.index_cast %swap3A_656 : i32 to index
    %swap3A_658 = arith.constant 400 : index
    %swap3A_659 = tpu.vector_load %arg6[%swap3A_657, %swap3A_658] {strides = array<i32>} : memref<16x1024xf32, #tpu.memory_space<vmem>>, vector<16xf32>,
    tpu.vector_store %arg6[%swap3A_657, %swap3A_658], %broadcast_in_dim3A_48 {strides = array<i32>} : memref<16x1024xf32, #tpu.memory_space<vmem>>, vector<16xf32>,
    %swap3A_660 = arith.constant 13 : i32
    %swap3A_661 = arith.index_cast %swap3A_660 : i32 to index
    %swap3A_662 = arith.constant 400 : index
    %swap3A_663 = tpu.vector_load %arg6[%swap3A_661, %swap3A_662] {strides = array<i32>} : memref<16x1024xf32, #tpu.memory_space<vmem>>, vector<16xf32>,
    tpu.vector_store %arg6[%swap3A_661, %swap3A_662], %broadcast_in_dim3A_48 {strides = array<i32>} : memref<16x1024xf32, #tpu.memory_space<vmem>>, vector<16xf32>,
    %swap3A_664 = arith.constant 14 : i32
    %swap3A_665 = arith.index_cast %swap3A_664 : i32 to index
    %swap3A_666 = arith.constant 400 : index
    %swap3A_667 = tpu.vector_load %arg6[%swap3A_665, %swap3A_666] {strides = array<i32>} : memref<16x1024xf32, #tpu.memory_space<vmem>>, vector<16xf32>,
    tpu.vector_store %arg6[%swap3A_665, %swap3A_666], %broadcast_in_dim3A_48 {strides = array<i32>} : memref<16x1024xf32, #tpu.memory_space<vmem>>, vector<16xf32>,
    %swap3A_668 = arith.constant 15 : i32
    %swap3A_669 = arith.index_cast %swap3A_668 : i32 to index
    %swap3A_670 = arith.constant 400 : index
    %swap3A_671 = tpu.vector_load %arg6[%swap3A_669, %swap3A_670] {strides = array<i32>} : memref<16x1024xf32, #tpu.memory_space<vmem>>, vector<16xf32>,
    tpu.vector_store %arg6[%swap3A_669, %swap3A_670], %broadcast_in_dim3A_48 {strides = array<i32>} : memref<16x1024xf32, #tpu.memory_space<vmem>>, vector<16xf32>,
    %swap3A_672 = arith.constant 10 : i32
    %swap3A_673 = arith.index_cast %swap3A_672 : i32 to index
    %swap3A_674 = arith.constant 416 : index
    %swap3A_675 = tpu.vector_load %arg6[%swap3A_673, %swap3A_674] {strides = array<i32>} : memref<16x1024xf32, #tpu.memory_space<vmem>>, vector<16xf32>,
    tpu.vector_store %arg6[%swap3A_673, %swap3A_674], %broadcast_in_dim3A_48 {strides = array<i32>} : memref<16x1024xf32, #tpu.memory_space<vmem>>, vector<16xf32>,
    %swap3A_676 = arith.constant 11 : i32
    %swap3A_677 = arith.index_cast %swap3A_676 : i32 to index
    %swap3A_678 = arith.constant 416 : index
    %swap3A_679 = tpu.vector_load %arg6[%swap3A_677, %swap3A_678] {strides = array<i32>} : memref<16x1024xf32, #tpu.memory_space<vmem>>, vector<16xf32>,
    tpu.vector_store %arg6[%swap3A_677, %swap3A_678], %broadcast_in_dim3A_48 {strides = array<i32>} : memref<16x1024xf32, #tpu.memory_space<vmem>>, vector<16xf32>,
    %swap3A_680 = arith.constant 12 : i32
    %swap3A_681 = arith.index_cast %swap3A_680 : i32 to index
    %swap3A_682 = arith.constant 416 : index
    %swap3A_683 = tpu.vector_load %arg6[%swap3A_681, %swap3A_682] {strides = array<i32>} : memref<16x1024xf32, #tpu.memory_space<vmem>>, vector<16xf32>,
    tpu.vector_store %arg6[%swap3A_681, %swap3A_682], %broadcast_in_dim3A_48 {strides = array<i32>} : memref<16x1024xf32, #tpu.memory_space<vmem>>, vector<16xf32>,
    %swap3A_684 = arith.constant 13 : i32
    %swap3A_685 = arith.index_cast %swap3A_684 : i32 to index
    %swap3A_686 = arith.constant 416 : index
    %swap3A_687 = tpu.vector_load %arg6[%swap3A_685, %swap3A_686] {strides = array<i32>} : memref<16x1024xf32, #tpu.memory_space<vmem>>, vector<16xf32>,
    tpu.vector_store %arg6[%swap3A_685, %swap3A_686], %broadcast_in_dim3A_48 {strides = array<i32>} : memref<16x1024xf32, #tpu.memory_space<vmem>>, vector<16xf32>,
    %swap3A_688 = arith.constant 14 : i32
    %swap3A_689 = arith.index_cast %swap3A_688 : i32 to index
    %swap3A_690 = arith.constant 416 : index
    %swap3A_691 = tpu.vector_load %arg6[%swap3A_689, %swap3A_690] {strides = array<i32>} : memref<16x1024xf32, #tpu.memory_space<vmem>>, vector<16xf32>,
    tpu.vector_store %arg6[%swap3A_689, %swap3A_690], %broadcast_in_dim3A_48 {strides = array<i32>} : memref<16x1024xf32, #tpu.memory_space<vmem>>, vector<16xf32>,
    %swap3A_692 = arith.constant 15 : i32
    %swap3A_693 = arith.index_cast %swap3A_692 : i32 to index
    %swap3A_694 = arith.constant 416 : index
    %swap3A_695 = tpu.vector_load %arg6[%swap3A_693, %swap3A_694] {strides = array<i32>} : memref<16x1024xf32, #tpu.memory_space<vmem>>, vector<16xf32>,
    tpu.vector_store %arg6[%swap3A_693, %swap3A_694], %broadcast_in_dim3A_48 {strides = array<i32>} : memref<16x1024xf32, #tpu.memory_space<vmem>>, vector<16xf32>,
    %swap3A_696 = arith.constant 10 : i32
    %swap3A_697 = arith.index_cast %swap3A_696 : i32 to index
    %swap3A_698 = arith.constant 432 : index
    %swap3A_699 = tpu.vector_load %arg6[%swap3A_697, %swap3A_698] {strides = array<i32>} : memref<16x1024xf32, #tpu.memory_space<vmem>>, vector<16xf32>,
    tpu.vector_store %arg6[%swap3A_697, %swap3A_698], %broadcast_in_dim3A_48 {strides = array<i32>} : memref<16x1024xf32, #tpu.memory_space<vmem>>, vector<16xf32>,
    %swap3A_700 = arith.constant 11 : i32
    %swap3A_701 = arith.index_cast %swap3A_700 : i32 to index
    %swap3A_702 = arith.constant 432 : index
    %swap3A_703 = tpu.vector_load %arg6[%swap3A_701, %swap3A_702] {strides = array<i32>} : memref<16x1024xf32, #tpu.memory_space<vmem>>, vector<16xf32>,
    tpu.vector_store %arg6[%swap3A_701, %swap3A_702], %broadcast_in_dim3A_48 {strides = array<i32>} : memref<16x1024xf32, #tpu.memory_space<vmem>>, vector<16xf32>,
    %swap3A_704 = arith.constant 12 : i32
    %swap3A_705 = arith.index_cast %swap3A_704 : i32 to index
    %swap3A_706 = arith.constant 432 : index
    %swap3A_707 = tpu.vector_load %arg6[%swap3A_705, %swap3A_706] {strides = array<i32>} : memref<16x1024xf32, #tpu.memory_space<vmem>>, vector<16xf32>,
    tpu.vector_store %arg6[%swap3A_705, %swap3A_706], %broadcast_in_dim3A_48 {strides = array<i32>} : memref<16x1024xf32, #tpu.memory_space<vmem>>, vector<16xf32>,
    %swap3A_708 = arith.constant 13 : i32
    %swap3A_709 = arith.index_cast %swap3A_708 : i32 to index
    %swap3A_710 = arith.constant 432 : index
    %swap3A_711 = tpu.vector_load %arg6[%swap3A_709, %swap3A_710] {strides = array<i32>} : memref<16x1024xf32, #tpu.memory_space<vmem>>, vector<16xf32>,
    tpu.vector_store %arg6[%swap3A_709, %swap3A_710], %broadcast_in_dim3A_48 {strides = array<i32>} : memref<16x1024xf32, #tpu.memory_space<vmem>>, vector<16xf32>,
    %swap3A_712 = arith.constant 14 : i32
    %swap3A_713 = arith.index_cast %swap3A_712 : i32 to index
    %swap3A_714 = arith.constant 432 : index
    %swap3A_715 = tpu.vector_load %arg6[%swap3A_713, %swap3A_714] {strides = array<i32>} : memref<16x1024xf32, #tpu.memory_space<vmem>>, vector<16xf32>,
    tpu.vector_store %arg6[%swap3A_713, %swap3A_714], %broadcast_in_dim3A_48 {strides = array<i32>} : memref<16x1024xf32, #tpu.memory_space<vmem>>, vector<16xf32>,
    %swap3A_716 = arith.constant 15 : i32
    %swap3A_717 = arith.index_cast %swap3A_716 : i32 to index
    %swap3A_718 = arith.constant 432 : index
    %swap3A_719 = tpu.vector_load %arg6[%swap3A_717, %swap3A_718] {strides = array<i32>} : memref<16x1024xf32, #tpu.memory_space<vmem>>, vector<16xf32>,
    tpu.vector_store %arg6[%swap3A_717, %swap3A_718], %broadcast_in_dim3A_48 {strides = array<i32>} : memref<16x1024xf32, #tpu.memory_space<vmem>>, vector<16xf32>,
    %swap3A_720 = arith.constant 10 : i32
    %swap3A_721 = arith.index_cast %swap3A_720 : i32 to index
    %swap3A_722 = arith.constant 448 : index
    %swap3A_723 = tpu.vector_load %arg6[%swap3A_721, %swap3A_722] {strides = array<i32>} : memref<16x1024xf32, #tpu.memory_space<vmem>>, vector<16xf32>,
    tpu.vector_store %arg6[%swap3A_721, %swap3A_722], %broadcast_in_dim3A_48 {strides = array<i32>} : memref<16x1024xf32, #tpu.memory_space<vmem>>, vector<16xf32>,
    %swap3A_724 = arith.constant 11 : i32
    %swap3A_725 = arith.index_cast %swap3A_724 : i32 to index
    %swap3A_726 = arith.constant 448 : index
    %swap3A_727 = tpu.vector_load %arg6[%swap3A_725, %swap3A_726] {strides = array<i32>} : memref<16x1024xf32, #tpu.memory_space<vmem>>, vector<16xf32>,
    tpu.vector_store %arg6[%swap3A_725, %swap3A_726], %broadcast_in_dim3A_48 {strides = array<i32>} : memref<16x1024xf32, #tpu.memory_space<vmem>>, vector<16xf32>,
    %swap3A_728 = arith.constant 12 : i32
    %swap3A_729 = arith.index_cast %swap3A_728 : i32 to index
    %swap3A_730 = arith.constant 448 : index
    %swap3A_731 = tpu.vector_load %arg6[%swap3A_729, %swap3A_730] {strides = array<i32>} : memref<16x1024xf32, #tpu.memory_space<vmem>>, vector<16xf32>,
    tpu.vector_store %arg6[%swap3A_729, %swap3A_730], %broadcast_in_dim3A_48 {strides = array<i32>} : memref<16x1024xf32, #tpu.memory_space<vmem>>, vector<16xf32>,
    %swap3A_732 = arith.constant 13 : i32
    %swap3A_733 = arith.index_cast %swap3A_732 : i32 to index
    %swap3A_734 = arith.constant 448 : index
    %swap3A_735 = tpu.vector_load %arg6[%swap3A_733, %swap3A_734] {strides = array<i32>} : memref<16x1024xf32, #tpu.memory_space<vmem>>, vector<16xf32>,
    tpu.vector_store %arg6[%swap3A_733, %swap3A_734], %broadcast_in_dim3A_48 {strides = array<i32>} : memref<16x1024xf32, #tpu.memory_space<vmem>>, vector<16xf32>,
    %swap3A_736 = arith.constant 14 : i32
    %swap3A_737 = arith.index_cast %swap3A_736 : i32 to index
    %swap3A_738 = arith.constant 448 : index
    %swap3A_739 = tpu.vector_load %arg6[%swap3A_737, %swap3A_738] {strides = array<i32>} : memref<16x1024xf32, #tpu.memory_space<vmem>>, vector<16xf32>,
    tpu.vector_store %arg6[%swap3A_737, %swap3A_738], %broadcast_in_dim3A_48 {strides = array<i32>} : memref<16x1024xf32, #tpu.memory_space<vmem>>, vector<16xf32>,
    %swap3A_740 = arith.constant 15 : i32
    %swap3A_741 = arith.index_cast %swap3A_740 : i32 to index
    %swap3A_742 = arith.constant 448 : index
    %swap3A_743 = tpu.vector_load %arg6[%swap3A_741, %swap3A_742] {strides = array<i32>} : memref<16x1024xf32, #tpu.memory_space<vmem>>, vector<16xf32>,
    tpu.vector_store %arg6[%swap3A_741, %swap3A_742], %broadcast_in_dim3A_48 {strides = array<i32>} : memref<16x1024xf32, #tpu.memory_space<vmem>>, vector<16xf32>,
    %swap3A_744 = arith.constant 10 : i32
    %swap3A_745 = arith.index_cast %swap3A_744 : i32 to index
    %swap3A_746 = arith.constant 464 : index
    %swap3A_747 = tpu.vector_load %arg6[%swap3A_745, %swap3A_746] {strides = array<i32>} : memref<16x1024xf32, #tpu.memory_space<vmem>>, vector<16xf32>,
    tpu.vector_store %arg6[%swap3A_745, %swap3A_746], %broadcast_in_dim3A_48 {strides = array<i32>} : memref<16x1024xf32, #tpu.memory_space<vmem>>, vector<16xf32>,
    %swap3A_748 = arith.constant 11 : i32
    %swap3A_749 = arith.index_cast %swap3A_748 : i32 to index
    %swap3A_750 = arith.constant 464 : index
    %swap3A_751 = tpu.vector_load %arg6[%swap3A_749, %swap3A_750] {strides = array<i32>} : memref<16x1024xf32, #tpu.memory_space<vmem>>, vector<16xf32>,
    tpu.vector_store %arg6[%swap3A_749, %swap3A_750], %broadcast_in_dim3A_48 {strides = array<i32>} : memref<16x1024xf32, #tpu.memory_space<vmem>>, vector<16xf32>,
    %swap3A_752 = arith.constant 12 : i32
    %swap3A_753 = arith.index_cast %swap3A_752 : i32 to index
    %swap3A_754 = arith.constant 464 : index
    %swap3A_755 = tpu.vector_load %arg6[%swap3A_753, %swap3A_754] {strides = array<i32>} : memref<16x1024xf32, #tpu.memory_space<vmem>>, vector<16xf32>,
    tpu.vector_store %arg6[%swap3A_753, %swap3A_754], %broadcast_in_dim3A_48 {strides = array<i32>} : memref<16x1024xf32, #tpu.memory_space<vmem>>, vector<16xf32>,
    %swap3A_756 = arith.constant 13 : i32
    %swap3A_757 = arith.index_cast %swap3A_756 : i32 to index
    %swap3A_758 = arith.constant 464 : index
    %swap3A_759 = tpu.vector_load %arg6[%swap3A_757, %swap3A_758] {strides = array<i32>} : memref<16x1024xf32, #tpu.memory_space<vmem>>, vector<16xf32>,
    tpu.vector_store %arg6[%swap3A_757, %swap3A_758], %broadcast_in_dim3A_48 {strides = array<i32>} : memref<16x1024xf32, #tpu.memory_space<vmem>>, vector<16xf32>,
    %swap3A_760 = arith.constant 14 : i32
    %swap3A_761 = arith.index_cast %swap3A_760 : i32 to index
    %swap3A_762 = arith.constant 464 : index
    %swap3A_763 = tpu.vector_load %arg6[%swap3A_761, %swap3A_762] {strides = array<i32>} : memref<16x1024xf32, #tpu.memory_space<vmem>>, vector<16xf32>,
    tpu.vector_store %arg6[%swap3A_761, %swap3A_762], %broadcast_in_dim3A_48 {strides = array<i32>} : memref<16x1024xf32, #tpu.memory_space<vmem>>, vector<16xf32>,
    %swap3A_764 = arith.constant 15 : i32
    %swap3A_765 = arith.index_cast %swap3A_764 : i32 to index
    %swap3A_766 = arith.constant 464 : index
    %swap3A_767 = tpu.vector_load %arg6[%swap3A_765, %swap3A_766] {strides = array<i32>} : memref<16x1024xf32, #tpu.memory_space<vmem>>, vector<16xf32>,
    tpu.vector_store %arg6[%swap3A_765, %swap3A_766], %broadcast_in_dim3A_48 {strides = array<i32>} : memref<16x1024xf32, #tpu.memory_space<vmem>>, vector<16xf32>,
    %swap3A_768 = arith.constant 10 : i32
    %swap3A_769 = arith.index_cast %swap3A_768 : i32 to index
    %swap3A_770 = arith.constant 480 : index
    %swap3A_771 = tpu.vector_load %arg6[%swap3A_769, %swap3A_770] {strides = array<i32>} : memref<16x1024xf32, #tpu.memory_space<vmem>>, vector<16xf32>,
    tpu.vector_store %arg6[%swap3A_769, %swap3A_770], %broadcast_in_dim3A_48 {strides = array<i32>} : memref<16x1024xf32, #tpu.memory_space<vmem>>, vector<16xf32>,
    %swap3A_772 = arith.constant 11 : i32
    %swap3A_773 = arith.index_cast %swap3A_772 : i32 to index
    %swap3A_774 = arith.constant 480 : index
    %swap3A_775 = tpu.vector_load %arg6[%swap3A_773, %swap3A_774] {strides = array<i32>} : memref<16x1024xf32, #tpu.memory_space<vmem>>, vector<16xf32>,
    tpu.vector_store %arg6[%swap3A_773, %swap3A_774], %broadcast_in_dim3A_48 {strides = array<i32>} : memref<16x1024xf32, #tpu.memory_space<vmem>>, vector<16xf32>,
    %swap3A_776 = arith.constant 12 : i32
    %swap3A_777 = arith.index_cast %swap3A_776 : i32 to index
    %swap3A_778 = arith.constant 480 : index
    %swap3A_779 = tpu.vector_load %arg6[%swap3A_777, %swap3A_778] {strides = array<i32>} : memref<16x1024xf32, #tpu.memory_space<vmem>>, vector<16xf32>,
    tpu.vector_store %arg6[%swap3A_777, %swap3A_778], %broadcast_in_dim3A_48 {strides = array<i32>} : memref<16x1024xf32, #tpu.memory_space<vmem>>, vector<16xf32>,
    %swap3A_780 = arith.constant 13 : i32
    %swap3A_781 = arith.index_cast %swap3A_780 : i32 to index
    %swap3A_782 = arith.constant 480 : index
    %swap3A_783 = tpu.vector_load %arg6[%swap3A_781, %swap3A_782] {strides = array<i32>} : memref<16x1024xf32, #tpu.memory_space<vmem>>, vector<16xf32>,
    tpu.vector_store %arg6[%swap3A_781, %swap3A_782], %broadcast_in_dim3A_48 {strides = array<i32>} : memref<16x1024xf32, #tpu.memory_space<vmem>>, vector<16xf32>,
    %swap3A_784 = arith.constant 14 : i32
    %swap3A_785 = arith.index_cast %swap3A_784 : i32 to index
    %swap3A_786 = arith.constant 480 : index
    %swap3A_787 = tpu.vector_load %arg6[%swap3A_785, %swap3A_786] {strides = array<i32>} : memref<16x1024xf32, #tpu.memory_space<vmem>>, vector<16xf32>,
    tpu.vector_store %arg6[%swap3A_785, %swap3A_786], %broadcast_in_dim3A_48 {strides = array<i32>} : memref<16x1024xf32, #tpu.memory_space<vmem>>, vector<16xf32>,
    %swap3A_788 = arith.constant 15 : i32
    %swap3A_789 = arith.index_cast %swap3A_788 : i32 to index
    %swap3A_790 = arith.constant 480 : index
    %swap3A_791 = tpu.vector_load %arg6[%swap3A_789, %swap3A_790] {strides = array<i32>} : memref<16x1024xf32, #tpu.memory_space<vmem>>, vector<16xf32>,
    tpu.vector_store %arg6[%swap3A_789, %swap3A_790], %broadcast_in_dim3A_48 {strides = array<i32>} : memref<16x1024xf32, #tpu.memory_space<vmem>>, vector<16xf32>,
    %swap3A_792 = arith.constant 10 : i32
    %swap3A_793 = arith.index_cast %swap3A_792 : i32 to index
    %swap3A_794 = arith.constant 496 : index
    %swap3A_795 = tpu.vector_load %arg6[%swap3A_793, %swap3A_794] {strides = array<i32>} : memref<16x1024xf32, #tpu.memory_space<vmem>>, vector<16xf32>,
    tpu.vector_store %arg6[%swap3A_793, %swap3A_794], %broadcast_in_dim3A_48 {strides = array<i32>} : memref<16x1024xf32, #tpu.memory_space<vmem>>, vector<16xf32>,
    %swap3A_796 = arith.constant 11 : i32
    %swap3A_797 = arith.index_cast %swap3A_796 : i32 to index
    %swap3A_798 = arith.constant 496 : index
    %swap3A_799 = tpu.vector_load %arg6[%swap3A_797, %swap3A_798] {strides = array<i32>} : memref<16x1024xf32, #tpu.memory_space<vmem>>, vector<16xf32>,
    tpu.vector_store %arg6[%swap3A_797, %swap3A_798], %broadcast_in_dim3A_48 {strides = array<i32>} : memref<16x1024xf32, #tpu.memory_space<vmem>>, vector<16xf32>,
    %swap3A_800 = arith.constant 12 : i32
    %swap3A_801 = arith.index_cast %swap3A_800 : i32 to index
    %swap3A_802 = arith.constant 496 : index
    %swap3A_803 = tpu.vector_load %arg6[%swap3A_801, %swap3A_802] {strides = array<i32>} : memref<16x1024xf32, #tpu.memory_space<vmem>>, vector<16xf32>,
    tpu.vector_store %arg6[%swap3A_801, %swap3A_802], %broadcast_in_dim3A_48 {strides = array<i32>} : memref<16x1024xf32, #tpu.memory_space<vmem>>, vector<16xf32>,
    %swap3A_804 = arith.constant 13 : i32
    %swap3A_805 = arith.index_cast %swap3A_804 : i32 to index
    %swap3A_806 = arith.constant 496 : index
    %swap3A_807 = tpu.vector_load %arg6[%swap3A_805, %swap3A_806] {strides = array<i32>} : memref<16x1024xf32, #tpu.memory_space<vmem>>, vector<16xf32>,
    tpu.vector_store %arg6[%swap3A_805, %swap3A_806], %broadcast_in_dim3A_48 {strides = array<i32>} : memref<16x1024xf32, #tpu.memory_space<vmem>>, vector<16xf32>,
    %swap3A_808 = arith.constant 14 : i32
    %swap3A_809 = arith.index_cast %swap3A_808 : i32 to index
    %swap3A_810 = arith.constant 496 : index
    %swap3A_811 = tpu.vector_load %arg6[%swap3A_809, %swap3A_810] {strides = array<i32>} : memref<16x1024xf32, #tpu.memory_space<vmem>>, vector<16xf32>,
    tpu.vector_store %arg6[%swap3A_809, %swap3A_810], %broadcast_in_dim3A_48 {strides = array<i32>} : memref<16x1024xf32, #tpu.memory_space<vmem>>, vector<16xf32>,
    %swap3A_812 = arith.constant 15 : i32
    %swap3A_813 = arith.index_cast %swap3A_812 : i32 to index
    %swap3A_814 = arith.constant 496 : index
    %swap3A_815 = tpu.vector_load %arg6[%swap3A_813, %swap3A_814] {strides = array<i32>} : memref<16x1024xf32, #tpu.memory_space<vmem>>, vector<16xf32>,
    tpu.vector_store %arg6[%swap3A_813, %swap3A_814], %broadcast_in_dim3A_48 {strides = array<i32>} : memref<16x1024xf32, #tpu.memory_space<vmem>>, vector<16xf32>,
    %swap3A_816 = arith.constant 10 : i32
    %swap3A_817 = arith.index_cast %swap3A_816 : i32 to index
    %swap3A_818 = arith.constant 512 : index
    %swap3A_819 = tpu.vector_load %arg6[%swap3A_817, %swap3A_818] {strides = array<i32>} : memref<16x1024xf32, #tpu.memory_space<vmem>>, vector<16xf32>,
    tpu.vector_store %arg6[%swap3A_817, %swap3A_818], %broadcast_in_dim3A_48 {strides = array<i32>} : memref<16x1024xf32, #tpu.memory_space<vmem>>, vector<16xf32>,
    %swap3A_820 = arith.constant 11 : i32
    %swap3A_821 = arith.index_cast %swap3A_820 : i32 to index
    %swap3A_822 = arith.constant 512 : index
    %swap3A_823 = tpu.vector_load %arg6[%swap3A_821, %swap3A_822] {strides = array<i32>} : memref<16x1024xf32, #tpu.memory_space<vmem>>, vector<16xf32>,
    tpu.vector_store %arg6[%swap3A_821, %swap3A_822], %broadcast_in_dim3A_48 {strides = array<i32>} : memref<16x1024xf32, #tpu.memory_space<vmem>>, vector<16xf32>,
    %swap3A_824 = arith.constant 12 : i32
    %swap3A_825 = arith.index_cast %swap3A_824 : i32 to index
    %swap3A_826 = arith.constant 512 : index
    %swap3A_827 = tpu.vector_load %arg6[%swap3A_825, %swap3A_826] {strides = array<i32>} : memref<16x1024xf32, #tpu.memory_space<vmem>>, vector<16xf32>,
    tpu.vector_store %arg6[%swap3A_825, %swap3A_826], %broadcast_in_dim3A_48 {strides = array<i32>} : memref<16x1024xf32, #tpu.memory_space<vmem>>, vector<16xf32>,
    %swap3A_828 = arith.constant 13 : i32
    %swap3A_829 = arith.index_cast %swap3A_828 : i32 to index
    %swap3A_830 = arith.constant 512 : index
    %swap3A_831 = tpu.vector_load %arg6[%swap3A_829, %swap3A_830] {strides = array<i32>} : memref<16x1024xf32, #tpu.memory_space<vmem>>, vector<16xf32>,
    tpu.vector_store %arg6[%swap3A_829, %swap3A_830], %broadcast_in_dim3A_48 {strides = array<i32>} : memref<16x1024xf32, #tpu.memory_space<vmem>>, vector<16xf32>,
    %swap3A_832 = arith.constant 14 : i32
    %swap3A_833 = arith.index_cast %swap3A_832 : i32 to index
    %swap3A_834 = arith.constant 512 : index
    %swap3A_835 = tpu.vector_load %arg6[%swap3A_833, %swap3A_834] {strides = array<i32>} : memref<16x1024xf32, #tpu.memory_space<vmem>>, vector<16xf32>,
    tpu.vector_store %arg6[%swap3A_833, %swap3A_834], %broadcast_in_dim3A_48 {strides = array<i32>} : memref<16x1024xf32, #tpu.memory_space<vmem>>, vector<16xf32>,
    %swap3A_836 = arith.constant 15 : i32
    %swap3A_837 = arith.index_cast %swap3A_836 : i32 to index
    %swap3A_838 = arith.constant 512 : index
    %swap3A_839 = tpu.vector_load %arg6[%swap3A_837, %swap3A_838] {strides = array<i32>} : memref<16x1024xf32, #tpu.memory_space<vmem>>, vector<16xf32>,
    tpu.vector_store %arg6[%swap3A_837, %swap3A_838], %broadcast_in_dim3A_48 {strides = array<i32>} : memref<16x1024xf32, #tpu.memory_space<vmem>>, vector<16xf32>,
    %swap3A_840 = arith.constant 10 : i32
    %swap3A_841 = arith.index_cast %swap3A_840 : i32 to index
    %swap3A_842 = arith.constant 528 : index
    %swap3A_843 = tpu.vector_load %arg6[%swap3A_841, %swap3A_842] {strides = array<i32>} : memref<16x1024xf32, #tpu.memory_space<vmem>>, vector<16xf32>,
    tpu.vector_store %arg6[%swap3A_841, %swap3A_842], %broadcast_in_dim3A_48 {strides = array<i32>} : memref<16x1024xf32, #tpu.memory_space<vmem>>, vector<16xf32>,
    %swap3A_844 = arith.constant 11 : i32
    %swap3A_845 = arith.index_cast %swap3A_844 : i32 to index
    %swap3A_846 = arith.constant 528 : index
    %swap3A_847 = tpu.vector_load %arg6[%swap3A_845, %swap3A_846] {strides = array<i32>} : memref<16x1024xf32, #tpu.memory_space<vmem>>, vector<16xf32>,
    tpu.vector_store %arg6[%swap3A_845, %swap3A_846], %broadcast_in_dim3A_48 {strides = array<i32>} : memref<16x1024xf32, #tpu.memory_space<vmem>>, vector<16xf32>,
    %swap3A_848 = arith.constant 12 : i32
    %swap3A_849 = arith.index_cast %swap3A_848 : i32 to index
    %swap3A_850 = arith.constant 528 : index
    %swap3A_851 = tpu.vector_load %arg6[%swap3A_849, %swap3A_850] {strides = array<i32>} : memref<16x1024xf32, #tpu.memory_space<vmem>>, vector<16xf32>,
    tpu.vector_store %arg6[%swap3A_849, %swap3A_850], %broadcast_in_dim3A_48 {strides = array<i32>} : memref<16x1024xf32, #tpu.memory_space<vmem>>, vector<16xf32>,
    %swap3A_852 = arith.constant 13 : i32
    %swap3A_853 = arith.index_cast %swap3A_852 : i32 to index
    %swap3A_854 = arith.constant 528 : index
    %swap3A_855 = tpu.vector_load %arg6[%swap3A_853, %swap3A_854] {strides = array<i32>} : memref<16x1024xf32, #tpu.memory_space<vmem>>, vector<16xf32>,
    tpu.vector_store %arg6[%swap3A_853, %swap3A_854], %broadcast_in_dim3A_48 {strides = array<i32>} : memref<16x1024xf32, #tpu.memory_space<vmem>>, vector<16xf32>,
    %swap3A_856 = arith.constant 14 : i32
    %swap3A_857 = arith.index_cast %swap3A_856 : i32 to index
    %swap3A_858 = arith.constant 528 : index
    %swap3A_859 = tpu.vector_load %arg6[%swap3A_857, %swap3A_858] {strides = array<i32>} : memref<16x1024xf32, #tpu.memory_space<vmem>>, vector<16xf32>,
    tpu.vector_store %arg6[%swap3A_857, %swap3A_858], %broadcast_in_dim3A_48 {strides = array<i32>} : memref<16x1024xf32, #tpu.memory_space<vmem>>, vector<16xf32>,
    %swap3A_860 = arith.constant 15 : i32
    %swap3A_861 = arith.index_cast %swap3A_860 : i32 to index
    %swap3A_862 = arith.constant 528 : index
    %swap3A_863 = tpu.vector_load %arg6[%swap3A_861, %swap3A_862] {strides = array<i32>} : memref<16x1024xf32, #tpu.memory_space<vmem>>, vector<16xf32>,
    tpu.vector_store %arg6[%swap3A_861, %swap3A_862], %broadcast_in_dim3A_48 {strides = array<i32>} : memref<16x1024xf32, #tpu.memory_space<vmem>>, vector<16xf32>,
    %swap3A_864 = arith.constant 10 : i32
    %swap3A_865 = arith.index_cast %swap3A_864 : i32 to index
    %swap3A_866 = arith.constant 544 : index
    %swap3A_867 = tpu.vector_load %arg6[%swap3A_865, %swap3A_866] {strides = array<i32>} : memref<16x1024xf32, #tpu.memory_space<vmem>>, vector<16xf32>,
    tpu.vector_store %arg6[%swap3A_865, %swap3A_866], %broadcast_in_dim3A_48 {strides = array<i32>} : memref<16x1024xf32, #tpu.memory_space<vmem>>, vector<16xf32>,
    %swap3A_868 = arith.constant 11 : i32
    %swap3A_869 = arith.index_cast %swap3A_868 : i32 to index
    %swap3A_870 = arith.constant 544 : index
    %swap3A_871 = tpu.vector_load %arg6[%swap3A_869, %swap3A_870] {strides = array<i32>} : memref<16x1024xf32, #tpu.memory_space<vmem>>, vector<16xf32>,
    tpu.vector_store %arg6[%swap3A_869, %swap3A_870], %broadcast_in_dim3A_48 {strides = array<i32>} : memref<16x1024xf32, #tpu.memory_space<vmem>>, vector<16xf32>,
    %swap3A_872 = arith.constant 12 : i32
    %swap3A_873 = arith.index_cast %swap3A_872 : i32 to index
    %swap3A_874 = arith.constant 544 : index
    %swap3A_875 = tpu.vector_load %arg6[%swap3A_873, %swap3A_874] {strides = array<i32>} : memref<16x1024xf32, #tpu.memory_space<vmem>>, vector<16xf32>,
    tpu.vector_store %arg6[%swap3A_873, %swap3A_874], %broadcast_in_dim3A_48 {strides = array<i32>} : memref<16x1024xf32, #tpu.memory_space<vmem>>, vector<16xf32>,
    %swap3A_876 = arith.constant 13 : i32
    %swap3A_877 = arith.index_cast %swap3A_876 : i32 to index
    %swap3A_878 = arith.constant 544 : index
    %swap3A_879 = tpu.vector_load %arg6[%swap3A_877, %swap3A_878] {strides = array<i32>} : memref<16x1024xf32, #tpu.memory_space<vmem>>, vector<16xf32>,
    tpu.vector_store %arg6[%swap3A_877, %swap3A_878], %broadcast_in_dim3A_48 {strides = array<i32>} : memref<16x1024xf32, #tpu.memory_space<vmem>>, vector<16xf32>,
    %swap3A_880 = arith.constant 14 : i32
    %swap3A_881 = arith.index_cast %swap3A_880 : i32 to index
    %swap3A_882 = arith.constant 544 : index
    %swap3A_883 = tpu.vector_load %arg6[%swap3A_881, %swap3A_882] {strides = array<i32>} : memref<16x1024xf32, #tpu.memory_space<vmem>>, vector<16xf32>,
    tpu.vector_store %arg6[%swap3A_881, %swap3A_882], %broadcast_in_dim3A_48 {strides = array<i32>} : memref<16x1024xf32, #tpu.memory_space<vmem>>, vector<16xf32>,
    %swap3A_884 = arith.constant 15 : i32
    %swap3A_885 = arith.index_cast %swap3A_884 : i32 to index
    %swap3A_886 = arith.constant 544 : index
    %swap3A_887 = tpu.vector_load %arg6[%swap3A_885, %swap3A_886] {strides = array<i32>} : memref<16x1024xf32, #tpu.memory_space<vmem>>, vector<16xf32>,
    tpu.vector_store %arg6[%swap3A_885, %swap3A_886], %broadcast_in_dim3A_48 {strides = array<i32>} : memref<16x1024xf32, #tpu.memory_space<vmem>>, vector<16xf32>,
    %swap3A_888 = arith.constant 10 : i32
    %swap3A_889 = arith.index_cast %swap3A_888 : i32 to index
    %swap3A_890 = arith.constant 560 : index
    %swap3A_891 = tpu.vector_load %arg6[%swap3A_889, %swap3A_890] {strides = array<i32>} : memref<16x1024xf32, #tpu.memory_space<vmem>>, vector<16xf32>,
    tpu.vector_store %arg6[%swap3A_889, %swap3A_890], %broadcast_in_dim3A_48 {strides = array<i32>} : memref<16x1024xf32, #tpu.memory_space<vmem>>, vector<16xf32>,
    %swap3A_892 = arith.constant 11 : i32
    %swap3A_893 = arith.index_cast %swap3A_892 : i32 to index
    %swap3A_894 = arith.constant 560 : index
    %swap3A_895 = tpu.vector_load %arg6[%swap3A_893, %swap3A_894] {strides = array<i32>} : memref<16x1024xf32, #tpu.memory_space<vmem>>, vector<16xf32>,
    tpu.vector_store %arg6[%swap3A_893, %swap3A_894], %broadcast_in_dim3A_48 {strides = array<i32>} : memref<16x1024xf32, #tpu.memory_space<vmem>>, vector<16xf32>,
    %swap3A_896 = arith.constant 12 : i32
    %swap3A_897 = arith.index_cast %swap3A_896 : i32 to index
    %swap3A_898 = arith.constant 560 : index
    %swap3A_899 = tpu.vector_load %arg6[%swap3A_897, %swap3A_898] {strides = array<i32>} : memref<16x1024xf32, #tpu.memory_space<vmem>>, vector<16xf32>,
    tpu.vector_store %arg6[%swap3A_897, %swap3A_898], %broadcast_in_dim3A_48 {strides = array<i32>} : memref<16x1024xf32, #tpu.memory_space<vmem>>, vector<16xf32>,
    %swap3A_900 = arith.constant 13 : i32
    %swap3A_901 = arith.index_cast %swap3A_900 : i32 to index
    %swap3A_902 = arith.constant 560 : index
    %swap3A_903 = tpu.vector_load %arg6[%swap3A_901, %swap3A_902] {strides = array<i32>} : memref<16x1024xf32, #tpu.memory_space<vmem>>, vector<16xf32>,
    tpu.vector_store %arg6[%swap3A_901, %swap3A_902], %broadcast_in_dim3A_48 {strides = array<i32>} : memref<16x1024xf32, #tpu.memory_space<vmem>>, vector<16xf32>,
    %swap3A_904 = arith.constant 14 : i32
    %swap3A_905 = arith.index_cast %swap3A_904 : i32 to index
    %swap3A_906 = arith.constant 560 : index
    %swap3A_907 = tpu.vector_load %arg6[%swap3A_905, %swap3A_906] {strides = array<i32>} : memref<16x1024xf32, #tpu.memory_space<vmem>>, vector<16xf32>,
    tpu.vector_store %arg6[%swap3A_905, %swap3A_906], %broadcast_in_dim3A_48 {strides = array<i32>} : memref<16x1024xf32, #tpu.memory_space<vmem>>, vector<16xf32>,
    %swap3A_908 = arith.constant 15 : i32
    %swap3A_909 = arith.index_cast %swap3A_908 : i32 to index
    %swap3A_910 = arith.constant 560 : index
    %swap3A_911 = tpu.vector_load %arg6[%swap3A_909, %swap3A_910] {strides = array<i32>} : memref<16x1024xf32, #tpu.memory_space<vmem>>, vector<16xf32>,
    tpu.vector_store %arg6[%swap3A_909, %swap3A_910], %broadcast_in_dim3A_48 {strides = array<i32>} : memref<16x1024xf32, #tpu.memory_space<vmem>>, vector<16xf32>,
    %swap3A_912 = arith.constant 10 : i32
    %swap3A_913 = arith.index_cast %swap3A_912 : i32 to index
    %swap3A_914 = arith.constant 576 : index
    %swap3A_915 = tpu.vector_load %arg6[%swap3A_913, %swap3A_914] {strides = array<i32>} : memref<16x1024xf32, #tpu.memory_space<vmem>>, vector<16xf32>,
    tpu.vector_store %arg6[%swap3A_913, %swap3A_914], %broadcast_in_dim3A_48 {strides = array<i32>} : memref<16x1024xf32, #tpu.memory_space<vmem>>, vector<16xf32>,
    %swap3A_916 = arith.constant 11 : i32
    %swap3A_917 = arith.index_cast %swap3A_916 : i32 to index
    %swap3A_918 = arith.constant 576 : index
    %swap3A_919 = tpu.vector_load %arg6[%swap3A_917, %swap3A_918] {strides = array<i32>} : memref<16x1024xf32, #tpu.memory_space<vmem>>, vector<16xf32>,
    tpu.vector_store %arg6[%swap3A_917, %swap3A_918], %broadcast_in_dim3A_48 {strides = array<i32>} : memref<16x1024xf32, #tpu.memory_space<vmem>>, vector<16xf32>,
    %swap3A_920 = arith.constant 12 : i32
    %swap3A_921 = arith.index_cast %swap3A_920 : i32 to index
    %swap3A_922 = arith.constant 576 : index
    %swap3A_923 = tpu.vector_load %arg6[%swap3A_921, %swap3A_922] {strides = array<i32>} : memref<16x1024xf32, #tpu.memory_space<vmem>>, vector<16xf32>,
    tpu.vector_store %arg6[%swap3A_921, %swap3A_922], %broadcast_in_dim3A_48 {strides = array<i32>} : memref<16x1024xf32, #tpu.memory_space<vmem>>, vector<16xf32>,
    %swap3A_924 = arith.constant 13 : i32
    %swap3A_925 = arith.index_cast %swap3A_924 : i32 to index
    %swap3A_926 = arith.constant 576 : index
    %swap3A_927 = tpu.vector_load %arg6[%swap3A_925, %swap3A_926] {strides = array<i32>} : memref<16x1024xf32, #tpu.memory_space<vmem>>, vector<16xf32>,
    tpu.vector_store %arg6[%swap3A_925, %swap3A_926], %broadcast_in_dim3A_48 {strides = array<i32>} : memref<16x1024xf32, #tpu.memory_space<vmem>>, vector<16xf32>,
    %swap3A_928 = arith.constant 14 : i32
    %swap3A_929 = arith.index_cast %swap3A_928 : i32 to index
    %swap3A_930 = arith.constant 576 : index
    %swap3A_931 = tpu.vector_load %arg6[%swap3A_929, %swap3A_930] {strides = array<i32>} : memref<16x1024xf32, #tpu.memory_space<vmem>>, vector<16xf32>,
    tpu.vector_store %arg6[%swap3A_929, %swap3A_930], %broadcast_in_dim3A_48 {strides = array<i32>} : memref<16x1024xf32, #tpu.memory_space<vmem>>, vector<16xf32>,
    %swap3A_932 = arith.constant 15 : i32
    %swap3A_933 = arith.index_cast %swap3A_932 : i32 to index
    %swap3A_934 = arith.constant 576 : index
    %swap3A_935 = tpu.vector_load %arg6[%swap3A_933, %swap3A_934] {strides = array<i32>} : memref<16x1024xf32, #tpu.memory_space<vmem>>, vector<16xf32>,
    tpu.vector_store %arg6[%swap3A_933, %swap3A_934], %broadcast_in_dim3A_48 {strides = array<i32>} : memref<16x1024xf32, #tpu.memory_space<vmem>>, vector<16xf32>,
    %swap3A_936 = arith.constant 10 : i32
    %swap3A_937 = arith.index_cast %swap3A_936 : i32 to index
    %swap3A_938 = arith.constant 592 : index
    %swap3A_939 = tpu.vector_load %arg6[%swap3A_937, %swap3A_938] {strides = array<i32>} : memref<16x1024xf32, #tpu.memory_space<vmem>>, vector<16xf32>,
    tpu.vector_store %arg6[%swap3A_937, %swap3A_938], %broadcast_in_dim3A_48 {strides = array<i32>} : memref<16x1024xf32, #tpu.memory_space<vmem>>, vector<16xf32>,
    %swap3A_940 = arith.constant 11 : i32
    %swap3A_941 = arith.index_cast %swap3A_940 : i32 to index
    %swap3A_942 = arith.constant 592 : index
    %swap3A_943 = tpu.vector_load %arg6[%swap3A_941, %swap3A_942] {strides = array<i32>} : memref<16x1024xf32, #tpu.memory_space<vmem>>, vector<16xf32>,
    tpu.vector_store %arg6[%swap3A_941, %swap3A_942], %broadcast_in_dim3A_48 {strides = array<i32>} : memref<16x1024xf32, #tpu.memory_space<vmem>>, vector<16xf32>,
    %swap3A_944 = arith.constant 12 : i32
    %swap3A_945 = arith.index_cast %swap3A_944 : i32 to index
    %swap3A_946 = arith.constant 592 : index
    %swap3A_947 = tpu.vector_load %arg6[%swap3A_945, %swap3A_946] {strides = array<i32>} : memref<16x1024xf32, #tpu.memory_space<vmem>>, vector<16xf32>,
    tpu.vector_store %arg6[%swap3A_945, %swap3A_946], %broadcast_in_dim3A_48 {strides = array<i32>} : memref<16x1024xf32, #tpu.memory_space<vmem>>, vector<16xf32>,
    %swap3A_948 = arith.constant 13 : i32
    %swap3A_949 = arith.index_cast %swap3A_948 : i32 to index
    %swap3A_950 = arith.constant 592 : index
    %swap3A_951 = tpu.vector_load %arg6[%swap3A_949, %swap3A_950] {strides = array<i32>} : memref<16x1024xf32, #tpu.memory_space<vmem>>, vector<16xf32>,
    tpu.vector_store %arg6[%swap3A_949, %swap3A_950], %broadcast_in_dim3A_48 {strides = array<i32>} : memref<16x1024xf32, #tpu.memory_space<vmem>>, vector<16xf32>,
    %swap3A_952 = arith.constant 14 : i32
    %swap3A_953 = arith.index_cast %swap3A_952 : i32 to index
    %swap3A_954 = arith.constant 592 : index
    %swap3A_955 = tpu.vector_load %arg6[%swap3A_953, %swap3A_954] {strides = array<i32>} : memref<16x1024xf32, #tpu.memory_space<vmem>>, vector<16xf32>,
    tpu.vector_store %arg6[%swap3A_953, %swap3A_954], %broadcast_in_dim3A_48 {strides = array<i32>} : memref<16x1024xf32, #tpu.memory_space<vmem>>, vector<16xf32>,
    %swap3A_956 = arith.constant 15 : i32
    %swap3A_957 = arith.index_cast %swap3A_956 : i32 to index
    %swap3A_958 = arith.constant 592 : index
    %swap3A_959 = tpu.vector_load %arg6[%swap3A_957, %swap3A_958] {strides = array<i32>} : memref<16x1024xf32, #tpu.memory_space<vmem>>, vector<16xf32>,
    tpu.vector_store %arg6[%swap3A_957, %swap3A_958], %broadcast_in_dim3A_48 {strides = array<i32>} : memref<16x1024xf32, #tpu.memory_space<vmem>>, vector<16xf32>,
    %swap3A_960 = arith.constant 10 : i32
    %swap3A_961 = arith.index_cast %swap3A_960 : i32 to index
    %swap3A_962 = arith.constant 608 : index
    %swap3A_963 = tpu.vector_load %arg6[%swap3A_961, %swap3A_962] {strides = array<i32>} : memref<16x1024xf32, #tpu.memory_space<vmem>>, vector<16xf32>,
    tpu.vector_store %arg6[%swap3A_961, %swap3A_962], %broadcast_in_dim3A_48 {strides = array<i32>} : memref<16x1024xf32, #tpu.memory_space<vmem>>, vector<16xf32>,
    %swap3A_964 = arith.constant 11 : i32
    %swap3A_965 = arith.index_cast %swap3A_964 : i32 to index
    %swap3A_966 = arith.constant 608 : index
    %swap3A_967 = tpu.vector_load %arg6[%swap3A_965, %swap3A_966] {strides = array<i32>} : memref<16x1024xf32, #tpu.memory_space<vmem>>, vector<16xf32>,
    tpu.vector_store %arg6[%swap3A_965, %swap3A_966], %broadcast_in_dim3A_48 {strides = array<i32>} : memref<16x1024xf32, #tpu.memory_space<vmem>>, vector<16xf32>,
    %swap3A_968 = arith.constant 12 : i32
    %swap3A_969 = arith.index_cast %swap3A_968 : i32 to index
    %swap3A_970 = arith.constant 608 : index
    %swap3A_971 = tpu.vector_load %arg6[%swap3A_969, %swap3A_970] {strides = array<i32>} : memref<16x1024xf32, #tpu.memory_space<vmem>>, vector<16xf32>,
    tpu.vector_store %arg6[%swap3A_969, %swap3A_970], %broadcast_in_dim3A_48 {strides = array<i32>} : memref<16x1024xf32, #tpu.memory_space<vmem>>, vector<16xf32>,
    %swap3A_972 = arith.constant 13 : i32
    %swap3A_973 = arith.index_cast %swap3A_972 : i32 to index
    %swap3A_974 = arith.constant 608 : index
    %swap3A_975 = tpu.vector_load %arg6[%swap3A_973, %swap3A_974] {strides = array<i32>} : memref<16x1024xf32, #tpu.memory_space<vmem>>, vector<16xf32>,
    tpu.vector_store %arg6[%swap3A_973, %swap3A_974], %broadcast_in_dim3A_48 {strides = array<i32>} : memref<16x1024xf32, #tpu.memory_space<vmem>>, vector<16xf32>,
    %swap3A_976 = arith.constant 14 : i32
    %swap3A_977 = arith.index_cast %swap3A_976 : i32 to index
    %swap3A_978 = arith.constant 608 : index
    %swap3A_979 = tpu.vector_load %arg6[%swap3A_977, %swap3A_978] {strides = array<i32>} : memref<16x1024xf32, #tpu.memory_space<vmem>>, vector<16xf32>,
    tpu.vector_store %arg6[%swap3A_977, %swap3A_978], %broadcast_in_dim3A_48 {strides = array<i32>} : memref<16x1024xf32, #tpu.memory_space<vmem>>, vector<16xf32>,
    %swap3A_980 = arith.constant 15 : i32
    %swap3A_981 = arith.index_cast %swap3A_980 : i32 to index
    %swap3A_982 = arith.constant 608 : index
    %swap3A_983 = tpu.vector_load %arg6[%swap3A_981, %swap3A_982] {strides = array<i32>} : memref<16x1024xf32, #tpu.memory_space<vmem>>, vector<16xf32>,
    tpu.vector_store %arg6[%swap3A_981, %swap3A_982], %broadcast_in_dim3A_48 {strides = array<i32>} : memref<16x1024xf32, #tpu.memory_space<vmem>>, vector<16xf32>,
    %swap3A_984 = arith.constant 10 : i32
    %swap3A_985 = arith.index_cast %swap3A_984 : i32 to index
    %swap3A_986 = arith.constant 624 : index
    %swap3A_987 = tpu.vector_load %arg6[%swap3A_985, %swap3A_986] {strides = array<i32>} : memref<16x1024xf32, #tpu.memory_space<vmem>>, vector<16xf32>,
    tpu.vector_store %arg6[%swap3A_985, %swap3A_986], %broadcast_in_dim3A_48 {strides = array<i32>} : memref<16x1024xf32, #tpu.memory_space<vmem>>, vector<16xf32>,
    %swap3A_988 = arith.constant 11 : i32
    %swap3A_989 = arith.index_cast %swap3A_988 : i32 to index
    %swap3A_990 = arith.constant 624 : index
    %swap3A_991 = tpu.vector_load %arg6[%swap3A_989, %swap3A_990] {strides = array<i32>} : memref<16x1024xf32, #tpu.memory_space<vmem>>, vector<16xf32>,
    tpu.vector_store %arg6[%swap3A_989, %swap3A_990], %broadcast_in_dim3A_48 {strides = array<i32>} : memref<16x1024xf32, #tpu.memory_space<vmem>>, vector<16xf32>,
    %swap3A_992 = arith.constant 12 : i32
    %swap3A_993 = arith.index_cast %swap3A_992 : i32 to index
    %swap3A_994 = arith.constant 624 : index
    %swap3A_995 = tpu.vector_load %arg6[%swap3A_993, %swap3A_994] {strides = array<i32>} : memref<16x1024xf32, #tpu.memory_space<vmem>>, vector<16xf32>,
    tpu.vector_store %arg6[%swap3A_993, %swap3A_994], %broadcast_in_dim3A_48 {strides = array<i32>} : memref<16x1024xf32, #tpu.memory_space<vmem>>, vector<16xf32>,
    %swap3A_996 = arith.constant 13 : i32
    %swap3A_997 = arith.index_cast %swap3A_996 : i32 to index
    %swap3A_998 = arith.constant 624 : index
    %swap3A_999 = tpu.vector_load %arg6[%swap3A_997, %swap3A_998] {strides = array<i32>} : memref<16x1024xf32, #tpu.memory_space<vmem>>, vector<16xf32>,
    tpu.vector_store %arg6[%swap3A_997, %swap3A_998], %broadcast_in_dim3A_48 {strides = array<i32>} : memref<16x1024xf32, #tpu.memory_space<vmem>>, vector<16xf32>,
    %swap3A_1000 = arith.constant 14 : i32
    %swap3A_1001 = arith.index_cast %swap3A_1000 : i32 to index
    %swap3A_1002 = arith.constant 624 : index
    %swap3A_1003 = tpu.vector_load %arg6[%swap3A_1001, %swap3A_1002] {strides = array<i32>} : memref<16x1024xf32, #tpu.memory_space<vmem>>, vector<16xf32>,
    tpu.vector_store %arg6[%swap3A_1001, %swap3A_1002], %broadcast_in_dim3A_48 {strides = array<i32>} : memref<16x1024xf32, #tpu.memory_space<vmem>>, vector<16xf32>,
    %swap3A_1004 = arith.constant 15 : i32
    %swap3A_1005 = arith.index_cast %swap3A_1004 : i32 to index
    %swap3A_1006 = arith.constant 624 : index
    %swap3A_1007 = tpu.vector_load %arg6[%swap3A_1005, %swap3A_1006] {strides = array<i32>} : memref<16x1024xf32, #tpu.memory_space<vmem>>, vector<16xf32>,
    tpu.vector_store %arg6[%swap3A_1005, %swap3A_1006], %broadcast_in_dim3A_48 {strides = array<i32>} : memref<16x1024xf32, #tpu.memory_space<vmem>>, vector<16xf32>,
    %swap3A_1008 = arith.constant 10 : i32
    %swap3A_1009 = arith.index_cast %swap3A_1008 : i32 to index
    %swap3A_1010 = arith.constant 640 : index
    %swap3A_1011 = tpu.vector_load %arg6[%swap3A_1009, %swap3A_1010] {strides = array<i32>} : memref<16x1024xf32, #tpu.memory_space<vmem>>, vector<16xf32>,
    tpu.vector_store %arg6[%swap3A_1009, %swap3A_1010], %broadcast_in_dim3A_48 {strides = array<i32>} : memref<16x1024xf32, #tpu.memory_space<vmem>>, vector<16xf32>,
    %swap3A_1012 = arith.constant 11 : i32
    %swap3A_1013 = arith.index_cast %swap3A_1012 : i32 to index
    %swap3A_1014 = arith.constant 640 : index
    %swap3A_1015 = tpu.vector_load %arg6[%swap3A_1013, %swap3A_1014] {strides = array<i32>} : memref<16x1024xf32, #tpu.memory_space<vmem>>, vector<16xf32>,
    tpu.vector_store %arg6[%swap3A_1013, %swap3A_1014], %broadcast_in_dim3A_48 {strides = array<i32>} : memref<16x1024xf32, #tpu.memory_space<vmem>>, vector<16xf32>,
    %swap3A_1016 = arith.constant 12 : i32
    %swap3A_1017 = arith.index_cast %swap3A_1016 : i32 to index
    %swap3A_1018 = arith.constant 640 : index
    %swap3A_1019 = tpu.vector_load %arg6[%swap3A_1017, %swap3A_1018] {strides = array<i32>} : memref<16x1024xf32, #tpu.memory_space<vmem>>, vector<16xf32>,
    tpu.vector_store %arg6[%swap3A_1017, %swap3A_1018], %broadcast_in_dim3A_48 {strides = array<i32>} : memref<16x1024xf32, #tpu.memory_space<vmem>>, vector<16xf32>,
    %swap3A_1020 = arith.constant 13 : i32
    %swap3A_1021 = arith.index_cast %swap3A_1020 : i32 to index
    %swap3A_1022 = arith.constant 640 : index
    %swap3A_1023 = tpu.vector_load %arg6[%swap3A_1021, %swap3A_1022] {strides = array<i32>} : memref<16x1024xf32, #tpu.memory_space<vmem>>, vector<16xf32>,
    tpu.vector_store %arg6[%swap3A_1021, %swap3A_1022], %broadcast_in_dim3A_48 {strides = array<i32>} : memref<16x1024xf32, #tpu.memory_space<vmem>>, vector<16xf32>,
    %swap3A_1024 = arith.constant 14 : i32
    %swap3A_1025 = arith.index_cast %swap3A_1024 : i32 to index
    %swap3A_1026 = arith.constant 640 : index
    %swap3A_1027 = tpu.vector_load %arg6[%swap3A_1025, %swap3A_1026] {strides = array<i32>} : memref<16x1024xf32, #tpu.memory_space<vmem>>, vector<16xf32>,
    tpu.vector_store %arg6[%swap3A_1025, %swap3A_1026], %broadcast_in_dim3A_48 {strides = array<i32>} : memref<16x1024xf32, #tpu.memory_space<vmem>>, vector<16xf32>,
    %swap3A_1028 = arith.constant 15 : i32
    %swap3A_1029 = arith.index_cast %swap3A_1028 : i32 to index
    %swap3A_1030 = arith.constant 640 : index
    %swap3A_1031 = tpu.vector_load %arg6[%swap3A_1029, %swap3A_1030] {strides = array<i32>} : memref<16x1024xf32, #tpu.memory_space<vmem>>, vector<16xf32>,
    tpu.vector_store %arg6[%swap3A_1029, %swap3A_1030], %broadcast_in_dim3A_48 {strides = array<i32>} : memref<16x1024xf32, #tpu.memory_space<vmem>>, vector<16xf32>,
    %swap3A_1032 = arith.constant 10 : i32
    %swap3A_1033 = arith.index_cast %swap3A_1032 : i32 to index
    %swap3A_1034 = arith.constant 656 : index
    %swap3A_1035 = tpu.vector_load %arg6[%swap3A_1033, %swap3A_1034] {strides = array<i32>} : memref<16x1024xf32, #tpu.memory_space<vmem>>, vector<16xf32>,
    tpu.vector_store %arg6[%swap3A_1033, %swap3A_1034], %broadcast_in_dim3A_48 {strides = array<i32>} : memref<16x1024xf32, #tpu.memory_space<vmem>>, vector<16xf32>,
    %swap3A_1036 = arith.constant 11 : i32
    %swap3A_1037 = arith.index_cast %swap3A_1036 : i32 to index
    %swap3A_1038 = arith.constant 656 : index
    %swap3A_1039 = tpu.vector_load %arg6[%swap3A_1037, %swap3A_1038] {strides = array<i32>} : memref<16x1024xf32, #tpu.memory_space<vmem>>, vector<16xf32>,
    tpu.vector_store %arg6[%swap3A_1037, %swap3A_1038], %broadcast_in_dim3A_48 {strides = array<i32>} : memref<16x1024xf32, #tpu.memory_space<vmem>>, vector<16xf32>,
    %swap3A_1040 = arith.constant 12 : i32
    %swap3A_1041 = arith.index_cast %swap3A_1040 : i32 to index
    %swap3A_1042 = arith.constant 656 : index
    %swap3A_1043 = tpu.vector_load %arg6[%swap3A_1041, %swap3A_1042] {strides = array<i32>} : memref<16x1024xf32, #tpu.memory_space<vmem>>, vector<16xf32>,
    tpu.vector_store %arg6[%swap3A_1041, %swap3A_1042], %broadcast_in_dim3A_48 {strides = array<i32>} : memref<16x1024xf32, #tpu.memory_space<vmem>>, vector<16xf32>,
    %swap3A_1044 = arith.constant 13 : i32
    %swap3A_1045 = arith.index_cast %swap3A_1044 : i32 to index
    %swap3A_1046 = arith.constant 656 : index
    %swap3A_1047 = tpu.vector_load %arg6[%swap3A_1045, %swap3A_1046] {strides = array<i32>} : memref<16x1024xf32, #tpu.memory_space<vmem>>, vector<16xf32>,
    tpu.vector_store %arg6[%swap3A_1045, %swap3A_1046], %broadcast_in_dim3A_48 {strides = array<i32>} : memref<16x1024xf32, #tpu.memory_space<vmem>>, vector<16xf32>,
    %swap3A_1048 = arith.constant 14 : i32
    %swap3A_1049 = arith.index_cast %swap3A_1048 : i32 to index
    %swap3A_1050 = arith.constant 656 : index
    %swap3A_1051 = tpu.vector_load %arg6[%swap3A_1049, %swap3A_1050] {strides = array<i32>} : memref<16x1024xf32, #tpu.memory_space<vmem>>, vector<16xf32>,
    tpu.vector_store %arg6[%swap3A_1049, %swap3A_1050], %broadcast_in_dim3A_48 {strides = array<i32>} : memref<16x1024xf32, #tpu.memory_space<vmem>>, vector<16xf32>,
    %swap3A_1052 = arith.constant 15 : i32
    %swap3A_1053 = arith.index_cast %swap3A_1052 : i32 to index
    %swap3A_1054 = arith.constant 656 : index
    %swap3A_1055 = tpu.vector_load %arg6[%swap3A_1053, %swap3A_1054] {strides = array<i32>} : memref<16x1024xf32, #tpu.memory_space<vmem>>, vector<16xf32>,
    tpu.vector_store %arg6[%swap3A_1053, %swap3A_1054], %broadcast_in_dim3A_48 {strides = array<i32>} : memref<16x1024xf32, #tpu.memory_space<vmem>>, vector<16xf32>,
    %swap3A_1056 = arith.constant 10 : i32
    %swap3A_1057 = arith.index_cast %swap3A_1056 : i32 to index
    %swap3A_1058 = arith.constant 672 : index
    %swap3A_1059 = tpu.vector_load %arg6[%swap3A_1057, %swap3A_1058] {strides = array<i32>} : memref<16x1024xf32, #tpu.memory_space<vmem>>, vector<16xf32>,
    tpu.vector_store %arg6[%swap3A_1057, %swap3A_1058], %broadcast_in_dim3A_48 {strides = array<i32>} : memref<16x1024xf32, #tpu.memory_space<vmem>>, vector<16xf32>,
    %swap3A_1060 = arith.constant 11 : i32
    %swap3A_1061 = arith.index_cast %swap3A_1060 : i32 to index
    %swap3A_1062 = arith.constant 672 : index
    %swap3A_1063 = tpu.vector_load %arg6[%swap3A_1061, %swap3A_1062] {strides = array<i32>} : memref<16x1024xf32, #tpu.memory_space<vmem>>, vector<16xf32>,
    tpu.vector_store %arg6[%swap3A_1061, %swap3A_1062], %broadcast_in_dim3A_48 {strides = array<i32>} : memref<16x1024xf32, #tpu.memory_space<vmem>>, vector<16xf32>,
    %swap3A_1064 = arith.constant 12 : i32
    %swap3A_1065 = arith.index_cast %swap3A_1064 : i32 to index
    %swap3A_1066 = arith.constant 672 : index
    %swap3A_1067 = tpu.vector_load %arg6[%swap3A_1065, %swap3A_1066] {strides = array<i32>} : memref<16x1024xf32, #tpu.memory_space<vmem>>, vector<16xf32>,
    tpu.vector_store %arg6[%swap3A_1065, %swap3A_1066], %broadcast_in_dim3A_48 {strides = array<i32>} : memref<16x1024xf32, #tpu.memory_space<vmem>>, vector<16xf32>,
    %swap3A_1068 = arith.constant 13 : i32
    %swap3A_1069 = arith.index_cast %swap3A_1068 : i32 to index
    %swap3A_1070 = arith.constant 672 : index
    %swap3A_1071 = tpu.vector_load %arg6[%swap3A_1069, %swap3A_1070] {strides = array<i32>} : memref<16x1024xf32, #tpu.memory_space<vmem>>, vector<16xf32>,
    tpu.vector_store %arg6[%swap3A_1069, %swap3A_1070], %broadcast_in_dim3A_48 {strides = array<i32>} : memref<16x1024xf32, #tpu.memory_space<vmem>>, vector<16xf32>,
    %swap3A_1072 = arith.constant 14 : i32
    %swap3A_1073 = arith.index_cast %swap3A_1072 : i32 to index
    %swap3A_1074 = arith.constant 672 : index
    %swap3A_1075 = tpu.vector_load %arg6[%swap3A_1073, %swap3A_1074] {strides = array<i32>} : memref<16x1024xf32, #tpu.memory_space<vmem>>, vector<16xf32>,
    tpu.vector_store %arg6[%swap3A_1073, %swap3A_1074], %broadcast_in_dim3A_48 {strides = array<i32>} : memref<16x1024xf32, #tpu.memory_space<vmem>>, vector<16xf32>,
    %swap3A_1076 = arith.constant 15 : i32
    %swap3A_1077 = arith.index_cast %swap3A_1076 : i32 to index
    %swap3A_1078 = arith.constant 672 : index
    %swap3A_1079 = tpu.vector_load %arg6[%swap3A_1077, %swap3A_1078] {strides = array<i32>} : memref<16x1024xf32, #tpu.memory_space<vmem>>, vector<16xf32>,
    tpu.vector_store %arg6[%swap3A_1077, %swap3A_1078], %broadcast_in_dim3A_48 {strides = array<i32>} : memref<16x1024xf32, #tpu.memory_space<vmem>>, vector<16xf32>,
    %swap3A_1080 = arith.constant 10 : i32
    %swap3A_1081 = arith.index_cast %swap3A_1080 : i32 to index
    %swap3A_1082 = arith.constant 688 : index
    %swap3A_1083 = tpu.vector_load %arg6[%swap3A_1081, %swap3A_1082] {strides = array<i32>} : memref<16x1024xf32, #tpu.memory_space<vmem>>, vector<16xf32>,
    tpu.vector_store %arg6[%swap3A_1081, %swap3A_1082], %broadcast_in_dim3A_48 {strides = array<i32>} : memref<16x1024xf32, #tpu.memory_space<vmem>>, vector<16xf32>,
    %swap3A_1084 = arith.constant 11 : i32
    %swap3A_1085 = arith.index_cast %swap3A_1084 : i32 to index
    %swap3A_1086 = arith.constant 688 : index
    %swap3A_1087 = tpu.vector_load %arg6[%swap3A_1085, %swap3A_1086] {strides = array<i32>} : memref<16x1024xf32, #tpu.memory_space<vmem>>, vector<16xf32>,
    tpu.vector_store %arg6[%swap3A_1085, %swap3A_1086], %broadcast_in_dim3A_48 {strides = array<i32>} : memref<16x1024xf32, #tpu.memory_space<vmem>>, vector<16xf32>,
    %swap3A_1088 = arith.constant 12 : i32
    %swap3A_1089 = arith.index_cast %swap3A_1088 : i32 to index
    %swap3A_1090 = arith.constant 688 : index
    %swap3A_1091 = tpu.vector_load %arg6[%swap3A_1089, %swap3A_1090] {strides = array<i32>} : memref<16x1024xf32, #tpu.memory_space<vmem>>, vector<16xf32>,
    tpu.vector_store %arg6[%swap3A_1089, %swap3A_1090], %broadcast_in_dim3A_48 {strides = array<i32>} : memref<16x1024xf32, #tpu.memory_space<vmem>>, vector<16xf32>,
    %swap3A_1092 = arith.constant 13 : i32
    %swap3A_1093 = arith.index_cast %swap3A_1092 : i32 to index
    %swap3A_1094 = arith.constant 688 : index
    %swap3A_1095 = tpu.vector_load %arg6[%swap3A_1093, %swap3A_1094] {strides = array<i32>} : memref<16x1024xf32, #tpu.memory_space<vmem>>, vector<16xf32>,
    tpu.vector_store %arg6[%swap3A_1093, %swap3A_1094], %broadcast_in_dim3A_48 {strides = array<i32>} : memref<16x1024xf32, #tpu.memory_space<vmem>>, vector<16xf32>,
    %swap3A_1096 = arith.constant 14 : i32
    %swap3A_1097 = arith.index_cast %swap3A_1096 : i32 to index
    %swap3A_1098 = arith.constant 688 : index
    %swap3A_1099 = tpu.vector_load %arg6[%swap3A_1097, %swap3A_1098] {strides = array<i32>} : memref<16x1024xf32, #tpu.memory_space<vmem>>, vector<16xf32>,
    tpu.vector_store %arg6[%swap3A_1097, %swap3A_1098], %broadcast_in_dim3A_48 {strides = array<i32>} : memref<16x1024xf32, #tpu.memory_space<vmem>>, vector<16xf32>,
    %swap3A_1100 = arith.constant 15 : i32
    %swap3A_1101 = arith.index_cast %swap3A_1100 : i32 to index
    %swap3A_1102 = arith.constant 688 : index
    %swap3A_1103 = tpu.vector_load %arg6[%swap3A_1101, %swap3A_1102] {strides = array<i32>} : memref<16x1024xf32, #tpu.memory_space<vmem>>, vector<16xf32>,
    tpu.vector_store %arg6[%swap3A_1101, %swap3A_1102], %broadcast_in_dim3A_48 {strides = array<i32>} : memref<16x1024xf32, #tpu.memory_space<vmem>>, vector<16xf32>,
    %swap3A_1104 = arith.constant 10 : i32
    %swap3A_1105 = arith.index_cast %swap3A_1104 : i32 to index
    %swap3A_1106 = arith.constant 704 : index
    %swap3A_1107 = tpu.vector_load %arg6[%swap3A_1105, %swap3A_1106] {strides = array<i32>} : memref<16x1024xf32, #tpu.memory_space<vmem>>, vector<16xf32>,
    tpu.vector_store %arg6[%swap3A_1105, %swap3A_1106], %broadcast_in_dim3A_48 {strides = array<i32>} : memref<16x1024xf32, #tpu.memory_space<vmem>>, vector<16xf32>,
    %swap3A_1108 = arith.constant 11 : i32
    %swap3A_1109 = arith.index_cast %swap3A_1108 : i32 to index
    %swap3A_1110 = arith.constant 704 : index
    %swap3A_1111 = tpu.vector_load %arg6[%swap3A_1109, %swap3A_1110] {strides = array<i32>} : memref<16x1024xf32, #tpu.memory_space<vmem>>, vector<16xf32>,
    tpu.vector_store %arg6[%swap3A_1109, %swap3A_1110], %broadcast_in_dim3A_48 {strides = array<i32>} : memref<16x1024xf32, #tpu.memory_space<vmem>>, vector<16xf32>,
    %swap3A_1112 = arith.constant 12 : i32
    %swap3A_1113 = arith.index_cast %swap3A_1112 : i32 to index
    %swap3A_1114 = arith.constant 704 : index
    %swap3A_1115 = tpu.vector_load %arg6[%swap3A_1113, %swap3A_1114] {strides = array<i32>} : memref<16x1024xf32, #tpu.memory_space<vmem>>, vector<16xf32>,
    tpu.vector_store %arg6[%swap3A_1113, %swap3A_1114], %broadcast_in_dim3A_48 {strides = array<i32>} : memref<16x1024xf32, #tpu.memory_space<vmem>>, vector<16xf32>,
    %swap3A_1116 = arith.constant 13 : i32
    %swap3A_1117 = arith.index_cast %swap3A_1116 : i32 to index
    %swap3A_1118 = arith.constant 704 : index
    %swap3A_1119 = tpu.vector_load %arg6[%swap3A_1117, %swap3A_1118] {strides = array<i32>} : memref<16x1024xf32, #tpu.memory_space<vmem>>, vector<16xf32>,
    tpu.vector_store %arg6[%swap3A_1117, %swap3A_1118], %broadcast_in_dim3A_48 {strides = array<i32>} : memref<16x1024xf32, #tpu.memory_space<vmem>>, vector<16xf32>,
    %swap3A_1120 = arith.constant 14 : i32
    %swap3A_1121 = arith.index_cast %swap3A_1120 : i32 to index
    %swap3A_1122 = arith.constant 704 : index
    %swap3A_1123 = tpu.vector_load %arg6[%swap3A_1121, %swap3A_1122] {strides = array<i32>} : memref<16x1024xf32, #tpu.memory_space<vmem>>, vector<16xf32>,
    tpu.vector_store %arg6[%swap3A_1121, %swap3A_1122], %broadcast_in_dim3A_48 {strides = array<i32>} : memref<16x1024xf32, #tpu.memory_space<vmem>>, vector<16xf32>,
    %swap3A_1124 = arith.constant 15 : i32
    %swap3A_1125 = arith.index_cast %swap3A_1124 : i32 to index
    %swap3A_1126 = arith.constant 704 : index
    %swap3A_1127 = tpu.vector_load %arg6[%swap3A_1125, %swap3A_1126] {strides = array<i32>} : memref<16x1024xf32, #tpu.memory_space<vmem>>, vector<16xf32>,
    tpu.vector_store %arg6[%swap3A_1125, %swap3A_1126], %broadcast_in_dim3A_48 {strides = array<i32>} : memref<16x1024xf32, #tpu.memory_space<vmem>>, vector<16xf32>,
    %swap3A_1128 = arith.constant 10 : i32
    %swap3A_1129 = arith.index_cast %swap3A_1128 : i32 to index
    %swap3A_1130 = arith.constant 720 : index
    %swap3A_1131 = tpu.vector_load %arg6[%swap3A_1129, %swap3A_1130] {strides = array<i32>} : memref<16x1024xf32, #tpu.memory_space<vmem>>, vector<16xf32>,
    tpu.vector_store %arg6[%swap3A_1129, %swap3A_1130], %broadcast_in_dim3A_48 {strides = array<i32>} : memref<16x1024xf32, #tpu.memory_space<vmem>>, vector<16xf32>,
    %swap3A_1132 = arith.constant 11 : i32
    %swap3A_1133 = arith.index_cast %swap3A_1132 : i32 to index
    %swap3A_1134 = arith.constant 720 : index
    %swap3A_1135 = tpu.vector_load %arg6[%swap3A_1133, %swap3A_1134] {strides = array<i32>} : memref<16x1024xf32, #tpu.memory_space<vmem>>, vector<16xf32>,
    tpu.vector_store %arg6[%swap3A_1133, %swap3A_1134], %broadcast_in_dim3A_48 {strides = array<i32>} : memref<16x1024xf32, #tpu.memory_space<vmem>>, vector<16xf32>,
    %swap3A_1136 = arith.constant 12 : i32
    %swap3A_1137 = arith.index_cast %swap3A_1136 : i32 to index
    %swap3A_1138 = arith.constant 720 : index
    %swap3A_1139 = tpu.vector_load %arg6[%swap3A_1137, %swap3A_1138] {strides = array<i32>} : memref<16x1024xf32, #tpu.memory_space<vmem>>, vector<16xf32>,
    tpu.vector_store %arg6[%swap3A_1137, %swap3A_1138], %broadcast_in_dim3A_48 {strides = array<i32>} : memref<16x1024xf32, #tpu.memory_space<vmem>>, vector<16xf32>,
    %swap3A_1140 = arith.constant 13 : i32
    %swap3A_1141 = arith.index_cast %swap3A_1140 : i32 to index
    %swap3A_1142 = arith.constant 720 : index
    %swap3A_1143 = tpu.vector_load %arg6[%swap3A_1141, %swap3A_1142] {strides = array<i32>} : memref<16x1024xf32, #tpu.memory_space<vmem>>, vector<16xf32>,
    tpu.vector_store %arg6[%swap3A_1141, %swap3A_1142], %broadcast_in_dim3A_48 {strides = array<i32>} : memref<16x1024xf32, #tpu.memory_space<vmem>>, vector<16xf32>,
    %swap3A_1144 = arith.constant 14 : i32
    %swap3A_1145 = arith.index_cast %swap3A_1144 : i32 to index
    %swap3A_1146 = arith.constant 720 : index
    %swap3A_1147 = tpu.vector_load %arg6[%swap3A_1145, %swap3A_1146] {strides = array<i32>} : memref<16x1024xf32, #tpu.memory_space<vmem>>, vector<16xf32>,
    tpu.vector_store %arg6[%swap3A_1145, %swap3A_1146], %broadcast_in_dim3A_48 {strides = array<i32>} : memref<16x1024xf32, #tpu.memory_space<vmem>>, vector<16xf32>,
    %swap3A_1148 = arith.constant 15 : i32
    %swap3A_1149 = arith.index_cast %swap3A_1148 : i32 to index
    %swap3A_1150 = arith.constant 720 : index
    %swap3A_1151 = tpu.vector_load %arg6[%swap3A_1149, %swap3A_1150] {strides = array<i32>} : memref<16x1024xf32, #tpu.memory_space<vmem>>, vector<16xf32>,
    tpu.vector_store %arg6[%swap3A_1149, %swap3A_1150], %broadcast_in_dim3A_48 {strides = array<i32>} : memref<16x1024xf32, #tpu.memory_space<vmem>>, vector<16xf32>,
    %swap3A_1152 = arith.constant 10 : i32
    %swap3A_1153 = arith.index_cast %swap3A_1152 : i32 to index
    %swap3A_1154 = arith.constant 736 : index
    %swap3A_1155 = tpu.vector_load %arg6[%swap3A_1153, %swap3A_1154] {strides = array<i32>} : memref<16x1024xf32, #tpu.memory_space<vmem>>, vector<16xf32>,
    tpu.vector_store %arg6[%swap3A_1153, %swap3A_1154], %broadcast_in_dim3A_48 {strides = array<i32>} : memref<16x1024xf32, #tpu.memory_space<vmem>>, vector<16xf32>,
    %swap3A_1156 = arith.constant 11 : i32
    %swap3A_1157 = arith.index_cast %swap3A_1156 : i32 to index
    %swap3A_1158 = arith.constant 736 : index
    %swap3A_1159 = tpu.vector_load %arg6[%swap3A_1157, %swap3A_1158] {strides = array<i32>} : memref<16x1024xf32, #tpu.memory_space<vmem>>, vector<16xf32>,
    tpu.vector_store %arg6[%swap3A_1157, %swap3A_1158], %broadcast_in_dim3A_48 {strides = array<i32>} : memref<16x1024xf32, #tpu.memory_space<vmem>>, vector<16xf32>,
    %swap3A_1160 = arith.constant 12 : i32
    %swap3A_1161 = arith.index_cast %swap3A_1160 : i32 to index
    %swap3A_1162 = arith.constant 736 : index
    %swap3A_1163 = tpu.vector_load %arg6[%swap3A_1161, %swap3A_1162] {strides = array<i32>} : memref<16x1024xf32, #tpu.memory_space<vmem>>, vector<16xf32>,
    tpu.vector_store %arg6[%swap3A_1161, %swap3A_1162], %broadcast_in_dim3A_48 {strides = array<i32>} : memref<16x1024xf32, #tpu.memory_space<vmem>>, vector<16xf32>,
    %swap3A_1164 = arith.constant 13 : i32
    %swap3A_1165 = arith.index_cast %swap3A_1164 : i32 to index
    %swap3A_1166 = arith.constant 736 : index
    %swap3A_1167 = tpu.vector_load %arg6[%swap3A_1165, %swap3A_1166] {strides = array<i32>} : memref<16x1024xf32, #tpu.memory_space<vmem>>, vector<16xf32>,
    tpu.vector_store %arg6[%swap3A_1165, %swap3A_1166], %broadcast_in_dim3A_48 {strides = array<i32>} : memref<16x1024xf32, #tpu.memory_space<vmem>>, vector<16xf32>,
    %swap3A_1168 = arith.constant 14 : i32
    %swap3A_1169 = arith.index_cast %swap3A_1168 : i32 to index
    %swap3A_1170 = arith.constant 736 : index
    %swap3A_1171 = tpu.vector_load %arg6[%swap3A_1169, %swap3A_1170] {strides = array<i32>} : memref<16x1024xf32, #tpu.memory_space<vmem>>, vector<16xf32>,
    tpu.vector_store %arg6[%swap3A_1169, %swap3A_1170], %broadcast_in_dim3A_48 {strides = array<i32>} : memref<16x1024xf32, #tpu.memory_space<vmem>>, vector<16xf32>,
    %swap3A_1172 = arith.constant 15 : i32
    %swap3A_1173 = arith.index_cast %swap3A_1172 : i32 to index
    %swap3A_1174 = arith.constant 736 : index
    %swap3A_1175 = tpu.vector_load %arg6[%swap3A_1173, %swap3A_1174] {strides = array<i32>} : memref<16x1024xf32, #tpu.memory_space<vmem>>, vector<16xf32>,
    tpu.vector_store %arg6[%swap3A_1173, %swap3A_1174], %broadcast_in_dim3A_48 {strides = array<i32>} : memref<16x1024xf32, #tpu.memory_space<vmem>>, vector<16xf32>,
    %swap3A_1176 = arith.constant 10 : i32
    %swap3A_1177 = arith.index_cast %swap3A_1176 : i32 to index
    %swap3A_1178 = arith.constant 752 : index
    %swap3A_1179 = tpu.vector_load %arg6[%swap3A_1177, %swap3A_1178] {strides = array<i32>} : memref<16x1024xf32, #tpu.memory_space<vmem>>, vector<16xf32>,
    tpu.vector_store %arg6[%swap3A_1177, %swap3A_1178], %broadcast_in_dim3A_48 {strides = array<i32>} : memref<16x1024xf32, #tpu.memory_space<vmem>>, vector<16xf32>,
    %swap3A_1180 = arith.constant 11 : i32
    %swap3A_1181 = arith.index_cast %swap3A_1180 : i32 to index
    %swap3A_1182 = arith.constant 752 : index
    %swap3A_1183 = tpu.vector_load %arg6[%swap3A_1181, %swap3A_1182] {strides = array<i32>} : memref<16x1024xf32, #tpu.memory_space<vmem>>, vector<16xf32>,
    tpu.vector_store %arg6[%swap3A_1181, %swap3A_1182], %broadcast_in_dim3A_48 {strides = array<i32>} : memref<16x1024xf32, #tpu.memory_space<vmem>>, vector<16xf32>,
    %swap3A_1184 = arith.constant 12 : i32
    %swap3A_1185 = arith.index_cast %swap3A_1184 : i32 to index
    %swap3A_1186 = arith.constant 752 : index
    %swap3A_1187 = tpu.vector_load %arg6[%swap3A_1185, %swap3A_1186] {strides = array<i32>} : memref<16x1024xf32, #tpu.memory_space<vmem>>, vector<16xf32>,
    tpu.vector_store %arg6[%swap3A_1185, %swap3A_1186], %broadcast_in_dim3A_48 {strides = array<i32>} : memref<16x1024xf32, #tpu.memory_space<vmem>>, vector<16xf32>,
    %swap3A_1188 = arith.constant 13 : i32
    %swap3A_1189 = arith.index_cast %swap3A_1188 : i32 to index
    %swap3A_1190 = arith.constant 752 : index
    %swap3A_1191 = tpu.vector_load %arg6[%swap3A_1189, %swap3A_1190] {strides = array<i32>} : memref<16x1024xf32, #tpu.memory_space<vmem>>, vector<16xf32>,
    tpu.vector_store %arg6[%swap3A_1189, %swap3A_1190], %broadcast_in_dim3A_48 {strides = array<i32>} : memref<16x1024xf32, #tpu.memory_space<vmem>>, vector<16xf32>,
    %swap3A_1192 = arith.constant 14 : i32
    %swap3A_1193 = arith.index_cast %swap3A_1192 : i32 to index
    %swap3A_1194 = arith.constant 752 : index
    %swap3A_1195 = tpu.vector_load %arg6[%swap3A_1193, %swap3A_1194] {strides = array<i32>} : memref<16x1024xf32, #tpu.memory_space<vmem>>, vector<16xf32>,
    tpu.vector_store %arg6[%swap3A_1193, %swap3A_1194], %broadcast_in_dim3A_48 {strides = array<i32>} : memref<16x1024xf32, #tpu.memory_space<vmem>>, vector<16xf32>,
    %swap3A_1196 = arith.constant 15 : i32
    %swap3A_1197 = arith.index_cast %swap3A_1196 : i32 to index
    %swap3A_1198 = arith.constant 752 : index
    %swap3A_1199 = tpu.vector_load %arg6[%swap3A_1197, %swap3A_1198] {strides = array<i32>} : memref<16x1024xf32, #tpu.memory_space<vmem>>, vector<16xf32>,
    tpu.vector_store %arg6[%swap3A_1197, %swap3A_1198], %broadcast_in_dim3A_48 {strides = array<i32>} : memref<16x1024xf32, #tpu.memory_space<vmem>>, vector<16xf32>,
    %swap3A_1200 = arith.constant 10 : i32
    %swap3A_1201 = arith.index_cast %swap3A_1200 : i32 to index
    %swap3A_1202 = arith.constant 768 : index
    %swap3A_1203 = tpu.vector_load %arg6[%swap3A_1201, %swap3A_1202] {strides = array<i32>} : memref<16x1024xf32, #tpu.memory_space<vmem>>, vector<16xf32>,
    tpu.vector_store %arg6[%swap3A_1201, %swap3A_1202], %broadcast_in_dim3A_48 {strides = array<i32>} : memref<16x1024xf32, #tpu.memory_space<vmem>>, vector<16xf32>,
    %swap3A_1204 = arith.constant 11 : i32
    %swap3A_1205 = arith.index_cast %swap3A_1204 : i32 to index
    %swap3A_1206 = arith.constant 768 : index
    %swap3A_1207 = tpu.vector_load %arg6[%swap3A_1205, %swap3A_1206] {strides = array<i32>} : memref<16x1024xf32, #tpu.memory_space<vmem>>, vector<16xf32>,
    tpu.vector_store %arg6[%swap3A_1205, %swap3A_1206], %broadcast_in_dim3A_48 {strides = array<i32>} : memref<16x1024xf32, #tpu.memory_space<vmem>>, vector<16xf32>,
    %swap3A_1208 = arith.constant 12 : i32
    %swap3A_1209 = arith.index_cast %swap3A_1208 : i32 to index
    %swap3A_1210 = arith.constant 768 : index
    %swap3A_1211 = tpu.vector_load %arg6[%swap3A_1209, %swap3A_1210] {strides = array<i32>} : memref<16x1024xf32, #tpu.memory_space<vmem>>, vector<16xf32>,
    tpu.vector_store %arg6[%swap3A_1209, %swap3A_1210], %broadcast_in_dim3A_48 {strides = array<i32>} : memref<16x1024xf32, #tpu.memory_space<vmem>>, vector<16xf32>,
    %swap3A_1212 = arith.constant 13 : i32
    %swap3A_1213 = arith.index_cast %swap3A_1212 : i32 to index
    %swap3A_1214 = arith.constant 768 : index
    %swap3A_1215 = tpu.vector_load %arg6[%swap3A_1213, %swap3A_1214] {strides = array<i32>} : memref<16x1024xf32, #tpu.memory_space<vmem>>, vector<16xf32>,
    tpu.vector_store %arg6[%swap3A_1213, %swap3A_1214], %broadcast_in_dim3A_48 {strides = array<i32>} : memref<16x1024xf32, #tpu.memory_space<vmem>>, vector<16xf32>,
    %swap3A_1216 = arith.constant 14 : i32
    %swap3A_1217 = arith.index_cast %swap3A_1216 : i32 to index
    %swap3A_1218 = arith.constant 768 : index
    %swap3A_1219 = tpu.vector_load %arg6[%swap3A_1217, %swap3A_1218] {strides = array<i32>} : memref<16x1024xf32, #tpu.memory_space<vmem>>, vector<16xf32>,
    tpu.vector_store %arg6[%swap3A_1217, %swap3A_1218], %broadcast_in_dim3A_48 {strides = array<i32>} : memref<16x1024xf32, #tpu.memory_space<vmem>>, vector<16xf32>,
    %swap3A_1220 = arith.constant 15 : i32
    %swap3A_1221 = arith.index_cast %swap3A_1220 : i32 to index
    %swap3A_1222 = arith.constant 768 : index
    %swap3A_1223 = tpu.vector_load %arg6[%swap3A_1221, %swap3A_1222] {strides = array<i32>} : memref<16x1024xf32, #tpu.memory_space<vmem>>, vector<16xf32>,
    tpu.vector_store %arg6[%swap3A_1221, %swap3A_1222], %broadcast_in_dim3A_48 {strides = array<i32>} : memref<16x1024xf32, #tpu.memory_space<vmem>>, vector<16xf32>,
    %swap3A_1224 = arith.constant 10 : i32
    %swap3A_1225 = arith.index_cast %swap3A_1224 : i32 to index
    %swap3A_1226 = arith.constant 784 : index
    %swap3A_1227 = tpu.vector_load %arg6[%swap3A_1225, %swap3A_1226] {strides = array<i32>} : memref<16x1024xf32, #tpu.memory_space<vmem>>, vector<16xf32>,
    tpu.vector_store %arg6[%swap3A_1225, %swap3A_1226], %broadcast_in_dim3A_48 {strides = array<i32>} : memref<16x1024xf32, #tpu.memory_space<vmem>>, vector<16xf32>,
    %swap3A_1228 = arith.constant 11 : i32
    %swap3A_1229 = arith.index_cast %swap3A_1228 : i32 to index
    %swap3A_1230 = arith.constant 784 : index
    %swap3A_1231 = tpu.vector_load %arg6[%swap3A_1229, %swap3A_1230] {strides = array<i32>} : memref<16x1024xf32, #tpu.memory_space<vmem>>, vector<16xf32>,
    tpu.vector_store %arg6[%swap3A_1229, %swap3A_1230], %broadcast_in_dim3A_48 {strides = array<i32>} : memref<16x1024xf32, #tpu.memory_space<vmem>>, vector<16xf32>,
    %swap3A_1232 = arith.constant 12 : i32
    %swap3A_1233 = arith.index_cast %swap3A_1232 : i32 to index
    %swap3A_1234 = arith.constant 784 : index
    %swap3A_1235 = tpu.vector_load %arg6[%swap3A_1233, %swap3A_1234] {strides = array<i32>} : memref<16x1024xf32, #tpu.memory_space<vmem>>, vector<16xf32>,
    tpu.vector_store %arg6[%swap3A_1233, %swap3A_1234], %broadcast_in_dim3A_48 {strides = array<i32>} : memref<16x1024xf32, #tpu.memory_space<vmem>>, vector<16xf32>,
    %swap3A_1236 = arith.constant 13 : i32
    %swap3A_1237 = arith.index_cast %swap3A_1236 : i32 to index
    %swap3A_1238 = arith.constant 784 : index
    %swap3A_1239 = tpu.vector_load %arg6[%swap3A_1237, %swap3A_1238] {strides = array<i32>} : memref<16x1024xf32, #tpu.memory_space<vmem>>, vector<16xf32>,
    tpu.vector_store %arg6[%swap3A_1237, %swap3A_1238], %broadcast_in_dim3A_48 {strides = array<i32>} : memref<16x1024xf32, #tpu.memory_space<vmem>>, vector<16xf32>,
    %swap3A_1240 = arith.constant 14 : i32
    %swap3A_1241 = arith.index_cast %swap3A_1240 : i32 to index
    %swap3A_1242 = arith.constant 784 : index
    %swap3A_1243 = tpu.vector_load %arg6[%swap3A_1241, %swap3A_1242] {strides = array<i32>} : memref<16x1024xf32, #tpu.memory_space<vmem>>, vector<16xf32>,
    tpu.vector_store %arg6[%swap3A_1241, %swap3A_1242], %broadcast_in_dim3A_48 {strides = array<i32>} : memref<16x1024xf32, #tpu.memory_space<vmem>>, vector<16xf32>,
    %swap3A_1244 = arith.constant 15 : i32
    %swap3A_1245 = arith.index_cast %swap3A_1244 : i32 to index
    %swap3A_1246 = arith.constant 784 : index
    %swap3A_1247 = tpu.vector_load %arg6[%swap3A_1245, %swap3A_1246] {strides = array<i32>} : memref<16x1024xf32, #tpu.memory_space<vmem>>, vector<16xf32>,
    tpu.vector_store %arg6[%swap3A_1245, %swap3A_1246], %broadcast_in_dim3A_48 {strides = array<i32>} : memref<16x1024xf32, #tpu.memory_space<vmem>>, vector<16xf32>,
    %swap3A_1248 = arith.constant 10 : i32
    %swap3A_1249 = arith.index_cast %swap3A_1248 : i32 to index
    %swap3A_1250 = arith.constant 800 : index
    %swap3A_1251 = tpu.vector_load %arg6[%swap3A_1249, %swap3A_1250] {strides = array<i32>} : memref<16x1024xf32, #tpu.memory_space<vmem>>, vector<16xf32>,
    tpu.vector_store %arg6[%swap3A_1249, %swap3A_1250], %broadcast_in_dim3A_48 {strides = array<i32>} : memref<16x1024xf32, #tpu.memory_space<vmem>>, vector<16xf32>,
    %swap3A_1252 = arith.constant 11 : i32
    %swap3A_1253 = arith.index_cast %swap3A_1252 : i32 to index
    %swap3A_1254 = arith.constant 800 : index
    %swap3A_1255 = tpu.vector_load %arg6[%swap3A_1253, %swap3A_1254] {strides = array<i32>} : memref<16x1024xf32, #tpu.memory_space<vmem>>, vector<16xf32>,
    tpu.vector_store %arg6[%swap3A_1253, %swap3A_1254], %broadcast_in_dim3A_48 {strides = array<i32>} : memref<16x1024xf32, #tpu.memory_space<vmem>>, vector<16xf32>,
    %swap3A_1256 = arith.constant 12 : i32
    %swap3A_1257 = arith.index_cast %swap3A_1256 : i32 to index
    %swap3A_1258 = arith.constant 800 : index
    %swap3A_1259 = tpu.vector_load %arg6[%swap3A_1257, %swap3A_1258] {strides = array<i32>} : memref<16x1024xf32, #tpu.memory_space<vmem>>, vector<16xf32>,
    tpu.vector_store %arg6[%swap3A_1257, %swap3A_1258], %broadcast_in_dim3A_48 {strides = array<i32>} : memref<16x1024xf32, #tpu.memory_space<vmem>>, vector<16xf32>,
    %swap3A_1260 = arith.constant 13 : i32
    %swap3A_1261 = arith.index_cast %swap3A_1260 : i32 to index
    %swap3A_1262 = arith.constant 800 : index
    %swap3A_1263 = tpu.vector_load %arg6[%swap3A_1261, %swap3A_1262] {strides = array<i32>} : memref<16x1024xf32, #tpu.memory_space<vmem>>, vector<16xf32>,
    tpu.vector_store %arg6[%swap3A_1261, %swap3A_1262], %broadcast_in_dim3A_48 {strides = array<i32>} : memref<16x1024xf32, #tpu.memory_space<vmem>>, vector<16xf32>,
    %swap3A_1264 = arith.constant 14 : i32
    %swap3A_1265 = arith.index_cast %swap3A_1264 : i32 to index
    %swap3A_1266 = arith.constant 800 : index
    %swap3A_1267 = tpu.vector_load %arg6[%swap3A_1265, %swap3A_1266] {strides = array<i32>} : memref<16x1024xf32, #tpu.memory_space<vmem>>, vector<16xf32>,
    tpu.vector_store %arg6[%swap3A_1265, %swap3A_1266], %broadcast_in_dim3A_48 {strides = array<i32>} : memref<16x1024xf32, #tpu.memory_space<vmem>>, vector<16xf32>,
    %swap3A_1268 = arith.constant 15 : i32
    %swap3A_1269 = arith.index_cast %swap3A_1268 : i32 to index
    %swap3A_1270 = arith.constant 800 : index
    %swap3A_1271 = tpu.vector_load %arg6[%swap3A_1269, %swap3A_1270] {strides = array<i32>} : memref<16x1024xf32, #tpu.memory_space<vmem>>, vector<16xf32>,
    tpu.vector_store %arg6[%swap3A_1269, %swap3A_1270], %broadcast_in_dim3A_48 {strides = array<i32>} : memref<16x1024xf32, #tpu.memory_space<vmem>>, vector<16xf32>,
    %swap3A_1272 = arith.constant 10 : i32
    %swap3A_1273 = arith.index_cast %swap3A_1272 : i32 to index
    %swap3A_1274 = arith.constant 816 : index
    %swap3A_1275 = tpu.vector_load %arg6[%swap3A_1273, %swap3A_1274] {strides = array<i32>} : memref<16x1024xf32, #tpu.memory_space<vmem>>, vector<16xf32>,
    tpu.vector_store %arg6[%swap3A_1273, %swap3A_1274], %broadcast_in_dim3A_48 {strides = array<i32>} : memref<16x1024xf32, #tpu.memory_space<vmem>>, vector<16xf32>,
    %swap3A_1276 = arith.constant 11 : i32
    %swap3A_1277 = arith.index_cast %swap3A_1276 : i32 to index
    %swap3A_1278 = arith.constant 816 : index
    %swap3A_1279 = tpu.vector_load %arg6[%swap3A_1277, %swap3A_1278] {strides = array<i32>} : memref<16x1024xf32, #tpu.memory_space<vmem>>, vector<16xf32>,
    tpu.vector_store %arg6[%swap3A_1277, %swap3A_1278], %broadcast_in_dim3A_48 {strides = array<i32>} : memref<16x1024xf32, #tpu.memory_space<vmem>>, vector<16xf32>,
    %swap3A_1280 = arith.constant 12 : i32
    %swap3A_1281 = arith.index_cast %swap3A_1280 : i32 to index
    %swap3A_1282 = arith.constant 816 : index
    %swap3A_1283 = tpu.vector_load %arg6[%swap3A_1281, %swap3A_1282] {strides = array<i32>} : memref<16x1024xf32, #tpu.memory_space<vmem>>, vector<16xf32>,
    tpu.vector_store %arg6[%swap3A_1281, %swap3A_1282], %broadcast_in_dim3A_48 {strides = array<i32>} : memref<16x1024xf32, #tpu.memory_space<vmem>>, vector<16xf32>,
    %swap3A_1284 = arith.constant 13 : i32
    %swap3A_1285 = arith.index_cast %swap3A_1284 : i32 to index
    %swap3A_1286 = arith.constant 816 : index
    %swap3A_1287 = tpu.vector_load %arg6[%swap3A_1285, %swap3A_1286] {strides = array<i32>} : memref<16x1024xf32, #tpu.memory_space<vmem>>, vector<16xf32>,
    tpu.vector_store %arg6[%swap3A_1285, %swap3A_1286], %broadcast_in_dim3A_48 {strides = array<i32>} : memref<16x1024xf32, #tpu.memory_space<vmem>>, vector<16xf32>,
    %swap3A_1288 = arith.constant 14 : i32
    %swap3A_1289 = arith.index_cast %swap3A_1288 : i32 to index
    %swap3A_1290 = arith.constant 816 : index
    %swap3A_1291 = tpu.vector_load %arg6[%swap3A_1289, %swap3A_1290] {strides = array<i32>} : memref<16x1024xf32, #tpu.memory_space<vmem>>, vector<16xf32>,
    tpu.vector_store %arg6[%swap3A_1289, %swap3A_1290], %broadcast_in_dim3A_48 {strides = array<i32>} : memref<16x1024xf32, #tpu.memory_space<vmem>>, vector<16xf32>,
    %swap3A_1292 = arith.constant 15 : i32
    %swap3A_1293 = arith.index_cast %swap3A_1292 : i32 to index
    %swap3A_1294 = arith.constant 816 : index
    %swap3A_1295 = tpu.vector_load %arg6[%swap3A_1293, %swap3A_1294] {strides = array<i32>} : memref<16x1024xf32, #tpu.memory_space<vmem>>, vector<16xf32>,
    tpu.vector_store %arg6[%swap3A_1293, %swap3A_1294], %broadcast_in_dim3A_48 {strides = array<i32>} : memref<16x1024xf32, #tpu.memory_space<vmem>>, vector<16xf32>,
    %swap3A_1296 = arith.constant 10 : i32
    %swap3A_1297 = arith.index_cast %swap3A_1296 : i32 to index
    %swap3A_1298 = arith.constant 832 : index
    %swap3A_1299 = tpu.vector_load %arg6[%swap3A_1297, %swap3A_1298] {strides = array<i32>} : memref<16x1024xf32, #tpu.memory_space<vmem>>, vector<16xf32>,
    tpu.vector_store %arg6[%swap3A_1297, %swap3A_1298], %broadcast_in_dim3A_48 {strides = array<i32>} : memref<16x1024xf32, #tpu.memory_space<vmem>>, vector<16xf32>,
    %swap3A_1300 = arith.constant 11 : i32
    %swap3A_1301 = arith.index_cast %swap3A_1300 : i32 to index
    %swap3A_1302 = arith.constant 832 : index
    %swap3A_1303 = tpu.vector_load %arg6[%swap3A_1301, %swap3A_1302] {strides = array<i32>} : memref<16x1024xf32, #tpu.memory_space<vmem>>, vector<16xf32>,
    tpu.vector_store %arg6[%swap3A_1301, %swap3A_1302], %broadcast_in_dim3A_48 {strides = array<i32>} : memref<16x1024xf32, #tpu.memory_space<vmem>>, vector<16xf32>,
    %swap3A_1304 = arith.constant 12 : i32
    %swap3A_1305 = arith.index_cast %swap3A_1304 : i32 to index
    %swap3A_1306 = arith.constant 832 : index
    %swap3A_1307 = tpu.vector_load %arg6[%swap3A_1305, %swap3A_1306] {strides = array<i32>} : memref<16x1024xf32, #tpu.memory_space<vmem>>, vector<16xf32>,
    tpu.vector_store %arg6[%swap3A_1305, %swap3A_1306], %broadcast_in_dim3A_48 {strides = array<i32>} : memref<16x1024xf32, #tpu.memory_space<vmem>>, vector<16xf32>,
    %swap3A_1308 = arith.constant 13 : i32
    %swap3A_1309 = arith.index_cast %swap3A_1308 : i32 to index
    %swap3A_1310 = arith.constant 832 : index
    %swap3A_1311 = tpu.vector_load %arg6[%swap3A_1309, %swap3A_1310] {strides = array<i32>} : memref<16x1024xf32, #tpu.memory_space<vmem>>, vector<16xf32>,
    tpu.vector_store %arg6[%swap3A_1309, %swap3A_1310], %broadcast_in_dim3A_48 {strides = array<i32>} : memref<16x1024xf32, #tpu.memory_space<vmem>>, vector<16xf32>,
    %swap3A_1312 = arith.constant 14 : i32
    %swap3A_1313 = arith.index_cast %swap3A_1312 : i32 to index
    %swap3A_1314 = arith.constant 832 : index
    %swap3A_1315 = tpu.vector_load %arg6[%swap3A_1313, %swap3A_1314] {strides = array<i32>} : memref<16x1024xf32, #tpu.memory_space<vmem>>, vector<16xf32>,
    tpu.vector_store %arg6[%swap3A_1313, %swap3A_1314], %broadcast_in_dim3A_48 {strides = array<i32>} : memref<16x1024xf32, #tpu.memory_space<vmem>>, vector<16xf32>,
    %swap3A_1316 = arith.constant 15 : i32
    %swap3A_1317 = arith.index_cast %swap3A_1316 : i32 to index
    %swap3A_1318 = arith.constant 832 : index
    %swap3A_1319 = tpu.vector_load %arg6[%swap3A_1317, %swap3A_1318] {strides = array<i32>} : memref<16x1024xf32, #tpu.memory_space<vmem>>, vector<16xf32>,
    tpu.vector_store %arg6[%swap3A_1317, %swap3A_1318], %broadcast_in_dim3A_48 {strides = array<i32>} : memref<16x1024xf32, #tpu.memory_space<vmem>>, vector<16xf32>,
    %swap3A_1320 = arith.constant 10 : i32
    %swap3A_1321 = arith.index_cast %swap3A_1320 : i32 to index
    %swap3A_1322 = arith.constant 848 : index
    %swap3A_1323 = tpu.vector_load %arg6[%swap3A_1321, %swap3A_1322] {strides = array<i32>} : memref<16x1024xf32, #tpu.memory_space<vmem>>, vector<16xf32>,
    tpu.vector_store %arg6[%swap3A_1321, %swap3A_1322], %broadcast_in_dim3A_48 {strides = array<i32>} : memref<16x1024xf32, #tpu.memory_space<vmem>>, vector<16xf32>,
    %swap3A_1324 = arith.constant 11 : i32
    %swap3A_1325 = arith.index_cast %swap3A_1324 : i32 to index
    %swap3A_1326 = arith.constant 848 : index
    %swap3A_1327 = tpu.vector_load %arg6[%swap3A_1325, %swap3A_1326] {strides = array<i32>} : memref<16x1024xf32, #tpu.memory_space<vmem>>, vector<16xf32>,
    tpu.vector_store %arg6[%swap3A_1325, %swap3A_1326], %broadcast_in_dim3A_48 {strides = array<i32>} : memref<16x1024xf32, #tpu.memory_space<vmem>>, vector<16xf32>,
    %swap3A_1328 = arith.constant 12 : i32
    %swap3A_1329 = arith.index_cast %swap3A_1328 : i32 to index
    %swap3A_1330 = arith.constant 848 : index
    %swap3A_1331 = tpu.vector_load %arg6[%swap3A_1329, %swap3A_1330] {strides = array<i32>} : memref<16x1024xf32, #tpu.memory_space<vmem>>, vector<16xf32>,
    tpu.vector_store %arg6[%swap3A_1329, %swap3A_1330], %broadcast_in_dim3A_48 {strides = array<i32>} : memref<16x1024xf32, #tpu.memory_space<vmem>>, vector<16xf32>,
    %swap3A_1332 = arith.constant 13 : i32
    %swap3A_1333 = arith.index_cast %swap3A_1332 : i32 to index
    %swap3A_1334 = arith.constant 848 : index
    %swap3A_1335 = tpu.vector_load %arg6[%swap3A_1333, %swap3A_1334] {strides = array<i32>} : memref<16x1024xf32, #tpu.memory_space<vmem>>, vector<16xf32>,
    tpu.vector_store %arg6[%swap3A_1333, %swap3A_1334], %broadcast_in_dim3A_48 {strides = array<i32>} : memref<16x1024xf32, #tpu.memory_space<vmem>>, vector<16xf32>,
    %swap3A_1336 = arith.constant 14 : i32
    %swap3A_1337 = arith.index_cast %swap3A_1336 : i32 to index
    %swap3A_1338 = arith.constant 848 : index
    %swap3A_1339 = tpu.vector_load %arg6[%swap3A_1337, %swap3A_1338] {strides = array<i32>} : memref<16x1024xf32, #tpu.memory_space<vmem>>, vector<16xf32>,
    tpu.vector_store %arg6[%swap3A_1337, %swap3A_1338], %broadcast_in_dim3A_48 {strides = array<i32>} : memref<16x1024xf32, #tpu.memory_space<vmem>>, vector<16xf32>,
    %swap3A_1340 = arith.constant 15 : i32
    %swap3A_1341 = arith.index_cast %swap3A_1340 : i32 to index
    %swap3A_1342 = arith.constant 848 : index
    %swap3A_1343 = tpu.vector_load %arg6[%swap3A_1341, %swap3A_1342] {strides = array<i32>} : memref<16x1024xf32, #tpu.memory_space<vmem>>, vector<16xf32>,
    tpu.vector_store %arg6[%swap3A_1341, %swap3A_1342], %broadcast_in_dim3A_48 {strides = array<i32>} : memref<16x1024xf32, #tpu.memory_space<vmem>>, vector<16xf32>,
    %swap3A_1344 = arith.constant 10 : i32
    %swap3A_1345 = arith.index_cast %swap3A_1344 : i32 to index
    %swap3A_1346 = arith.constant 864 : index
    %swap3A_1347 = tpu.vector_load %arg6[%swap3A_1345, %swap3A_1346] {strides = array<i32>} : memref<16x1024xf32, #tpu.memory_space<vmem>>, vector<16xf32>,
    tpu.vector_store %arg6[%swap3A_1345, %swap3A_1346], %broadcast_in_dim3A_48 {strides = array<i32>} : memref<16x1024xf32, #tpu.memory_space<vmem>>, vector<16xf32>,
    %swap3A_1348 = arith.constant 11 : i32
    %swap3A_1349 = arith.index_cast %swap3A_1348 : i32 to index
    %swap3A_1350 = arith.constant 864 : index
    %swap3A_1351 = tpu.vector_load %arg6[%swap3A_1349, %swap3A_1350] {strides = array<i32>} : memref<16x1024xf32, #tpu.memory_space<vmem>>, vector<16xf32>,
    tpu.vector_store %arg6[%swap3A_1349, %swap3A_1350], %broadcast_in_dim3A_48 {strides = array<i32>} : memref<16x1024xf32, #tpu.memory_space<vmem>>, vector<16xf32>,
    %swap3A_1352 = arith.constant 12 : i32
    %swap3A_1353 = arith.index_cast %swap3A_1352 : i32 to index
    %swap3A_1354 = arith.constant 864 : index
    %swap3A_1355 = tpu.vector_load %arg6[%swap3A_1353, %swap3A_1354] {strides = array<i32>} : memref<16x1024xf32, #tpu.memory_space<vmem>>, vector<16xf32>,
    tpu.vector_store %arg6[%swap3A_1353, %swap3A_1354], %broadcast_in_dim3A_48 {strides = array<i32>} : memref<16x1024xf32, #tpu.memory_space<vmem>>, vector<16xf32>,
    %swap3A_1356 = arith.constant 13 : i32
    %swap3A_1357 = arith.index_cast %swap3A_1356 : i32 to index
    %swap3A_1358 = arith.constant 864 : index
    %swap3A_1359 = tpu.vector_load %arg6[%swap3A_1357, %swap3A_1358] {strides = array<i32>} : memref<16x1024xf32, #tpu.memory_space<vmem>>, vector<16xf32>,
    tpu.vector_store %arg6[%swap3A_1357, %swap3A_1358], %broadcast_in_dim3A_48 {strides = array<i32>} : memref<16x1024xf32, #tpu.memory_space<vmem>>, vector<16xf32>,
    %swap3A_1360 = arith.constant 14 : i32
    %swap3A_1361 = arith.index_cast %swap3A_1360 : i32 to index
    %swap3A_1362 = arith.constant 864 : index
    %swap3A_1363 = tpu.vector_load %arg6[%swap3A_1361, %swap3A_1362] {strides = array<i32>} : memref<16x1024xf32, #tpu.memory_space<vmem>>, vector<16xf32>,
    tpu.vector_store %arg6[%swap3A_1361, %swap3A_1362], %broadcast_in_dim3A_48 {strides = array<i32>} : memref<16x1024xf32, #tpu.memory_space<vmem>>, vector<16xf32>,
    %swap3A_1364 = arith.constant 15 : i32
    %swap3A_1365 = arith.index_cast %swap3A_1364 : i32 to index
    %swap3A_1366 = arith.constant 864 : index
    %swap3A_1367 = tpu.vector_load %arg6[%swap3A_1365, %swap3A_1366] {strides = array<i32>} : memref<16x1024xf32, #tpu.memory_space<vmem>>, vector<16xf32>,
    tpu.vector_store %arg6[%swap3A_1365, %swap3A_1366], %broadcast_in_dim3A_48 {strides = array<i32>} : memref<16x1024xf32, #tpu.memory_space<vmem>>, vector<16xf32>,
    %swap3A_1368 = arith.constant 10 : i32
    %swap3A_1369 = arith.index_cast %swap3A_1368 : i32 to index
    %swap3A_1370 = arith.constant 880 : index
    %swap3A_1371 = tpu.vector_load %arg6[%swap3A_1369, %swap3A_1370] {strides = array<i32>} : memref<16x1024xf32, #tpu.memory_space<vmem>>, vector<16xf32>,
    tpu.vector_store %arg6[%swap3A_1369, %swap3A_1370], %broadcast_in_dim3A_48 {strides = array<i32>} : memref<16x1024xf32, #tpu.memory_space<vmem>>, vector<16xf32>,
    %swap3A_1372 = arith.constant 11 : i32
    %swap3A_1373 = arith.index_cast %swap3A_1372 : i32 to index
    %swap3A_1374 = arith.constant 880 : index
    %swap3A_1375 = tpu.vector_load %arg6[%swap3A_1373, %swap3A_1374] {strides = array<i32>} : memref<16x1024xf32, #tpu.memory_space<vmem>>, vector<16xf32>,
    tpu.vector_store %arg6[%swap3A_1373, %swap3A_1374], %broadcast_in_dim3A_48 {strides = array<i32>} : memref<16x1024xf32, #tpu.memory_space<vmem>>, vector<16xf32>,
    %swap3A_1376 = arith.constant 12 : i32
    %swap3A_1377 = arith.index_cast %swap3A_1376 : i32 to index
    %swap3A_1378 = arith.constant 880 : index
    %swap3A_1379 = tpu.vector_load %arg6[%swap3A_1377, %swap3A_1378] {strides = array<i32>} : memref<16x1024xf32, #tpu.memory_space<vmem>>, vector<16xf32>,
    tpu.vector_store %arg6[%swap3A_1377, %swap3A_1378], %broadcast_in_dim3A_48 {strides = array<i32>} : memref<16x1024xf32, #tpu.memory_space<vmem>>, vector<16xf32>,
    %swap3A_1380 = arith.constant 13 : i32
    %swap3A_1381 = arith.index_cast %swap3A_1380 : i32 to index
    %swap3A_1382 = arith.constant 880 : index
    %swap3A_1383 = tpu.vector_load %arg6[%swap3A_1381, %swap3A_1382] {strides = array<i32>} : memref<16x1024xf32, #tpu.memory_space<vmem>>, vector<16xf32>,
    tpu.vector_store %arg6[%swap3A_1381, %swap3A_1382], %broadcast_in_dim3A_48 {strides = array<i32>} : memref<16x1024xf32, #tpu.memory_space<vmem>>, vector<16xf32>,
    %swap3A_1384 = arith.constant 14 : i32
    %swap3A_1385 = arith.index_cast %swap3A_1384 : i32 to index
    %swap3A_1386 = arith.constant 880 : index
    %swap3A_1387 = tpu.vector_load %arg6[%swap3A_1385, %swap3A_1386] {strides = array<i32>} : memref<16x1024xf32, #tpu.memory_space<vmem>>, vector<16xf32>,
    tpu.vector_store %arg6[%swap3A_1385, %swap3A_1386], %broadcast_in_dim3A_48 {strides = array<i32>} : memref<16x1024xf32, #tpu.memory_space<vmem>>, vector<16xf32>,
    %swap3A_1388 = arith.constant 15 : i32
    %swap3A_1389 = arith.index_cast %swap3A_1388 : i32 to index
    %swap3A_1390 = arith.constant 880 : index
    %swap3A_1391 = tpu.vector_load %arg6[%swap3A_1389, %swap3A_1390] {strides = array<i32>} : memref<16x1024xf32, #tpu.memory_space<vmem>>, vector<16xf32>,
    tpu.vector_store %arg6[%swap3A_1389, %swap3A_1390], %broadcast_in_dim3A_48 {strides = array<i32>} : memref<16x1024xf32, #tpu.memory_space<vmem>>, vector<16xf32>,
    %swap3A_1392 = arith.constant 10 : i32
    %swap3A_1393 = arith.index_cast %swap3A_1392 : i32 to index
    %swap3A_1394 = arith.constant 896 : index
    %swap3A_1395 = tpu.vector_load %arg6[%swap3A_1393, %swap3A_1394] {strides = array<i32>} : memref<16x1024xf32, #tpu.memory_space<vmem>>, vector<16xf32>,
    tpu.vector_store %arg6[%swap3A_1393, %swap3A_1394], %broadcast_in_dim3A_48 {strides = array<i32>} : memref<16x1024xf32, #tpu.memory_space<vmem>>, vector<16xf32>,
    %swap3A_1396 = arith.constant 11 : i32
    %swap3A_1397 = arith.index_cast %swap3A_1396 : i32 to index
    %swap3A_1398 = arith.constant 896 : index
    %swap3A_1399 = tpu.vector_load %arg6[%swap3A_1397, %swap3A_1398] {strides = array<i32>} : memref<16x1024xf32, #tpu.memory_space<vmem>>, vector<16xf32>,
    tpu.vector_store %arg6[%swap3A_1397, %swap3A_1398], %broadcast_in_dim3A_48 {strides = array<i32>} : memref<16x1024xf32, #tpu.memory_space<vmem>>, vector<16xf32>,
    %swap3A_1400 = arith.constant 12 : i32
    %swap3A_1401 = arith.index_cast %swap3A_1400 : i32 to index
    %swap3A_1402 = arith.constant 896 : index
    %swap3A_1403 = tpu.vector_load %arg6[%swap3A_1401, %swap3A_1402] {strides = array<i32>} : memref<16x1024xf32, #tpu.memory_space<vmem>>, vector<16xf32>,
    tpu.vector_store %arg6[%swap3A_1401, %swap3A_1402], %broadcast_in_dim3A_48 {strides = array<i32>} : memref<16x1024xf32, #tpu.memory_space<vmem>>, vector<16xf32>,
    %swap3A_1404 = arith.constant 13 : i32
    %swap3A_1405 = arith.index_cast %swap3A_1404 : i32 to index
    %swap3A_1406 = arith.constant 896 : index
    %swap3A_1407 = tpu.vector_load %arg6[%swap3A_1405, %swap3A_1406] {strides = array<i32>} : memref<16x1024xf32, #tpu.memory_space<vmem>>, vector<16xf32>,
    tpu.vector_store %arg6[%swap3A_1405, %swap3A_1406], %broadcast_in_dim3A_48 {strides = array<i32>} : memref<16x1024xf32, #tpu.memory_space<vmem>>, vector<16xf32>,
    %swap3A_1408 = arith.constant 14 : i32
    %swap3A_1409 = arith.index_cast %swap3A_1408 : i32 to index
    %swap3A_1410 = arith.constant 896 : index
    %swap3A_1411 = tpu.vector_load %arg6[%swap3A_1409, %swap3A_1410] {strides = array<i32>} : memref<16x1024xf32, #tpu.memory_space<vmem>>, vector<16xf32>,
    tpu.vector_store %arg6[%swap3A_1409, %swap3A_1410], %broadcast_in_dim3A_48 {strides = array<i32>} : memref<16x1024xf32, #tpu.memory_space<vmem>>, vector<16xf32>,
    %swap3A_1412 = arith.constant 15 : i32
    %swap3A_1413 = arith.index_cast %swap3A_1412 : i32 to index
    %swap3A_1414 = arith.constant 896 : index
    %swap3A_1415 = tpu.vector_load %arg6[%swap3A_1413, %swap3A_1414] {strides = array<i32>} : memref<16x1024xf32, #tpu.memory_space<vmem>>, vector<16xf32>,
    tpu.vector_store %arg6[%swap3A_1413, %swap3A_1414], %broadcast_in_dim3A_48 {strides = array<i32>} : memref<16x1024xf32, #tpu.memory_space<vmem>>, vector<16xf32>,
    %swap3A_1416 = arith.constant 10 : i32
    %swap3A_1417 = arith.index_cast %swap3A_1416 : i32 to index
    %swap3A_1418 = arith.constant 912 : index
    %swap3A_1419 = tpu.vector_load %arg6[%swap3A_1417, %swap3A_1418] {strides = array<i32>} : memref<16x1024xf32, #tpu.memory_space<vmem>>, vector<16xf32>,
    tpu.vector_store %arg6[%swap3A_1417, %swap3A_1418], %broadcast_in_dim3A_48 {strides = array<i32>} : memref<16x1024xf32, #tpu.memory_space<vmem>>, vector<16xf32>,
    %swap3A_1420 = arith.constant 11 : i32
    %swap3A_1421 = arith.index_cast %swap3A_1420 : i32 to index
    %swap3A_1422 = arith.constant 912 : index
    %swap3A_1423 = tpu.vector_load %arg6[%swap3A_1421, %swap3A_1422] {strides = array<i32>} : memref<16x1024xf32, #tpu.memory_space<vmem>>, vector<16xf32>,
    tpu.vector_store %arg6[%swap3A_1421, %swap3A_1422], %broadcast_in_dim3A_48 {strides = array<i32>} : memref<16x1024xf32, #tpu.memory_space<vmem>>, vector<16xf32>,
    %swap3A_1424 = arith.constant 12 : i32
    %swap3A_1425 = arith.index_cast %swap3A_1424 : i32 to index
    %swap3A_1426 = arith.constant 912 : index
    %swap3A_1427 = tpu.vector_load %arg6[%swap3A_1425, %swap3A_1426] {strides = array<i32>} : memref<16x1024xf32, #tpu.memory_space<vmem>>, vector<16xf32>,
    tpu.vector_store %arg6[%swap3A_1425, %swap3A_1426], %broadcast_in_dim3A_48 {strides = array<i32>} : memref<16x1024xf32, #tpu.memory_space<vmem>>, vector<16xf32>,
    %swap3A_1428 = arith.constant 13 : i32
    %swap3A_1429 = arith.index_cast %swap3A_1428 : i32 to index
    %swap3A_1430 = arith.constant 912 : index
    %swap3A_1431 = tpu.vector_load %arg6[%swap3A_1429, %swap3A_1430] {strides = array<i32>} : memref<16x1024xf32, #tpu.memory_space<vmem>>, vector<16xf32>,
    tpu.vector_store %arg6[%swap3A_1429, %swap3A_1430], %broadcast_in_dim3A_48 {strides = array<i32>} : memref<16x1024xf32, #tpu.memory_space<vmem>>, vector<16xf32>,
    %swap3A_1432 = arith.constant 14 : i32
    %swap3A_1433 = arith.index_cast %swap3A_1432 : i32 to index
    %swap3A_1434 = arith.constant 912 : index
    %swap3A_1435 = tpu.vector_load %arg6[%swap3A_1433, %swap3A_1434] {strides = array<i32>} : memref<16x1024xf32, #tpu.memory_space<vmem>>, vector<16xf32>,
    tpu.vector_store %arg6[%swap3A_1433, %swap3A_1434], %broadcast_in_dim3A_48 {strides = array<i32>} : memref<16x1024xf32, #tpu.memory_space<vmem>>, vector<16xf32>,
    %swap3A_1436 = arith.constant 15 : i32
    %swap3A_1437 = arith.index_cast %swap3A_1436 : i32 to index
    %swap3A_1438 = arith.constant 912 : index
    %swap3A_1439 = tpu.vector_load %arg6[%swap3A_1437, %swap3A_1438] {strides = array<i32>} : memref<16x1024xf32, #tpu.memory_space<vmem>>, vector<16xf32>,
    tpu.vector_store %arg6[%swap3A_1437, %swap3A_1438], %broadcast_in_dim3A_48 {strides = array<i32>} : memref<16x1024xf32, #tpu.memory_space<vmem>>, vector<16xf32>,
    %swap3A_1440 = arith.constant 10 : i32
    %swap3A_1441 = arith.index_cast %swap3A_1440 : i32 to index
    %swap3A_1442 = arith.constant 928 : index
    %swap3A_1443 = tpu.vector_load %arg6[%swap3A_1441, %swap3A_1442] {strides = array<i32>} : memref<16x1024xf32, #tpu.memory_space<vmem>>, vector<16xf32>,
    tpu.vector_store %arg6[%swap3A_1441, %swap3A_1442], %broadcast_in_dim3A_48 {strides = array<i32>} : memref<16x1024xf32, #tpu.memory_space<vmem>>, vector<16xf32>,
    %swap3A_1444 = arith.constant 11 : i32
    %swap3A_1445 = arith.index_cast %swap3A_1444 : i32 to index
    %swap3A_1446 = arith.constant 928 : index
    %swap3A_1447 = tpu.vector_load %arg6[%swap3A_1445, %swap3A_1446] {strides = array<i32>} : memref<16x1024xf32, #tpu.memory_space<vmem>>, vector<16xf32>,
    tpu.vector_store %arg6[%swap3A_1445, %swap3A_1446], %broadcast_in_dim3A_48 {strides = array<i32>} : memref<16x1024xf32, #tpu.memory_space<vmem>>, vector<16xf32>,
    %swap3A_1448 = arith.constant 12 : i32
    %swap3A_1449 = arith.index_cast %swap3A_1448 : i32 to index
    %swap3A_1450 = arith.constant 928 : index
    %swap3A_1451 = tpu.vector_load %arg6[%swap3A_1449, %swap3A_1450] {strides = array<i32>} : memref<16x1024xf32, #tpu.memory_space<vmem>>, vector<16xf32>,
    tpu.vector_store %arg6[%swap3A_1449, %swap3A_1450], %broadcast_in_dim3A_48 {strides = array<i32>} : memref<16x1024xf32, #tpu.memory_space<vmem>>, vector<16xf32>,
    %swap3A_1452 = arith.constant 13 : i32
    %swap3A_1453 = arith.index_cast %swap3A_1452 : i32 to index
    %swap3A_1454 = arith.constant 928 : index
    %swap3A_1455 = tpu.vector_load %arg6[%swap3A_1453, %swap3A_1454] {strides = array<i32>} : memref<16x1024xf32, #tpu.memory_space<vmem>>, vector<16xf32>,
    tpu.vector_store %arg6[%swap3A_1453, %swap3A_1454], %broadcast_in_dim3A_48 {strides = array<i32>} : memref<16x1024xf32, #tpu.memory_space<vmem>>, vector<16xf32>,
    %swap3A_1456 = arith.constant 14 : i32
    %swap3A_1457 = arith.index_cast %swap3A_1456 : i32 to index
    %swap3A_1458 = arith.constant 928 : index
    %swap3A_1459 = tpu.vector_load %arg6[%swap3A_1457, %swap3A_1458] {strides = array<i32>} : memref<16x1024xf32, #tpu.memory_space<vmem>>, vector<16xf32>,
    tpu.vector_store %arg6[%swap3A_1457, %swap3A_1458], %broadcast_in_dim3A_48 {strides = array<i32>} : memref<16x1024xf32, #tpu.memory_space<vmem>>, vector<16xf32>,
    %swap3A_1460 = arith.constant 15 : i32
    %swap3A_1461 = arith.index_cast %swap3A_1460 : i32 to index
    %swap3A_1462 = arith.constant 928 : index
    %swap3A_1463 = tpu.vector_load %arg6[%swap3A_1461, %swap3A_1462] {strides = array<i32>} : memref<16x1024xf32, #tpu.memory_space<vmem>>, vector<16xf32>,
    tpu.vector_store %arg6[%swap3A_1461, %swap3A_1462], %broadcast_in_dim3A_48 {strides = array<i32>} : memref<16x1024xf32, #tpu.memory_space<vmem>>, vector<16xf32>,
    %swap3A_1464 = arith.constant 10 : i32
    %swap3A_1465 = arith.index_cast %swap3A_1464 : i32 to index
    %swap3A_1466 = arith.constant 944 : index
    %swap3A_1467 = tpu.vector_load %arg6[%swap3A_1465, %swap3A_1466] {strides = array<i32>} : memref<16x1024xf32, #tpu.memory_space<vmem>>, vector<16xf32>,
    tpu.vector_store %arg6[%swap3A_1465, %swap3A_1466], %broadcast_in_dim3A_48 {strides = array<i32>} : memref<16x1024xf32, #tpu.memory_space<vmem>>, vector<16xf32>,
    %swap3A_1468 = arith.constant 11 : i32
    %swap3A_1469 = arith.index_cast %swap3A_1468 : i32 to index
    %swap3A_1470 = arith.constant 944 : index
    %swap3A_1471 = tpu.vector_load %arg6[%swap3A_1469, %swap3A_1470] {strides = array<i32>} : memref<16x1024xf32, #tpu.memory_space<vmem>>, vector<16xf32>,
    tpu.vector_store %arg6[%swap3A_1469, %swap3A_1470], %broadcast_in_dim3A_48 {strides = array<i32>} : memref<16x1024xf32, #tpu.memory_space<vmem>>, vector<16xf32>,
    %swap3A_1472 = arith.constant 12 : i32
    %swap3A_1473 = arith.index_cast %swap3A_1472 : i32 to index
    %swap3A_1474 = arith.constant 944 : index
    %swap3A_1475 = tpu.vector_load %arg6[%swap3A_1473, %swap3A_1474] {strides = array<i32>} : memref<16x1024xf32, #tpu.memory_space<vmem>>, vector<16xf32>,
    tpu.vector_store %arg6[%swap3A_1473, %swap3A_1474], %broadcast_in_dim3A_48 {strides = array<i32>} : memref<16x1024xf32, #tpu.memory_space<vmem>>, vector<16xf32>,
    %swap3A_1476 = arith.constant 13 : i32
    %swap3A_1477 = arith.index_cast %swap3A_1476 : i32 to index
    %swap3A_1478 = arith.constant 944 : index
    %swap3A_1479 = tpu.vector_load %arg6[%swap3A_1477, %swap3A_1478] {strides = array<i32>} : memref<16x1024xf32, #tpu.memory_space<vmem>>, vector<16xf32>,
    tpu.vector_store %arg6[%swap3A_1477, %swap3A_1478], %broadcast_in_dim3A_48 {strides = array<i32>} : memref<16x1024xf32, #tpu.memory_space<vmem>>, vector<16xf32>,
    %swap3A_1480 = arith.constant 14 : i32
    %swap3A_1481 = arith.index_cast %swap3A_1480 : i32 to index
    %swap3A_1482 = arith.constant 944 : index
    %swap3A_1483 = tpu.vector_load %arg6[%swap3A_1481, %swap3A_1482] {strides = array<i32>} : memref<16x1024xf32, #tpu.memory_space<vmem>>, vector<16xf32>,
    tpu.vector_store %arg6[%swap3A_1481, %swap3A_1482], %broadcast_in_dim3A_48 {strides = array<i32>} : memref<16x1024xf32, #tpu.memory_space<vmem>>, vector<16xf32>,
    %swap3A_1484 = arith.constant 15 : i32
    %swap3A_1485 = arith.index_cast %swap3A_1484 : i32 to index
    %swap3A_1486 = arith.constant 944 : index
    %swap3A_1487 = tpu.vector_load %arg6[%swap3A_1485, %swap3A_1486] {strides = array<i32>} : memref<16x1024xf32, #tpu.memory_space<vmem>>, vector<16xf32>,
    tpu.vector_store %arg6[%swap3A_1485, %swap3A_1486], %broadcast_in_dim3A_48 {strides = array<i32>} : memref<16x1024xf32, #tpu.memory_space<vmem>>, vector<16xf32>,
    %swap3A_1488 = arith.constant 10 : i32
    %swap3A_1489 = arith.index_cast %swap3A_1488 : i32 to index
    %swap3A_1490 = arith.constant 960 : index
    %swap3A_1491 = tpu.vector_load %arg6[%swap3A_1489, %swap3A_1490] {strides = array<i32>} : memref<16x1024xf32, #tpu.memory_space<vmem>>, vector<16xf32>,
    tpu.vector_store %arg6[%swap3A_1489, %swap3A_1490], %broadcast_in_dim3A_48 {strides = array<i32>} : memref<16x1024xf32, #tpu.memory_space<vmem>>, vector<16xf32>,
    %swap3A_1492 = arith.constant 11 : i32
    %swap3A_1493 = arith.index_cast %swap3A_1492 : i32 to index
    %swap3A_1494 = arith.constant 960 : index
    %swap3A_1495 = tpu.vector_load %arg6[%swap3A_1493, %swap3A_1494] {strides = array<i32>} : memref<16x1024xf32, #tpu.memory_space<vmem>>, vector<16xf32>,
    tpu.vector_store %arg6[%swap3A_1493, %swap3A_1494], %broadcast_in_dim3A_48 {strides = array<i32>} : memref<16x1024xf32, #tpu.memory_space<vmem>>, vector<16xf32>,
    %swap3A_1496 = arith.constant 12 : i32
    %swap3A_1497 = arith.index_cast %swap3A_1496 : i32 to index
    %swap3A_1498 = arith.constant 960 : index
    %swap3A_1499 = tpu.vector_load %arg6[%swap3A_1497, %swap3A_1498] {strides = array<i32>} : memref<16x1024xf32, #tpu.memory_space<vmem>>, vector<16xf32>,
    tpu.vector_store %arg6[%swap3A_1497, %swap3A_1498], %broadcast_in_dim3A_48 {strides = array<i32>} : memref<16x1024xf32, #tpu.memory_space<vmem>>, vector<16xf32>,
    %swap3A_1500 = arith.constant 13 : i32
    %swap3A_1501 = arith.index_cast %swap3A_1500 : i32 to index
    %swap3A_1502 = arith.constant 960 : index
    %swap3A_1503 = tpu.vector_load %arg6[%swap3A_1501, %swap3A_1502] {strides = array<i32>} : memref<16x1024xf32, #tpu.memory_space<vmem>>, vector<16xf32>,
    tpu.vector_store %arg6[%swap3A_1501, %swap3A_1502], %broadcast_in_dim3A_48 {strides = array<i32>} : memref<16x1024xf32, #tpu.memory_space<vmem>>, vector<16xf32>,
    %swap3A_1504 = arith.constant 14 : i32
    %swap3A_1505 = arith.index_cast %swap3A_1504 : i32 to index
    %swap3A_1506 = arith.constant 960 : index
    %swap3A_1507 = tpu.vector_load %arg6[%swap3A_1505, %swap3A_1506] {strides = array<i32>} : memref<16x1024xf32, #tpu.memory_space<vmem>>, vector<16xf32>,
    tpu.vector_store %arg6[%swap3A_1505, %swap3A_1506], %broadcast_in_dim3A_48 {strides = array<i32>} : memref<16x1024xf32, #tpu.memory_space<vmem>>, vector<16xf32>,
    %swap3A_1508 = arith.constant 15 : i32
    %swap3A_1509 = arith.index_cast %swap3A_1508 : i32 to index
    %swap3A_1510 = arith.constant 960 : index
    %swap3A_1511 = tpu.vector_load %arg6[%swap3A_1509, %swap3A_1510] {strides = array<i32>} : memref<16x1024xf32, #tpu.memory_space<vmem>>, vector<16xf32>,
    tpu.vector_store %arg6[%swap3A_1509, %swap3A_1510], %broadcast_in_dim3A_48 {strides = array<i32>} : memref<16x1024xf32, #tpu.memory_space<vmem>>, vector<16xf32>,
    %swap3A_1512 = arith.constant 10 : i32
    %swap3A_1513 = arith.index_cast %swap3A_1512 : i32 to index
    %swap3A_1514 = arith.constant 976 : index
    %swap3A_1515 = tpu.vector_load %arg6[%swap3A_1513, %swap3A_1514] {strides = array<i32>} : memref<16x1024xf32, #tpu.memory_space<vmem>>, vector<16xf32>,
    tpu.vector_store %arg6[%swap3A_1513, %swap3A_1514], %broadcast_in_dim3A_48 {strides = array<i32>} : memref<16x1024xf32, #tpu.memory_space<vmem>>, vector<16xf32>,
    %swap3A_1516 = arith.constant 11 : i32
    %swap3A_1517 = arith.index_cast %swap3A_1516 : i32 to index
    %swap3A_1518 = arith.constant 976 : index
    %swap3A_1519 = tpu.vector_load %arg6[%swap3A_1517, %swap3A_1518] {strides = array<i32>} : memref<16x1024xf32, #tpu.memory_space<vmem>>, vector<16xf32>,
    tpu.vector_store %arg6[%swap3A_1517, %swap3A_1518], %broadcast_in_dim3A_48 {strides = array<i32>} : memref<16x1024xf32, #tpu.memory_space<vmem>>, vector<16xf32>,
    %swap3A_1520 = arith.constant 12 : i32
    %swap3A_1521 = arith.index_cast %swap3A_1520 : i32 to index
    %swap3A_1522 = arith.constant 976 : index
    %swap3A_1523 = tpu.vector_load %arg6[%swap3A_1521, %swap3A_1522] {strides = array<i32>} : memref<16x1024xf32, #tpu.memory_space<vmem>>, vector<16xf32>,
    tpu.vector_store %arg6[%swap3A_1521, %swap3A_1522], %broadcast_in_dim3A_48 {strides = array<i32>} : memref<16x1024xf32, #tpu.memory_space<vmem>>, vector<16xf32>,
    %swap3A_1524 = arith.constant 13 : i32
    %swap3A_1525 = arith.index_cast %swap3A_1524 : i32 to index
    %swap3A_1526 = arith.constant 976 : index
    %swap3A_1527 = tpu.vector_load %arg6[%swap3A_1525, %swap3A_1526] {strides = array<i32>} : memref<16x1024xf32, #tpu.memory_space<vmem>>, vector<16xf32>,
    tpu.vector_store %arg6[%swap3A_1525, %swap3A_1526], %broadcast_in_dim3A_48 {strides = array<i32>} : memref<16x1024xf32, #tpu.memory_space<vmem>>, vector<16xf32>,
    %swap3A_1528 = arith.constant 14 : i32
    %swap3A_1529 = arith.index_cast %swap3A_1528 : i32 to index
    %swap3A_1530 = arith.constant 976 : index
    %swap3A_1531 = tpu.vector_load %arg6[%swap3A_1529, %swap3A_1530] {strides = array<i32>} : memref<16x1024xf32, #tpu.memory_space<vmem>>, vector<16xf32>,
    tpu.vector_store %arg6[%swap3A_1529, %swap3A_1530], %broadcast_in_dim3A_48 {strides = array<i32>} : memref<16x1024xf32, #tpu.memory_space<vmem>>, vector<16xf32>,
    %swap3A_1532 = arith.constant 15 : i32
    %swap3A_1533 = arith.index_cast %swap3A_1532 : i32 to index
    %swap3A_1534 = arith.constant 976 : index
    %swap3A_1535 = tpu.vector_load %arg6[%swap3A_1533, %swap3A_1534] {strides = array<i32>} : memref<16x1024xf32, #tpu.memory_space<vmem>>, vector<16xf32>,
    tpu.vector_store %arg6[%swap3A_1533, %swap3A_1534], %broadcast_in_dim3A_48 {strides = array<i32>} : memref<16x1024xf32, #tpu.memory_space<vmem>>, vector<16xf32>,
    %swap3A_1536 = arith.constant 10 : i32
    %swap3A_1537 = arith.index_cast %swap3A_1536 : i32 to index
    %swap3A_1538 = arith.constant 992 : index
    %swap3A_1539 = tpu.vector_load %arg6[%swap3A_1537, %swap3A_1538] {strides = array<i32>} : memref<16x1024xf32, #tpu.memory_space<vmem>>, vector<16xf32>,
    tpu.vector_store %arg6[%swap3A_1537, %swap3A_1538], %broadcast_in_dim3A_48 {strides = array<i32>} : memref<16x1024xf32, #tpu.memory_space<vmem>>, vector<16xf32>,
    %swap3A_1540 = arith.constant 11 : i32
    %swap3A_1541 = arith.index_cast %swap3A_1540 : i32 to index
    %swap3A_1542 = arith.constant 992 : index
    %swap3A_1543 = tpu.vector_load %arg6[%swap3A_1541, %swap3A_1542] {strides = array<i32>} : memref<16x1024xf32, #tpu.memory_space<vmem>>, vector<16xf32>,
    tpu.vector_store %arg6[%swap3A_1541, %swap3A_1542], %broadcast_in_dim3A_48 {strides = array<i32>} : memref<16x1024xf32, #tpu.memory_space<vmem>>, vector<16xf32>,
    %swap3A_1544 = arith.constant 12 : i32
    %swap3A_1545 = arith.index_cast %swap3A_1544 : i32 to index
    %swap3A_1546 = arith.constant 992 : index
    %swap3A_1547 = tpu.vector_load %arg6[%swap3A_1545, %swap3A_1546] {strides = array<i32>} : memref<16x1024xf32, #tpu.memory_space<vmem>>, vector<16xf32>,
    tpu.vector_store %arg6[%swap3A_1545, %swap3A_1546], %broadcast_in_dim3A_48 {strides = array<i32>} : memref<16x1024xf32, #tpu.memory_space<vmem>>, vector<16xf32>,
    %swap3A_1548 = arith.constant 13 : i32
    %swap3A_1549 = arith.index_cast %swap3A_1548 : i32 to index
    %swap3A_1550 = arith.constant 992 : index
    %swap3A_1551 = tpu.vector_load %arg6[%swap3A_1549, %swap3A_1550] {strides = array<i32>} : memref<16x1024xf32, #tpu.memory_space<vmem>>, vector<16xf32>,
    tpu.vector_store %arg6[%swap3A_1549, %swap3A_1550], %broadcast_in_dim3A_48 {strides = array<i32>} : memref<16x1024xf32, #tpu.memory_space<vmem>>, vector<16xf32>,
    %swap3A_1552 = arith.constant 14 : i32
    %swap3A_1553 = arith.index_cast %swap3A_1552 : i32 to index
    %swap3A_1554 = arith.constant 992 : index
    %swap3A_1555 = tpu.vector_load %arg6[%swap3A_1553, %swap3A_1554] {strides = array<i32>} : memref<16x1024xf32, #tpu.memory_space<vmem>>, vector<16xf32>,
    tpu.vector_store %arg6[%swap3A_1553, %swap3A_1554], %broadcast_in_dim3A_48 {strides = array<i32>} : memref<16x1024xf32, #tpu.memory_space<vmem>>, vector<16xf32>,
    %swap3A_1556 = arith.constant 15 : i32
    %swap3A_1557 = arith.index_cast %swap3A_1556 : i32 to index
    %swap3A_1558 = arith.constant 992 : index
    %swap3A_1559 = tpu.vector_load %arg6[%swap3A_1557, %swap3A_1558] {strides = array<i32>} : memref<16x1024xf32, #tpu.memory_space<vmem>>, vector<16xf32>,
    tpu.vector_store %arg6[%swap3A_1557, %swap3A_1558], %broadcast_in_dim3A_48 {strides = array<i32>} : memref<16x1024xf32, #tpu.memory_space<vmem>>, vector<16xf32>,
    %swap3A_1560 = arith.constant 10 : i32
    %swap3A_1561 = arith.index_cast %swap3A_1560 : i32 to index
    %swap3A_1562 = arith.constant 1008 : index
    %swap3A_1563 = tpu.vector_load %arg6[%swap3A_1561, %swap3A_1562] {strides = array<i32>} : memref<16x1024xf32, #tpu.memory_space<vmem>>, vector<16xf32>,
    tpu.vector_store %arg6[%swap3A_1561, %swap3A_1562], %broadcast_in_dim3A_48 {strides = array<i32>} : memref<16x1024xf32, #tpu.memory_space<vmem>>, vector<16xf32>,
    %swap3A_1564 = arith.constant 11 : i32
    %swap3A_1565 = arith.index_cast %swap3A_1564 : i32 to index
    %swap3A_1566 = arith.constant 1008 : index
    %swap3A_1567 = tpu.vector_load %arg6[%swap3A_1565, %swap3A_1566] {strides = array<i32>} : memref<16x1024xf32, #tpu.memory_space<vmem>>, vector<16xf32>,
    tpu.vector_store %arg6[%swap3A_1565, %swap3A_1566], %broadcast_in_dim3A_48 {strides = array<i32>} : memref<16x1024xf32, #tpu.memory_space<vmem>>, vector<16xf32>,
    %swap3A_1568 = arith.constant 12 : i32
    %swap3A_1569 = arith.index_cast %swap3A_1568 : i32 to index
    %swap3A_1570 = arith.constant 1008 : index
    %swap3A_1571 = tpu.vector_load %arg6[%swap3A_1569, %swap3A_1570] {strides = array<i32>} : memref<16x1024xf32, #tpu.memory_space<vmem>>, vector<16xf32>,
    tpu.vector_store %arg6[%swap3A_1569, %swap3A_1570], %broadcast_in_dim3A_48 {strides = array<i32>} : memref<16x1024xf32, #tpu.memory_space<vmem>>, vector<16xf32>,
    %swap3A_1572 = arith.constant 13 : i32
    %swap3A_1573 = arith.index_cast %swap3A_1572 : i32 to index
    %swap3A_1574 = arith.constant 1008 : index
    %swap3A_1575 = tpu.vector_load %arg6[%swap3A_1573, %swap3A_1574] {strides = array<i32>} : memref<16x1024xf32, #tpu.memory_space<vmem>>, vector<16xf32>,
    tpu.vector_store %arg6[%swap3A_1573, %swap3A_1574], %broadcast_in_dim3A_48 {strides = array<i32>} : memref<16x1024xf32, #tpu.memory_space<vmem>>, vector<16xf32>,
    %swap3A_1576 = arith.constant 14 : i32
    %swap3A_1577 = arith.index_cast %swap3A_1576 : i32 to index
    %swap3A_1578 = arith.constant 1008 : index
    %swap3A_1579 = tpu.vector_load %arg6[%swap3A_1577, %swap3A_1578] {strides = array<i32>} : memref<16x1024xf32, #tpu.memory_space<vmem>>, vector<16xf32>,
    tpu.vector_store %arg6[%swap3A_1577, %swap3A_1578], %broadcast_in_dim3A_48 {strides = array<i32>} : memref<16x1024xf32, #tpu.memory_space<vmem>>, vector<16xf32>,
    %swap3A_1580 = arith.constant 15 : i32
    %swap3A_1581 = arith.index_cast %swap3A_1580 : i32 to index
    %swap3A_1582 = arith.constant 1008 : index
    %swap3A_1583 = tpu.vector_load %arg6[%swap3A_1581, %swap3A_1582] {strides = array<i32>} : memref<16x1024xf32, #tpu.memory_space<vmem>>, vector<16xf32>,
    tpu.vector_store %arg6[%swap3A_1581, %swap3A_1582], %broadcast_in_dim3A_48 {strides = array<i32>} : memref<16x1024xf32, #tpu.memory_space<vmem>>, vector<16xf32>,
    %mul3A_1584 = arith.constant 16 : i32
    %mul3A_1585 = arith.muli %select_n3A, %mul3A_1584 : i32
    "tpu.region"() ({
      %run_scoped3A = tpu.sem_alloc : memref<!tpu.dma_semaphore, #tpu.memory_space<semaphore_mem>>
      %dma_start3A_1586 = tpu.memref_slice %arg3[%mul3A_1585, %mul3A_32] : memref<32x16384xf32, #tpu.memory_space<hbm>> -> memref<16x1024xf32, #tpu.memory_space<hbm>>
      %dma_start3A_1587 = tpu.memref_slice %arg3[%mul3A_1585, %mul3A_32] : memref<32x16384xf32, #tpu.memory_space<hbm>> -> memref<16x1024xf32, #tpu.memory_space<hbm>>
      tpu.enqueue_dma source(%arg6 : memref<16x1024xf32, #tpu.memory_space<vmem>>) target(%dma_start3A_1587 : memref<16x1024xf32, #tpu.memory_space<hbm>>) target_semaphore(%run_scoped3A : memref<!tpu.dma_semaphore, #tpu.memory_space<semaphore_mem>>)
      %dma_wait3A_1588 = tpu.memref_slice %arg3[%mul3A_1585, %mul3A_32] : memref<32x16384xf32, #tpu.memory_space<hbm>> -> memref<16x1024xf32, #tpu.memory_space<hbm>>
      %dma_wait3A_1589 = tpu.memref_slice %arg3[%mul3A_1585, %mul3A_32] : memref<32x16384xf32, #tpu.memory_space<hbm>> -> memref<16x1024xf32, #tpu.memory_space<hbm>>
      tpu.wait_dma2 semaphore(%run_scoped3A : memref<!tpu.dma_semaphore, #tpu.memory_space<semaphore_mem>>) src(%arg6 : memref<16x1024xf32, #tpu.memory_space<vmem>>) dst(%dma_wait3A_1589 : memref<16x1024xf32, #tpu.memory_space<hbm>>)
      tpu.yield
    }) : () -> ()
    return
  }
}

module attributes {stable_mosaic.version = 14 : i64} {
  func.func @_tc_dense_body(%arg0: memref<32x16384xf32, #tpu.memory_space<vmem>>, %arg1: memref<10x16384xf32, #tpu.memory_space<vmem>>, %arg2: memref<32x96xf32, #tpu.memory_space<vmem>>, %arg3: memref<4x16384xf32, #tpu.memory_space<vmem>>) attributes {dimension_semantics = [], scalar_prefetch = 0 : i64, scratch_operands = 0 : i64, tpu.core_type = #tpu.core_type<tc>} {
    %get3A = arith.constant 16 : index
    %get3A_0 = arith.constant 48 : index
    %get3A_1 = vector.load %arg2[%get3A, %get3A_0] : memref<32x96xf32, #tpu.memory_space<vmem>>, vector<16x32xf32>
    %transpose3A = tpu.transpose %get3A_1, [1, 0] : vector<16x32xf32> -> vector<32x16xf32>
    %get3A_2 = arith.constant 0 : index
    %get3A_3 = arith.constant 0 : index
    %get3A_4 = vector.load %arg2[%get3A_2, %get3A_3] : memref<32x96xf32, #tpu.memory_space<vmem>>, vector<32x96xf32>
    %get3A_5 = arith.constant 0 : index
    %get3A_6 = arith.constant 0 : index
    %get3A_7 = vector.load %arg0[%get3A_5, %get3A_6] : memref<32x16384xf32, #tpu.memory_space<vmem>>, vector<32x16384xf32>
    %get3A_8 = arith.constant 0 : index
    %get3A_9 = arith.constant 0 : index
    %get3A_10 = vector.load %arg1[%get3A_8, %get3A_9] : memref<10x16384xf32, #tpu.memory_space<vmem>>, vector<10x16384xf32>
    %slice3A = vector.extract_strided_slice %get3A_7 {offsets = [0, 0], sizes = [16, 16384], strides = [1, 1]} : vector<32x16384xf32> to vector<16x16384xf32>
    %slice3A_11 = vector.extract_strided_slice %transpose3A {offsets = [0, 0], sizes = [16, 1], strides = [1, 1]} : vector<32x16xf32> to vector<16x1xf32>
    %slice3A_12 = vector.extract_strided_slice %transpose3A {offsets = [0, 1], sizes = [16, 1], strides = [1, 1]} : vector<32x16xf32> to vector<16x1xf32>
    %reduce_sum3A = arith.constant dense<0.000000e+00> : vector<16xf32>
    %reduce_sum3A_13 = vector.multi_reduction <add>, %slice3A, %reduce_sum3A [1] : vector<16x16384xf32> to vector<16xf32>
    %broadcast_in_dim3A = vector.shape_cast %reduce_sum3A_13 : vector<16xf32> to vector<16x1xf32>
    %mul3A = arith.constant 6.10351563E-5 : f32
    %mul3A_14 = vector.broadcast %mul3A : f32 to vector<16x1xf32>
    %mul3A_15 = arith.mulf %broadcast_in_dim3A, %mul3A_14 : vector<16x1xf32>
    %sub3A = vector.broadcast %mul3A_15 : vector<16x1xf32> to vector<16x16384xf32>
    %sub3A_16 = arith.subf %slice3A, %sub3A : vector<16x16384xf32>
    %mul3A_17 = arith.mulf %sub3A_16, %sub3A_16 : vector<16x16384xf32>
    %reduce_sum3A_18 = arith.constant dense<0.000000e+00> : vector<16xf32>
    %reduce_sum3A_19 = vector.multi_reduction <add>, %mul3A_17, %reduce_sum3A_18 [1] : vector<16x16384xf32> to vector<16xf32>
    %broadcast_in_dim3A_20 = vector.shape_cast %reduce_sum3A_19 : vector<16xf32> to vector<16x1xf32>
    %mul3A_21 = arith.constant 6.10351563E-5 : f32
    %mul3A_22 = vector.broadcast %mul3A_21 : f32 to vector<16x1xf32>
    %mul3A_23 = arith.mulf %broadcast_in_dim3A_20, %mul3A_22 : vector<16x1xf32>
    %add3A = arith.constant 9.99999974E-6 : f32
    %add3A_24 = vector.broadcast %add3A : f32 to vector<16x1xf32>
    %add3A_25 = arith.addf %mul3A_23, %add3A_24 : vector<16x1xf32>
    %rsqrt3A = math.rsqrt %add3A_25 : vector<16x1xf32>
    %mul3A_26 = arith.mulf %slice3A_11, %rsqrt3A : vector<16x1xf32>
    %mul3A_27 = vector.broadcast %mul3A_26 : vector<16x1xf32> to vector<16x16384xf32>
    %mul3A_28 = arith.mulf %sub3A_16, %mul3A_27 : vector<16x16384xf32>
    %add3A_29 = vector.broadcast %slice3A_12 : vector<16x1xf32> to vector<16x16384xf32>
    %add3A_30 = arith.addf %mul3A_28, %add3A_29 : vector<16x16384xf32>
    %slice3A_31 = vector.extract_strided_slice %get3A_7 {offsets = [16, 0], sizes = [16, 16384], strides = [1, 1]} : vector<32x16384xf32> to vector<16x16384xf32>
    %slice3A_32 = vector.extract_strided_slice %transpose3A {offsets = [0, 2], sizes = [16, 1], strides = [1, 1]} : vector<32x16xf32> to vector<16x1xf32>
    %slice3A_33 = vector.extract_strided_slice %transpose3A {offsets = [0, 3], sizes = [16, 1], strides = [1, 1]} : vector<32x16xf32> to vector<16x1xf32>
    %reduce_sum3A_34 = arith.constant dense<0.000000e+00> : vector<16xf32>
    %reduce_sum3A_35 = vector.multi_reduction <add>, %slice3A_31, %reduce_sum3A_34 [1] : vector<16x16384xf32> to vector<16xf32>
    %broadcast_in_dim3A_36 = vector.shape_cast %reduce_sum3A_35 : vector<16xf32> to vector<16x1xf32>
    %mul3A_37 = arith.constant 6.10351563E-5 : f32
    %mul3A_38 = vector.broadcast %mul3A_37 : f32 to vector<16x1xf32>
    %mul3A_39 = arith.mulf %broadcast_in_dim3A_36, %mul3A_38 : vector<16x1xf32>
    %sub3A_40 = vector.broadcast %mul3A_39 : vector<16x1xf32> to vector<16x16384xf32>
    %sub3A_41 = arith.subf %slice3A_31, %sub3A_40 : vector<16x16384xf32>
    %mul3A_42 = arith.mulf %sub3A_41, %sub3A_41 : vector<16x16384xf32>
    %reduce_sum3A_43 = arith.constant dense<0.000000e+00> : vector<16xf32>
    %reduce_sum3A_44 = vector.multi_reduction <add>, %mul3A_42, %reduce_sum3A_43 [1] : vector<16x16384xf32> to vector<16xf32>
    %broadcast_in_dim3A_45 = vector.shape_cast %reduce_sum3A_44 : vector<16xf32> to vector<16x1xf32>
    %mul3A_46 = arith.constant 6.10351563E-5 : f32
    %mul3A_47 = vector.broadcast %mul3A_46 : f32 to vector<16x1xf32>
    %mul3A_48 = arith.mulf %broadcast_in_dim3A_45, %mul3A_47 : vector<16x1xf32>
    %add3A_49 = arith.constant 9.99999974E-6 : f32
    %add3A_50 = vector.broadcast %add3A_49 : f32 to vector<16x1xf32>
    %add3A_51 = arith.addf %mul3A_48, %add3A_50 : vector<16x1xf32>
    %rsqrt3A_52 = math.rsqrt %add3A_51 : vector<16x1xf32>
    %mul3A_53 = arith.mulf %slice3A_32, %rsqrt3A_52 : vector<16x1xf32>
    %mul3A_54 = vector.broadcast %mul3A_53 : vector<16x1xf32> to vector<16x16384xf32>
    %mul3A_55 = arith.mulf %sub3A_41, %mul3A_54 : vector<16x16384xf32>
    %add3A_56 = vector.broadcast %slice3A_33 : vector<16x1xf32> to vector<16x16384xf32>
    %add3A_57 = arith.addf %mul3A_55, %add3A_56 : vector<16x16384xf32>
    %slice3A_58 = vector.extract_strided_slice %transpose3A {offsets = [0, 4], sizes = [10, 1], strides = [1, 1]} : vector<32x16xf32> to vector<10x1xf32>
    %slice3A_59 = vector.extract_strided_slice %transpose3A {offsets = [0, 5], sizes = [10, 1], strides = [1, 1]} : vector<32x16xf32> to vector<10x1xf32>
    %reduce_sum3A_60 = arith.constant dense<0.000000e+00> : vector<10xf32>
    %reduce_sum3A_61 = vector.multi_reduction <add>, %get3A_10, %reduce_sum3A_60 [1] : vector<10x16384xf32> to vector<10xf32>
    %broadcast_in_dim3A_62 = vector.shape_cast %reduce_sum3A_61 : vector<10xf32> to vector<10x1xf32>
    %mul3A_63 = arith.constant 6.10351563E-5 : f32
    %mul3A_64 = vector.broadcast %mul3A_63 : f32 to vector<10x1xf32>
    %mul3A_65 = arith.mulf %broadcast_in_dim3A_62, %mul3A_64 : vector<10x1xf32>
    %sub3A_66 = vector.broadcast %mul3A_65 : vector<10x1xf32> to vector<10x16384xf32>
    %sub3A_67 = arith.subf %get3A_10, %sub3A_66 : vector<10x16384xf32>
    %mul3A_68 = arith.mulf %sub3A_67, %sub3A_67 : vector<10x16384xf32>
    %reduce_sum3A_69 = arith.constant dense<0.000000e+00> : vector<10xf32>
    %reduce_sum3A_70 = vector.multi_reduction <add>, %mul3A_68, %reduce_sum3A_69 [1] : vector<10x16384xf32> to vector<10xf32>
    %broadcast_in_dim3A_71 = vector.shape_cast %reduce_sum3A_70 : vector<10xf32> to vector<10x1xf32>
    %mul3A_72 = arith.constant 6.10351563E-5 : f32
    %mul3A_73 = vector.broadcast %mul3A_72 : f32 to vector<10x1xf32>
    %mul3A_74 = arith.mulf %broadcast_in_dim3A_71, %mul3A_73 : vector<10x1xf32>
    %add3A_75 = arith.constant 9.99999974E-6 : f32
    %add3A_76 = vector.broadcast %add3A_75 : f32 to vector<10x1xf32>
    %add3A_77 = arith.addf %mul3A_74, %add3A_76 : vector<10x1xf32>
    %rsqrt3A_78 = math.rsqrt %add3A_77 : vector<10x1xf32>
    %mul3A_79 = arith.mulf %slice3A_58, %rsqrt3A_78 : vector<10x1xf32>
    %mul3A_80 = vector.broadcast %mul3A_79 : vector<10x1xf32> to vector<10x16384xf32>
    %mul3A_81 = arith.mulf %sub3A_67, %mul3A_80 : vector<10x16384xf32>
    %add3A_82 = vector.broadcast %slice3A_59 : vector<10x1xf32> to vector<10x16384xf32>
    %add3A_83 = arith.addf %mul3A_81, %add3A_82 : vector<10x16384xf32>
    %slice3A_84 = vector.extract_strided_slice %get3A_4 {offsets = [0, 0], sizes = [32, 16], strides = [1, 1]} : vector<32x96xf32> to vector<32x16xf32>
    %dot_general3A = arith.constant dense<0.000000e+00> : vector<32x16384xf32>
    %dot_general3A_85 = tpu.matmul %slice3A_84, %add3A_30, %dot_general3A {dimension_numbers = #tpu.dot_dimension_numbers<[1], [0], [0], [1], [0, 0, 1, 1], [], []>, transpose_lhs_hint = false} : vector<32x16xf32>, vector<16x16384xf32>, vector<32x16384xf32> -> vector<32x16384xf32>
    %slice3A_86 = vector.extract_strided_slice %get3A_4 {offsets = [0, 16], sizes = [32, 16], strides = [1, 1]} : vector<32x96xf32> to vector<32x16xf32>
    %dot_general3A_87 = arith.constant dense<0.000000e+00> : vector<32x16384xf32>
    %dot_general3A_88 = tpu.matmul %slice3A_86, %add3A_57, %dot_general3A_87 {dimension_numbers = #tpu.dot_dimension_numbers<[1], [0], [0], [1], [0, 0, 1, 1], [], []>, transpose_lhs_hint = false} : vector<32x16xf32>, vector<16x16384xf32>, vector<32x16384xf32> -> vector<32x16384xf32>
    %add3A_89 = arith.addf %dot_general3A_85, %dot_general3A_88 : vector<32x16384xf32>
    %slice3A_90 = vector.extract_strided_slice %get3A_4 {offsets = [0, 32], sizes = [32, 10], strides = [1, 1]} : vector<32x96xf32> to vector<32x10xf32>
    %dot_general3A_91 = arith.constant dense<0.000000e+00> : vector<32x16384xf32>
    %dot_general3A_92 = tpu.matmul %slice3A_90, %add3A_83, %dot_general3A_91 {dimension_numbers = #tpu.dot_dimension_numbers<[1], [0], [0], [1], [0, 0, 1, 1], [], []>, transpose_lhs_hint = false} : vector<32x10xf32>, vector<10x16384xf32>, vector<32x16384xf32> -> vector<32x16384xf32>
    %add3A_93 = arith.addf %add3A_89, %dot_general3A_92 : vector<32x16384xf32>
    %slice3A_94 = vector.extract_strided_slice %transpose3A {offsets = [0, 6], sizes = [32, 1], strides = [1, 1]} : vector<32x16xf32> to vector<32x1xf32>
    %add3A_95 = vector.broadcast %slice3A_94 : vector<32x1xf32> to vector<32x16384xf32>
    %add3A_96 = arith.addf %add3A_93, %add3A_95 : vector<32x16384xf32>
    %max3A = arith.constant 0.000000e+00 : f32
    %max3A_97 = vector.broadcast %max3A : f32 to vector<32x16384xf32>
    %max3A_98 = arith.maximumf %add3A_96, %max3A_97 : vector<32x16384xf32>
    %slice3A_99 = vector.extract_strided_slice %get3A_4 {offsets = [0, 48], sizes = [16, 32], strides = [1, 1]} : vector<32x96xf32> to vector<16x32xf32>
    %dot_general3A_100 = arith.constant dense<0.000000e+00> : vector<16x16384xf32>
    %dot_general3A_101 = tpu.matmul %slice3A_99, %max3A_98, %dot_general3A_100 {dimension_numbers = #tpu.dot_dimension_numbers<[1], [0], [0], [1], [0, 0, 1, 1], [], []>, transpose_lhs_hint = false} : vector<16x32xf32>, vector<32x16384xf32>, vector<16x16384xf32> -> vector<16x16384xf32>
    %slice3A_102 = vector.extract_strided_slice %transpose3A {offsets = [0, 7], sizes = [16, 1], strides = [1, 1]} : vector<32x16xf32> to vector<16x1xf32>
    %add3A_103 = vector.broadcast %slice3A_102 : vector<16x1xf32> to vector<16x16384xf32>
    %add3A_104 = arith.addf %dot_general3A_101, %add3A_103 : vector<16x16384xf32>
    %max3A_105 = arith.constant 0.000000e+00 : f32
    %max3A_106 = vector.broadcast %max3A_105 : f32 to vector<16x16384xf32>
    %max3A_107 = arith.maximumf %add3A_104, %max3A_106 : vector<16x16384xf32>
    %slice3A_108 = vector.extract_strided_slice %get3A_4 {offsets = [0, 80], sizes = [4, 16], strides = [1, 1]} : vector<32x96xf32> to vector<4x16xf32>
    %dot_general3A_109 = arith.constant dense<0.000000e+00> : vector<4x16384xf32>
    %dot_general3A_110 = tpu.matmul %slice3A_108, %max3A_107, %dot_general3A_109 {dimension_numbers = #tpu.dot_dimension_numbers<[1], [0], [0], [1], [0, 0, 1, 1], [], []>, transpose_lhs_hint = false} : vector<4x16xf32>, vector<16x16384xf32>, vector<4x16384xf32> -> vector<4x16384xf32>
    %slice3A_111 = vector.extract_strided_slice %transpose3A {offsets = [0, 8], sizes = [4, 1], strides = [1, 1]} : vector<32x16xf32> to vector<4x1xf32>
    %add3A_112 = vector.broadcast %slice3A_111 : vector<4x1xf32> to vector<4x16384xf32>
    %add3A_113 = arith.addf %dot_general3A_110, %add3A_112 : vector<4x16384xf32>
    %swap3A = arith.constant 0 : index
    %swap3A_114 = arith.constant 0 : index
    %swap3A_115 = vector.load %arg3[%swap3A, %swap3A_114] : memref<4x16384xf32, #tpu.memory_space<vmem>>, vector<4x16384xf32>
    tpu.vector_store %arg3[%swap3A, %swap3A_114], %add3A_113 {strides = array<i32>} : memref<4x16384xf32, #tpu.memory_space<vmem>>, vector<4x16384xf32>,
    return
  }
}

</mosaic_0001>

<sc_bundles>
// kernel: kernel.4.cloned.1.call-start
scs
__scs_entry_jumppad:
0x0: {  	(pc) =	sbr.rel $0x88, $3  }
0x1: {  	(tag) =	ssettag $0x0;
	lr =	simm.s32 $0x1  }
0x2: {  	[smem:$0x3F96] =	sst lr;
	_ =	strace $0xD0000000  }
0x3: {  	_ = 	snop  }
0x4: {  	_ = 	snop  }
0x5: {  	_ = 	snop  }
0x6: {  	_ = 	snop  }
0x7: {  	_ = 	snop  }
__scs_overlays_trampoline_lowered:
0x8: {  	[smem:$0x3FA5] =	sst s0  }
0x9: {  	[smem:$0x3FA6] =	sst s1  }
0xa: {  	[smem:$0x3FA7] =	sst s2  }
0xb: {  	[smem:$0x3FA8] =	sst s3  }
0xc: {  	[smem:$0x3FA9] =	sst s4  }
0xd: {  	[smem:$0x3FAA] =	sst s5  }
0xe: {  	[smem:$0x3FAB] =	sst s6  }
0xf: {  	[smem:$0x3FAC] =	sst s7  }
0x10: {  	[smem:$0x3FAD] =	sst s8  }
0x11: {  	[smem:$0x3FAE] =	sst s9;
	s0 =	simm.s32 @!p0 $0x0  }
0x12: {  	s1 =	sld [smem:$0x3F94];
	s0 =	simm.s32 @p0 $0x1  }
0x13: {  	[smem:$0x3FAF] =	sst s0;
	s0 =	simm.s32 @!p1 $0x0  }
0x14: {  	s2 =	sld [smem:$0x3F93];
	s0 =	simm.s32 @p1 $0x1  }
0x15: {  	[smem:$0x3FB0] =	sst s0;
	s0 =	simm.s32 @!p2 $0x0  }
0x16: {  	s3 =	sld [smem:$0x3FDB];
	s0 =	simm.s32 @p2 $0x1  }
0x17: {  	s4 =	simm.s32 $0x1BF5;
	[smem:$0x3FB2] =	sst s0  }
0x18: {  	s0 =	sld [smem:$0x3F95];
	_ =	swait.ge [sflag:s4], $0x0  }
0x19: {  	s7 =	sld [smem:$0x3F96]  }
0x1a: {  	s8 =	sadd.s32 $0xFFFFE003, lr  }
0x1b: {  	s9 =	sadd.s32 $0xFFFFFEF7, lr;
	s5 =	simm.s32 $0xFFFFFFFF;
	p2 =	slt.u32 s8, $0xFFFFF086  }
0x1c: {  	p1 =	slt.u32 s9, $0xF7A;
	s5 =	simm.s32 @!p2 $0x0  }
0x1d: {  	s5 =	simm.s32 @p1 $0x1;
	p0 =	seq.s32 s7, s2  }
0x1e: {  	s7 =	smul.u32 @!p0 $0xF7A, s2;
	p2 =	seq.s32 @!p0 s5, $0x0  }
0x1f: {  	s9 =	smul.u32 $0xF7A, s1;
	s8 =	simm.s32 @!p0 $0x1BF5;
	p2 =	por !p2, p0  }
0x20: {  	[sflag:s8] =	ssyncset.s32 @!p0 $0xFFFFF086;
	s6 =	sadd.s32 @!p0 s3, s7;
	s7 =	simm.s32 @!p0 $0x108  }
0x21: {  	s3 =	sadd.s32 s3, s9;
	s6 =	sadd.s32 @!p0 $0x88, s6;
	s7 =	simm.s32 @p2 $0x1082  }
0x22: {  	[simem:s7], [sflag:s8] =	dma.local @!p0 [hbm:s6], $0xF7A  }
0x23: {  	s9 =	sor.u32 $0xD0000000, s2;
	s6 =	simm.s32 $0x108;
	_ =	swait.ge @!p0 [sflag:s8], $0x0  }
0x24: {  	s3 =	sadd.s32 $0x88, s3;
	s6 =	simm.s32 @!p1 $0x1082;
	[sflag:s4] =	ssyncset.s32 $0xFFFFF086  }
0x25: {  	[simem:s6], [sflag:s4] =	dma.local [hbm:s3], $0xF7A  }
0x26: {  	[smem:$0x3F96] =	sst s1;
	(tag) =	ssettag s2;
	_ =	strace s9  }
0x27: {  	s1 =	sld [smem:$0x3FA6]  }
0x28: {  	s2 =	sld [smem:$0x3FA7]  }
0x29: {  	s4 =	sld [smem:$0x3FA9]  }
0x2a: {  	p0 =	seq.s32 s5, $0x0;
	s5 =	sld [smem:$0x3FAA]  }
0x2b: {  	s6 =	sld [smem:$0x3FAB]  }
0x2c: {  	s7 =	sld [smem:$0x3FAC]  }
0x2d: {  	s3 =	simm.s32 $0x108;
	s8 =	sld [smem:$0x3FAD]  }
0x2e: {  	s3 =	simm.s32 @!p0 $0x1082;
	s9 =	sld [smem:$0x3FAE]  }
0x2f: {  	lr =	sadd.s32 s0, s3;
	s0 =	sld [smem:$0x3FA5]  }
0x30: {  	s3 =	sld [smem:$0x3FA8]  }
0x31: {  	[smem:$0x3FB1] =	sst s10  }
0x32: {  	s10 =	sld [smem:$0x3FAF];
	_ =	sdelay $0x3  }
0x33: {  	p0 =	seq.s32 s10, $0x1;
	s10 =	sld [smem:$0x3FB1];
	_ =	sdelay $0x3  }
0x34: {  	[smem:$0x3FB1] =	sst s10  }
0x35: {  	s10 =	sld [smem:$0x3FB0];
	_ =	sdelay $0x3  }
0x36: {  	p1 =	seq.s32 s10, $0x1;
	s10 =	sld [smem:$0x3FB1];
	_ =	sdelay $0x3  }
0x37: {  	[smem:$0x3FB1] =	sst s10  }
0x38: {  	s10 =	sld [smem:$0x3FB2]  }
0x39: {  	_ = 	snop;
	(pc) =	sbr.ind lr, $3  }
0x3a: {  	_ = 	snop  }
0x3b: {  	_ = 	snop  }
0x3c: {  	p2 =	seq.s32 s10, $0x1;
	s10 =	sld [smem:$0x3FB1]  }
0x3d: {  	_ =	shalt  }
0x3e: {  	_ =	shalt  }
0x3f: {  	_ =	shalt  }
0x40: {  	_ =	shalt  }
0x41: {  	_ =	shalt  }
0x42: {  	_ =	shalt  }
0x43: {  	_ =	shalt  }
0x44: {  	_ =	shalt  }
0x45: {  	_ =	shalt  }
0x46: {  	_ =	shalt  }
0x47: {  	_ =	shalt  }
0x48: {  	_ =	shalt  }
0x49: {  	_ =	shalt  }
0x4a: {  	_ =	shalt  }
0x4b: {  	_ =	shalt  }
0x4c: {  	_ =	shalt  }
0x4d: {  	_ =	shalt  }
0x4e: {  	_ =	shalt  }
0x4f: {  	_ =	shalt  }
0x50: {  	_ =	shalt  }
0x51: {  	_ =	shalt  }
0x52: {  	_ =	shalt  }
0x53: {  	_ =	shalt  }
0x54: {  	_ =	shalt  }
0x55: {  	_ =	shalt  }
0x56: {  	_ =	shalt  }
0x57: {  	_ =	shalt  }
0x58: {  	_ =	shalt  }
0x59: {  	_ =	shalt  }
0x5a: {  	_ =	shalt  }
0x5b: {  	_ =	shalt  }
0x5c: {  	_ =	shalt  }
0x5d: {  	_ =	shalt  }
0x5e: {  	_ =	shalt  }
0x5f: {  	_ =	shalt  }
0x60: {  	_ =	shalt  }
0x61: {  	_ =	shalt  }
0x62: {  	_ =	shalt  }
0x63: {  	_ =	shalt  }
0x64: {  	_ =	shalt  }
0x65: {  	_ =	shalt  }
0x66: {  	_ =	shalt  }
0x67: {  	_ =	shalt  }
0x68: {  	_ =	shalt  }
0x69: {  	_ =	shalt  }
0x6a: {  	_ =	shalt  }
0x6b: {  	_ =	shalt  }
0x6c: {  	_ =	shalt  }
0x6d: {  	_ =	shalt  }
0x6e: {  	_ =	shalt  }
0x6f: {  	_ =	shalt  }
0x70: {  	_ =	shalt  }
0x71: {  	_ =	shalt  }
0x72: {  	_ =	shalt  }
0x73: {  	_ =	shalt  }
0x74: {  	_ =	shalt  }
0x75: {  	_ =	shalt  }
0x76: {  	_ =	shalt  }
0x77: {  	_ =	shalt  }
0x78: {  	_ =	shalt  }
0x79: {  	_ =	shalt  }
0x7a: {  	_ =	shalt  }
0x7b: {  	_ =	shalt  }
0x7c: {  	_ =	shalt  }
0x7d: {  	_ =	shalt  }
0x7e: {  	_ =	shalt  }
0x7f: {  	_ =	shalt  }
0x80: {  	_ =	shalt  }
0x81: {  	_ =	shalt  }
0x82: {  	_ =	shalt  }
0x83: {  	_ =	shalt  }
0x84: {  	_ =	shalt  }
0x85: {  	_ =	shalt  }
0x86: {  	_ =	shalt  }
0x87: {  	_ =	shalt  }
.Lfunc_end0:
.L_simem_size_0:
called_computation_lowered:
.L_overlay_start_0:
0x88: {  	s2 =	sld [smem:$0x3FD9]  }
0x89: {  	s3 =	sld [smem:$0x3FFE];
	_ =	sdelay $0x1  }
0x8a: {  	s1 =	srdreg.scid  }
0x8b: {  	s0 =	sand.u32 $0x1, s1  }
0x8c: {  	s17 =	sshll.u32 s0, $0xA;
	s2 =	sadd.s32 s3, s2  }
0x8d: {  	s2 =	sadd.s32 s2, s17  }
0x8e: {  	[smem:$0x3FBD] =	sst s2  }
0x8f: {  	_ = 	snop  }
0x90: {  	s2 =	sld [smem:$0x3FD0];
	(tm) =	ssettm $0x1  }
0x91: {  	s18 =	sld [smem:$0x3FFB];
	_ =	sdelay $0x3  }
0x92: {  	_ =	strace s18  }
0x93: {  	s3 =	sld [smem:$0x3FFC];
	_ =	sdelay $0x3  }
0x94: {  	_ =	strace s3  }
0x95: {  	s3 =	sld [smem:$0x3FFD];
	_ =	sdelay $0x3  }
0x96: {  	_ =	strace s3  }
0x97: {  	_ =	strace $0x8FFFFFFF  }
0x98: {  	s19 =	sld [smem:$0x3FDB];
	_ =	sdelay $0x1  }
0x99: {  	s4 =	simm.s32 $_scs_section_size  }
0x9a: {  	s5 =	simm.s32 $_size__tile_overlayer_lowered;
	s6 =	simm.s32 $_tile_overlayer_lowered  }
0x9b: {  	s22 =	simm.s32 $0x1BFF;
	s21 =	sshll.u32 s6, $0x1;
	s3 =	sadd.s32 s4, s19  }
0x9c: {  	s7 =	simm.s32 $0x0;
	s20 =	sshll.u32 s5, $0x1;
	s5 =	sadd.s32 s21, s3  }
0x9d: {  	[timem:s7], [sflag:s22] =	dma.local [hbm:s5], s20  }
0x9e: {  	_ =	swait.ge [sflag:s22], s20  }
0x9f: {  	s4 =	ssub.s32 $0x0, s20;
	[sflag:s22] =	ssyncset.done $0x0  }
0xa0: {  	[sflag:s22] =	ssyncadd.s32 s4;
	_ =	sdelay $0x1  }
0xa1: {  	s23 =	simm.s32 $0x1B8B  }
0xa2: {  	_ =	swait.ge [sflag:s23], $0x1  }
0xa3: {  	[sflag:s23] =	ssyncset.done $0x0  }
0xa4: {  	s25 =	simm.s32 $0x1B8E;
	s24 =	sld [smem:$0x3FFE];
	[sflag:s23] =	ssyncadd.s32 $0xFFFFFFFF  }
0xa5: {  	s26 =	simm.s32 $execute0_lowered;
	[smem:$0x3FD2] =	sst s25  }
0xa6: {  	s5 =	sshll.u32 s26, $0x1;
	_ =	strace $0x80000046;
	[dreg:$0x1] =	wrdreg $0xFFFFFFFF  }
0xa7: {  	s28 =	simm.s32 $_size_execute0_lowered;
	s3 =	sadd.s32 s3, s5;
	[dreg:$0x0] =	wrdreg $0x0  }
0xa8: {  	s5 =	sshll.u32 s28, $0x1;
	[dreg:$0x2] =	wrdreg s3  }
0xa9: {  	[dreg:$0x3] =	wrdreg s5  }
0xaa: {  	[dreg:$0x4] =	wrdreg $0xC0  }
0xab: {  	_ =	task [dreg:s7], $0x5FFFF  }
0xac: {  	[dreg:$0x1] =	wrdreg $0xFFFFFFFF  }
0xad: {  	[dreg:$0x0] =	wrdreg $0x60  }
0xae: {  	[dreg:$0x2] =	wrdreg s2  }
0xaf: {  	[dreg:$0x3] =	wrdreg s24  }
0xb0: {  	[dreg:$0x4] =	wrdreg $0x9  }
0xb1: {  	_ =	task.clear_ibuf [dreg:s7], $0x5FFFF;
	_ =	strace $0x90000046  }
0xb2: {  	s29 =	simm.s32 $0x9;
	_ =	strace $0x80000048  }
0xb3: {  	_ =	swait.ge [sflag:s29], $0x1  }
0xb4: {  	[sflag:s29] =	ssyncadd.s32 $0xFFFFFFFF  }
0xb5: {  	_ =	strace $0x90000048  }
0xb6: {  	_ =	sfence  }
0xb7: {  	s30 =	sld [smem:$0x0];
	_ =	sdelay $0x2  }
0xb8: {  	s31 =	sshll.u32 s1, $0xD;
	s1 =	sshrl.u32 s1, $0x2  }
0xb9: {  	s3 =	sand.u32 $0x4000, s31;
	s1 =	sadd.s32 s1, s30  }
0xba: {  	s0 =	sor.u32 s3, s0;
	s1 =	sshll.u32 s1, $0x11  }
0xbb: {  	s0 =	sor.u32 s1, s0  }
0xbc: {  	s0 =	sadd.s32 $0x8F2B, s0  }
0xbd: {  	[sflag:s0] =	ssyncadd.remote.s32 $0x1  }
0xbe: {  	_ =	sfence.sel $0xFFFF  }
0xbf: {  	[dreg:$0x0] =	wrdreg $0xFFFFFFFF;
	(pc) =	sbr.abs _section_cstart, $3  }
0xc0: {  	[dreg:$0x1] =	wrdreg $0xFFFFFFFF  }
0xc1: {  	_ =	task.clear_ibuf [dreg:s7], $0x2FFFF;
	_ =	strace $0x9FFFFFFF  }
0xc2: {  	(tm) =	ssettm $0x7FFFFFFF  }
0xc3: {  	_ =	shalt  }
tec
execute0_lowered:
.L_overlay_start_1:
0x0: {  	(tag) =	ssettag $0x1  }
0x1: {  	s3 =	rddreg [dreg:$0x0]  }
0x2: {  	s4 =	rddreg [dreg:$0x1];
	s1 =	stileid.u32  }
0x3: {  	s0 =	rddreg [dreg:$0x2];
	s5 =	srdreg.scid;
	s2 =	simm.s32 $0x0  }
0x4: {  	s11 =	simm.s32 $0x2C00;
	s12 =	simm.s32 $0x2;
	s13 =	simm.s32 $0x0  }
0x5: {  	s6 =	sshll.u32 s1, $0x1;
	s5 =	sand.u32 $0x1, s5;
	[smem:$0x7FF] =	sst s2  }
0x6: {  	s7 =	sshrl.u32 s1, $0x3;
	s6 =	sand.u32 $0xE, s6;
	_ =	strace $0x80000047  }
0x7: {  	s8 =	sshll.u32 s7, $0xE;
	s9 =	sshll.u32 s7, $0xF;
	s6 =	sor.u32 s5, s6  }
0x8: {  	s7 =	smul.u32 $0x500, s7;
	s5 =	ssub.s32 $0x2, s5;
	s6 =	sshll.u32 s6, $0xA  }
0x9: {  	s9 =	sadd.s32 s9, s4;
	s10 =	sshrl.u32 s5, $0x1;
	s8 =	sor.u32 s6, s8  }
0xa: {  	s10 =	ssub.s32 s5, s10;
	s31 =	sadd.s32 s6, s9;
	s9 =	simm.s32 $0x2000  }
0xb: {  	s8 =	sshrl.u32 s8, $0x3;
	s5 =	sadd.s32 $0x2200, s31;
	s6 =	smax.u32 s10, $0x1  }
0xc: {  	s10 =	simm.s32 $0x20000;
	s30 =	sadd.s32 s3, s8;
	s3 =	sadd.s32 s3, s7  }
0xd: {  	s7 =	simm.s32 $0x2800;
	s8 =	simm.s32 $0x1;
	s4 =	sadd.s32 $0xA00, s30  }
.LBB2_1:
0xe: {  	[tilespmem:s2], [sflag:$0x1] =	stream.linear.gather [hbm4b:s3+s2], $0x2800, $0x38;
	[tilespmem:$0x6C00] =	vst v63  }
0xf: {  	_ = 	snop  }
0x10: {  	[tilespmem:s7], [sflag:$0x1] =	stream.linear.gather [hbm4b:s4+s2], $0x400, $0x38;
	[tilespmem:$0x6C00] =	vst v63  }
0x11: {  	_ =	swait.ge [sflag:s8], $0x2800  }
0x12: {  	[sflag:s8] =	ssyncset.done $0x0  }
0x13: {  	[sflag:s8] =	ssyncadd.s32 $0xFFFFD800  }
0x14: {  	_ =	swait.ge [sflag:s8], $0x400  }
0x15: {  	[sflag:s8] =	ssyncset.done $0x0  }
0x16: {  	s14 =	simm.s32 $0x2840;
	[sflag:s8] =	ssyncadd.s32 $0xFFFFFC00  }
0x17: {  	v8 =	vld [tilespmem:s14+$0x30]  }
0x18: {  	v6 =	vld [tilespmem:s14+$0xFFFFFFD0]  }
0x19: {  	v5 =	vld [tilespmem:s14+$0xFFFFFFE0]  }
0x1a: {  	v4 =	vld [tilespmem:s14+$0xFFFFFFF0]  }
0x1b: {  	v3 =	vld [tilespmem:s14+$0x0]  }
0x1c: {  	v2 =	vld [tilespmem:s14+$0x10]  }
0x1d: {  	v1 =	vld [tilespmem:s14+$0x20]  }
0x1e: {  	v7 =	vld [tilespmem:s14+$0xFFFFFFC0]  }
0x1f: {  	v9 =	vld.idx.msk [tilespmem:v8+s2+$0x0], $0xffff  }
0x20: {  	v10 =	vld.idx.msk [tilespmem:v6+s2+$0x0], $0xffff  }
0x21: {  	v11 =	vld.idx.msk [tilespmem:v5+s2+$0x0], $0xffff  }
0x22: {  	v12 =	vadd.s32 $0x400, v8;
	v13 =	vld.idx.msk [tilespmem:v4+s2+$0x0], $0xffff  }
0x23: {  	v14 =	vadd.s32 $0x400, v6;
	v15 =	vld.idx.msk [tilespmem:v3+s2+$0x0], $0xffff  }
0x24: {  	v16 =	vadd.s32 $0x400, v5;
	v17 =	vld.idx.msk [tilespmem:v2+s2+$0x0], $0xffff;
	[tilespmem:s11+$0x70] =	vst v9  }
0x25: {  	v18 =	vadd.s32 $0x400, v4;
	v19 =	vld.idx.msk [tilespmem:v1+s2+$0x0], $0xffff;
	[tilespmem:s11+$0x10] =	vst v10  }
0x26: {  	v43 =	vadd.s32 $0x400, v2;
	v20 =	vld.idx.msk [tilespmem:v7+s2+$0x0], $0xffff;
	[tilespmem:s11+$0x20] =	vst v11  }
0x27: {  	v45 =	vadd.s32 $0x400, v7;
	[tilespmem:s11+$0x30] =	vst v13;
	v10 =	vld.idx.msk [tilespmem:v12+s2+$0x0], $0xffff  }
0x28: {  	v9 =	vadd.s32 $0x400, v3;
	[tilespmem:s11+$0x40] =	vst v15;
	v11 =	vld.idx.msk [tilespmem:v14+s2+$0x0], $0xffff  }
0x29: {  	v46 =	vadd.s32 $0x400, v1;
	[tilespmem:s11+$0x50] =	vst v17;
	v16 =	vld.idx.msk [tilespmem:v16+s2+$0x0], $0xffff  }
0x2a: {  	v44 =	vadd.s32 $0x800, v8;
	[tilespmem:s11+$0x60] =	vst v19;
	v18 =	vld.idx.msk [tilespmem:v18+s2+$0x0], $0xffff  }
0x2b: {  	v47 =	vadd.s32 $0x800, v6;
	[tilespmem:s11+$0x0] =	vst v20;
	v12 =	vld.idx.msk [tilespmem:v43+s2+$0x0], $0xffff  }
0x2c: {  	v48 =	vadd.s32 $0x800, v5;
	v14 =	vld.idx.msk [tilespmem:v45+s2+$0x0], $0xffff;
	[tilespmem:s11+$0xF0] =	vst v10  }
0x2d: {  	v51 =	vadd.s32 $0x800, v7;
	v9 =	vld.idx.msk [tilespmem:v9+s2+$0x0], $0xffff;
	[tilespmem:s11+$0x90] =	vst v11  }
0x2e: {  	v10 =	vadd.s32 $0x800, v4;
	[tilespmem:s11+$0xA0] =	vst v16;
	v11 =	vld.idx.msk [tilespmem:v46+s2+$0x0], $0xffff  }
0x2f: {  	v49 =	vadd.s32 $0x800, v3;
	[tilespmem:s11+$0xB0] =	vst v18;
	v13 =	vld.idx.msk [tilespmem:v44+s2+$0x0], $0xffff  }
0x30: {  	v52 =	vadd.s32 $0x800, v2;
	[tilespmem:s11+$0xD0] =	vst v12;
	v17 =	vld.idx.msk [tilespmem:v47+s2+$0x0], $0xffff  }
0x31: {  	v50 =	vadd.s32 $0xC00, v8;
	[tilespmem:s11+$0x80] =	vst v14;
	v19 =	vld.idx.msk [tilespmem:v48+s2+$0x0], $0xffff  }
0x32: {  	v53 =	vadd.s32 $0xC00, v6;
	v16 =	vld.idx.msk [tilespmem:v51+s2+$0x0], $0xffff;
	[tilespmem:s11+$0xC0] =	vst v9  }
0x33: {  	v54 =	vadd.s32 $0xC00, v5;
	v10 =	vld.idx.msk [tilespmem:v10+s2+$0x0], $0xffff;
	[tilespmem:s11+$0xE0] =	vst v11  }
0x34: {  	v58 =	vadd.s32 $0xC00, v7;
	v20 =	vld.idx.msk [tilespmem:v49+s2+$0x0], $0xffff;
	[tilespmem:s11+$0x170] =	vst v13  }
0x35: {  	v9 =	vadd.s32 $0x800, v1;
	v11 =	vld.idx.msk [tilespmem:v52+s2+$0x0], $0xffff;
	[tilespmem:s11+$0x110] =	vst v17  }
0x36: {  	v56 =	vadd.s32 $0xC00, v4;
	[tilespmem:s11+$0x120] =	vst v19;
	v55 =	vld.idx.msk [tilespmem:v50+s2+$0x0], $0xffff  }
0x37: {  	v59 =	vadd.s32 $0xC00, v3;
	[tilespmem:s11+$0x100] =	vst v16;
	v12 =	vld.idx.msk [tilespmem:v53+s2+$0x0], $0xffff  }
0x38: {  	v57 =	vadd.s32 $0x1000, v8;
	v13 =	vld.idx.msk [tilespmem:v54+s2+$0x0], $0xffff;
	[tilespmem:s11+$0x130] =	vst v10  }
0x39: {  	v61 =	vadd.s32 $0x1000, v6;
	v18 =	vld.idx.msk [tilespmem:v58+s2+$0x0], $0xffff;
	[tilespmem:s11+$0x140] =	vst v20  }
0x3a: {  	v63 =	vadd.s32 $0x1000, v5;
	v9 =	vld.idx.msk [tilespmem:v9+s2+$0x0], $0xffff;
	[tilespmem:s11+$0x150] =	vst v11  }
0x3b: {  	v24 =	vadd.s32 $0x1000, v7;
	v15 =	vld.idx.msk [tilespmem:v56+s2+$0x0], $0xffff;
	[tilespmem:s11+$0x1F0] =	vst v55  }
0x3c: {  	v10 =	vadd.s32 $0xC00, v2;
	v11 =	vld.idx.msk [tilespmem:v59+s2+$0x0], $0xffff;
	[tilespmem:s11+$0x190] =	vst v12  }
0x3d: {  	v60 =	vadd.s32 $0xC00, v1;
	[tilespmem:s11+$0x1A0] =	vst v13;
	v62 =	vld.idx.msk [tilespmem:v57+s2+$0x0], $0xffff  }
0x3e: {  	v25 =	vadd.s32 $0x1000, v4;
	[tilespmem:s11+$0x180] =	vst v18;
	v14 =	vld.idx.msk [tilespmem:v61+s2+$0x0], $0xffff  }
0x3f: {  	v27 =	vadd.s32 $0x1000, v3;
	v17 =	vld.idx.msk [tilespmem:v63+s2+$0x0], $0xffff;
	[tilespmem:s11+$0x160] =	vst v9  }
0x40: {  	v19 =	vld.idx.msk [tilespmem:v24+s2+$0x0], $0xffff;
	v9 =	vadd.s32 $0x1400, v8;
	[tilespmem:s11+$0x1B0] =	vst v15  }
0x41: {  	v30 =	vadd.s32 $0x1400, v6;
	v10 =	vld.idx.msk [tilespmem:v10+s2+$0x0], $0xffff;
	[tilespmem:s11+$0x1C0] =	vst v11  }
0x42: {  	v31 =	vadd.s32 $0x1400, v7;
	v26 =	vld.idx.msk [tilespmem:v60+s2+$0x0], $0xffff;
	[tilespmem:s11+$0x270] =	vst v62  }
0x43: {  	v28 =	vadd.s32 $0x1000, v2;
	v11 =	vld.idx.msk [tilespmem:v25+s2+$0x0], $0xffff;
	[tilespmem:s11+$0x210] =	vst v14  }
0x44: {  	v29 =	vadd.s32 $0x1000, v1;
	v20 =	vld.idx.msk [tilespmem:v27+s2+$0x0], $0xffff;
	[tilespmem:s11+$0x220] =	vst v17  }
0x45: {  	v32 =	vadd.s32 $0x1400, v5;
	[tilespmem:s11+$0x200] =	vst v19;
	v9 =	vld.idx.msk [tilespmem:v9+s2+$0x0], $0xffff  }
0x46: {  	v34 =	vadd.s32 $0x1400, v4;
	v18 =	vld.idx.msk [tilespmem:v30+s2+$0x0], $0xffff;
	[tilespmem:s11+$0x1D0] =	vst v10  }
0x47: {  	v35 =	vadd.s32 $0x1400, v3;
	v12 =	vld.idx.msk [tilespmem:v31+s2+$0x0], $0xffff;
	[tilespmem:s11+$0x1E0] =	vst v26  }
0x48: {  	v10 =	vadd.s32 $0x1800, v8;
	v33 =	vld.idx.msk [tilespmem:v28+s2+$0x0], $0xffff;
	[tilespmem:s11+$0x230] =	vst v11  }
0x49: {  	v38 =	vadd.s32 $0x1800, v7;
	v16 =	vld.idx.msk [tilespmem:v29+s2+$0x0], $0xffff;
	[tilespmem:s11+$0x240] =	vst v20  }
0x4a: {  	v36 =	vadd.s32 $0x1400, v1;
	v11 =	vld.idx.msk [tilespmem:v32+s2+$0x0], $0xffff;
	[tilespmem:s11+$0x2F0] =	vst v9  }
0x4b: {  	v39 =	vadd.s32 $0x1800, v6;
	v15 =	vld.idx.msk [tilespmem:v34+s2+$0x0], $0xffff;
	[tilespmem:s11+$0x290] =	vst v18  }
0x4c: {  	v40 =	vadd.s32 $0x1800, v5;
	v17 =	vld.idx.msk [tilespmem:v35+s2+$0x0], $0xffff;
	[tilespmem:s11+$0x280] =	vst v12  }
0x4d: {  	v9 =	vadd.s32 $0x1400, v2;
	v10 =	vld.idx.msk [tilespmem:v10+s2+$0x0], $0xffff;
	[tilespmem:s11+$0x250] =	vst v33  }
0x4e: {  	v41 =	vadd.s32 $0x1800, v4;
	v20 =	vld.idx.msk [tilespmem:v38+s2+$0x0], $0xffff;
	[tilespmem:s11+$0x260] =	vst v16  }
0x4f: {  	v37 =	vadd.s32 $0x1C00, v8;
	v19 =	vld.idx.msk [tilespmem:v36+s2+$0x0], $0xffff;
	[tilespmem:s11+$0x2A0] =	vst v11  }
0x50: {  	v46 =	vadd.s32 $0x1C00, v7;
	v11 =	vld.idx.msk [tilespmem:v39+s2+$0x0], $0xffff;
	[tilespmem:s11+$0x2B0] =	vst v15  }
0x51: {  	v45 =	vadd.s32 $0x1800, v1;
	v16 =	vld.idx.msk [tilespmem:v40+s2+$0x0], $0xffff;
	[tilespmem:s11+$0x2C0] =	vst v17  }
0x52: {  	v47 =	vadd.s32 $0x1C00, v5;
	v9 =	vld.idx.msk [tilespmem:v9+s2+$0x0], $0xffff;
	[tilespmem:s11+$0x370] =	vst v10  }
0x53: {  	v18 =	vld.idx.msk [tilespmem:v41+s2+$0x0], $0xffff;
	v10 =	vadd.s32 $0x1800, v3;
	[tilespmem:s11+$0x300] =	vst v20  }
0x54: {  	v43 =	vadd.s32 $0x1800, v2;
	v42 =	vld.idx.msk [tilespmem:v37+s2+$0x0], $0xffff;
	[tilespmem:s11+$0x2E0] =	vst v19  }
0x55: {  	v44 =	vadd.s32 $0x2000, v8;
	v50 =	vld.idx.msk [tilespmem:v46+s2+$0x0], $0xffff;
	[tilespmem:s11+$0x310] =	vst v11  }
0x56: {  	v48 =	vadd.s32 $0x1C00, v4;
	v11 =	vld.idx.msk [tilespmem:v45+s2+$0x0], $0xffff;
	[tilespmem:s11+$0x320] =	vst v16  }
0x57: {  	[tilespmem:s11+$0x2D0] =	vst v9;
	v9 =	vadd.s32 $0x1C00, v6;
	v53 =	vld.idx.msk [tilespmem:v47+s2+$0x0], $0xffff  }
0x58: {  	v56 =	vadd.s32 $0x2000, v5;
	v10 =	vld.idx.msk [tilespmem:v10+s2+$0x0], $0xffff  }
0x59: {  	v49 =	vadd.s32 $0x1C00, v3;
	v13 =	vld.idx.msk [tilespmem:v43+s2+$0x0], $0xffff;
	[tilespmem:s11+$0x3F0] =	vst v42  }
0x5a: {  	v51 =	vadd.s32 $0x1C00, v2;
	[tilespmem:s11+$0x330] =	vst v18;
	v14 =	vld.idx.msk [tilespmem:v44+s2+$0x0], $0xffff  }
0x5b: {  	v8 =	vadd.s32 $0x2400, v8;
	v12 =	vld.idx.msk [tilespmem:v48+s2+$0x0], $0xffff;
	[tilespmem:s11+$0x360] =	vst v11  }
0x5c: {  	v11 =	vadd.s32 $0x2000, v4;
	v9 =	vld.idx.msk [tilespmem:v9+s2+$0x0], $0xffff;
	[tilespmem:s11+$0x3A0] =	vst v53  }
0x5d: {  	v52 =	vadd.s32 $0x1C00, v1;
	[tilespmem:s11+$0x340] =	vst v10;
	v61 =	vld.idx.msk [tilespmem:v56+s2+$0x0], $0xffff  }
0x5e: {  	v10 =	vadd.s32 $0x2000, v7;
	[tilespmem:s11+$0x350] =	vst v13;
	v55 =	vld.idx.msk [tilespmem:v49+s2+$0x0], $0xffff  }
0x5f: {  	v54 =	vadd.s32 $0x2000, v6;
	v57 =	vld.idx.msk [tilespmem:v51+s2+$0x0], $0xffff;
	[tilespmem:s11+$0x2070] =	vst v14  }
0x60: {  	v59 =	vadd.s32 $0x2000, v2;
	[tilespmem:s11+$0x3B0] =	vst v12;
	v8 =	vld.idx.msk [tilespmem:v8+s2+$0x0], $0xffff  }
0x61: {  	v58 =	vadd.s32 $0x2000, v3;
	[tilespmem:s11+$0x380] =	vst v50;
	v11 =	vld.idx.msk [tilespmem:v11+s2+$0x0], $0xffff  }
0x62: {  	v4 =	vadd.s32 $0x2400, v4;
	[tilespmem:s11+$0x390] =	vst v9;
	v9 =	vld.idx.msk [tilespmem:v52+s2+$0x0], $0xffff  }
0x63: {  	v60 =	vadd.s32 $0x2000, v1;
	v10 =	vld.idx.msk [tilespmem:v10+s2+$0x0], $0xffff;
	[tilespmem:s11+$0x3C0] =	vst v55  }
0x64: {  	v7 =	vadd.s32 $0x2400, v7;
	v13 =	vld.idx.msk [tilespmem:v54+s2+$0x0], $0xffff;
	[tilespmem:s11+$0x3D0] =	vst v57  }
0x65: {  	v6 =	vadd.s32 $0x2400, v6;
	v62 =	vld.idx.msk [tilespmem:v59+s2+$0x0], $0xffff;
	[tilespmem:s11+$0x20F0] =	vst v8  }
0x66: {  	v5 =	vadd.s32 $0x2400, v5;
	v8 =	vld.idx.msk [tilespmem:v58+s2+$0x0], $0xffff;
	[tilespmem:s11+$0x2030] =	vst v11  }
0x67: {  	v2 =	vadd.s32 $0x2400, v2;
	[tilespmem:s11+$0x3E0] =	vst v9;
	v4 =	vld.idx.msk [tilespmem:v4+s2+$0x0], $0xffff  }
0x68: {  	v9 =	vadd.s32 $0x2400, v3;
	[tilespmem:s11+$0x2000] =	vst v10;
	v10 =	vld.idx.msk [tilespmem:v60+s2+$0x0], $0xffff  }
0x69: {  	v1 =	vadd.s32 $0x2400, v1;
	[tilespmem:s11+$0x2010] =	vst v13;
	v63 =	vld.idx.msk [tilespmem:v7+s2+$0x0], $0xffff  }
0x6a: {  	[tilespmem:s11+$0x2020] =	vst v61;
	v3 =	vld.idx.msk [tilespmem:v6+s2+$0x0], $0xffff  }
0x6b: {  	v7 =	vld.idx.msk [tilespmem:v5+s2+$0x0], $0xffff;
	[tilespmem:s11+$0x2050] =	vst v62  }
0x6c: {  	[tilespmem:s11+$0x2040] =	vst v8;
	v5 =	vld.idx.msk [tilespmem:v2+s2+$0x0], $0xffff  }
0x6d: {  	v6 =	vld.idx.msk [tilespmem:v9+s2+$0x0], $0xffff;
	[tilespmem:s11+$0x2060] =	vst v10  }
0x6e: {  	s15 =	simm.s32 $0x0;
	s16 =	simm.s32 $0x28C0;
	s14 =	simm.s32 $0x2C00;
	[tilespmem:s11+$0x2080] =	vst v63;
	v8 =	vld.idx.msk [tilespmem:v1+s2+$0x0], $0xffff  }
.LBB2_2:
0x6f: {  	v1 =	vld [tilespmem:s16+$0x30];
	s15 =	sadd.s32 $0x8, s15;
	[tilespmem:s14+$0x2090] =	vst v3  }
0x70: {  	v2 =	vld [tilespmem:s16+$0xFFFFFFD0];
	p0 =	slt.u32 s15, $0x38;
	[tilespmem:s14+$0x20A0] =	vst v7  }
0x71: {  	v7 =	vld [tilespmem:s16+$0xFFFFFFE0];
	[tilespmem:s14+$0x20B0] =	vst v4  }
0x72: {  	v4 =	vld [tilespmem:s16+$0xFFFFFFF0];
	[tilespmem:s14+$0x20C0] =	vst v6  }
0x73: {  	v6 =	vld [tilespmem:s16+$0x0];
	[tilespmem:s14+$0x20D0] =	vst v5  }
0x74: {  	v5 =	vld [tilespmem:s16+$0x10];
	[tilespmem:s14+$0x20E0] =	vst v8  }
0x75: {  	v3 =	vadd.s32 $0x400, v2;
	v8 =	vadd.s32 $0x800, v2;
	v37 =	vadd.s32 $0xC00, v2;
	v48 =	vld [tilespmem:s16+$0x20]  }
0x76: {  	v10 =	vld [tilespmem:s16+$0xFFFFFFC0];
	v9 =	vadd.s32 $0x400, v7;
	v49 =	vadd.s32 $0x800, v7;
	v43 =	vadd.s32 $0xC00, v7  }
0x77: {  	v11 =	vadd.s32 $0x400, v4;
	v50 =	vadd.s32 $0x800, v4;
	v45 =	vadd.s32 $0xC00, v4;
	v12 =	vld.idx.msk [tilespmem:v1+s2+$0x0], $0xffff  }
0x78: {  	v13 =	vld.idx.msk [tilespmem:v2+s2+$0x0], $0xffff;
	v14 =	vadd.s32 $0x400, v6;
	v51 =	vadd.s32 $0x800, v6;
	v40 =	vadd.s32 $0xC00, v6  }
0x79: {  	v17 =	vadd.s32 $0x400, v1;
	v15 =	vld.idx.msk [tilespmem:v7+s2+$0x0], $0xffff;
	v16 =	vadd.s32 $0x400, v5;
	v52 =	vadd.s32 $0x800, v5  }
0x7a: {  	v46 =	vadd.s32 $0xC00, v5;
	v18 =	vld.idx.msk [tilespmem:v4+s2+$0x0], $0xffff;
	v53 =	vadd.s32 $0x400, v48;
	v54 =	vadd.s32 $0x800, v48  }
0x7b: {  	v55 =	vadd.s32 $0x400, v10;
	v56 =	vadd.s32 $0x800, v10;
	v57 =	vadd.s32 $0xC00, v10;
	v19 =	vld.idx.msk [tilespmem:v6+s2+$0x0], $0xffff  }
0x7c: {  	s14 =	sadd.s32 $0x400, s14;
	v47 =	vadd.s32 $0x1000, v2;
	v58 =	vadd.s32 $0xC00, v48;
	v36 =	vadd.s32 $0x1000, v10;
	v20 =	vld.idx.msk [tilespmem:v5+s2+$0x0], $0xffff  }
0x7d: {  	v59 =	vadd.s32 $0x1000, v7;
	v44 =	vadd.s32 $0x1000, v4;
	v38 =	vadd.s32 $0x1000, v6;
	v21 =	vld.idx.msk [tilespmem:v48+s2+$0x0], $0xffff;
	[tilespmem:s14+$0x70] =	vst v12  }
0x7e: {  	v42 =	vadd.s32 $0x1000, v5;
	v39 =	vadd.s32 $0x1000, v48;
	v30 =	vadd.s32 $0x1400, v10;
	[tilespmem:s14+$0x10] =	vst v13;
	v12 =	vld.idx.msk [tilespmem:v17+s2+$0x0], $0xffff  }
0x7f: {  	v41 =	vadd.s32 $0x1400, v2;
	v34 =	vadd.s32 $0x1400, v7;
	v32 =	vadd.s32 $0x1400, v4;
	v13 =	vld.idx.msk [tilespmem:v10+s2+$0x0], $0xffff;
	[tilespmem:s14+$0x20] =	vst v15  }
0x80: {  	v33 =	vadd.s32 $0x1400, v6;
	v31 =	vadd.s32 $0x1400, v5;
	v15 =	vadd.s32 $0x800, v1;
	v3 =	vld.idx.msk [tilespmem:v3+s2+$0x0], $0xffff;
	[tilespmem:s14+$0x30] =	vst v18  }
0x81: {  	v25 =	vadd.s32 $0x1800, v2;
	v35 =	vadd.s32 $0x1400, v48;
	v29 =	vadd.s32 $0x1800, v10;
	v9 =	vld.idx.msk [tilespmem:v9+s2+$0x0], $0xffff;
	[tilespmem:s14+$0x40] =	vst v19  }
0x82: {  	v28 =	vadd.s32 $0x1800, v7;
	v26 =	vadd.s32 $0x1800, v4;
	v24 =	vadd.s32 $0x1800, v6;
	v60 =	vld.idx.msk [tilespmem:v11+s2+$0x0], $0xffff;
	[tilespmem:s14+$0x50] =	vst v20  }
0x83: {  	v27 =	vadd.s32 $0x1800, v5;
	v23 =	vadd.s32 $0x1800, v48;
	v19 =	vadd.s32 $0x1C00, v10;
	v61 =	vld.idx.msk [tilespmem:v14+s2+$0x0], $0xffff;
	[tilespmem:s14+$0x60] =	vst v21  }
0x84: {  	v22 =	vadd.s32 $0x1C00, v2;
	v18 =	vadd.s32 $0x1C00, v4;
	v20 =	vadd.s32 $0x1C00, v7;
	v62 =	vld.idx.msk [tilespmem:v16+s2+$0x0], $0xffff;
	[tilespmem:s14+$0xF0] =	vst v12  }
0x85: {  	v17 =	vadd.s32 $0x1C00, v5;
	v21 =	vadd.s32 $0x1C00, v6;
	[tilespmem:s14+$0x0] =	vst v13;
	v13 =	vadd.s32 $0x1C00, v48;
	v63 =	vld.idx.msk [tilespmem:v15+s2+$0x0], $0xffff  }
0x86: {  	v11 =	vadd.s32 $0x2000, v7;
	v14 =	vadd.s32 $0x2000, v2;
	v16 =	vadd.s32 $0x2000, v10;
	v55 =	vld.idx.msk [tilespmem:v55+s2+$0x0], $0xffff;
	[tilespmem:s14+$0x90] =	vst v3  }
0x87: {  	v0 =	vadd.s32 $0xC00, v1;
	v12 =	vadd.s32 $0x2000, v4;
	[tilespmem:s14+$0xA0] =	vst v9;
	v9 =	vadd.s32 $0x2000, v6;
	v53 =	vld.idx.msk [tilespmem:v53+s2+$0x0], $0xffff  }
0x88: {  	v15 =	vadd.s32 $0x2000, v5;
	v3 =	vadd.s32 $0x2400, v10;
	v10 =	vadd.s32 $0x2000, v48;
	v8 =	vld.idx.msk [tilespmem:v8+s2+$0x0], $0xffff;
	[tilespmem:s14+$0xB0] =	vst v60  }
0x89: {  	v7 =	vadd.s32 $0x2400, v7;
	v4 =	vadd.s32 $0x2400, v4;
	v60 =	vadd.s32 $0x2400, v2;
	v49 =	vld.idx.msk [tilespmem:v49+s2+$0x0], $0xffff;
	[tilespmem:s14+$0xC0] =	vst v61  }
0x8a: {  	v5 =	vadd.s32 $0x2400, v5;
	v6 =	vadd.s32 $0x2400, v6;
	v2 =	vadd.s32 $0x2400, v48;
	v50 =	vld.idx.msk [tilespmem:v50+s2+$0x0], $0xffff;
	[tilespmem:s14+$0xD0] =	vst v62  }
0x8b: {  	v48 =	vld.idx.msk [tilespmem:v51+s2+$0x0], $0xffff;
	[tilespmem:s14+$0x170] =	vst v63  }
0x8c: {  	[tilespmem:s14+$0x80] =	vst v55;
	v0 =	vld.idx.msk [tilespmem:v0+s2+$0x0], $0xffff  }
0x8d: {  	v51 =	vld.idx.msk [tilespmem:v56+s2+$0x0], $0xffff;
	[tilespmem:s14+$0xE0] =	vst v53  }
0x8e: {  	[tilespmem:s14+$0x110] =	vst v8;
	v8 =	vld.idx.msk [tilespmem:v52+s2+$0x0], $0xffff;
	v52 =	vadd.s32 $0x1000, v1  }
0x8f: {  	[tilespmem:s14+$0x120] =	vst v49;
	v49 =	vld.idx.msk [tilespmem:v54+s2+$0x0], $0xffff  }
0x90: {  	v37 =	vld.idx.msk [tilespmem:v37+s2+$0x0], $0xffff;
	[tilespmem:s14+$0x130] =	vst v50  }
0x91: {  	v43 =	vld.idx.msk [tilespmem:v43+s2+$0x0], $0xffff;
	[tilespmem:s14+$0x140] =	vst v48  }
0x92: {  	v45 =	vld.idx.msk [tilespmem:v45+s2+$0x0], $0xffff;
	[tilespmem:s14+$0x1F0] =	vst v0  }
0x93: {  	[tilespmem:s14+$0x100] =	vst v51;
	v0 =	vld.idx.msk [tilespmem:v52+s2+$0x0], $0xffff  }
0x94: {  	v48 =	vld.idx.msk [tilespmem:v57+s2+$0x0], $0xffff;
	[tilespmem:s14+$0x150] =	vst v8  }
0x95: {  	v8 =	vld.idx.msk [tilespmem:v40+s2+$0x0], $0xffff;
	[tilespmem:s14+$0x160] =	vst v49;
	v40 =	vadd.s32 $0x1400, v1  }
0x96: {  	[tilespmem:s14+$0x190] =	vst v37;
	v37 =	vld.idx.msk [tilespmem:v46+s2+$0x0], $0xffff  }
0x97: {  	[tilespmem:s14+$0x1A0] =	vst v43;
	v43 =	vld.idx.msk [tilespmem:v58+s2+$0x0], $0xffff  }
0x98: {  	v46 =	vld.idx.msk [tilespmem:v47+s2+$0x0], $0xffff;
	[tilespmem:s14+$0x1B0] =	vst v45  }
0x99: {  	v45 =	vld.idx.msk [tilespmem:v59+s2+$0x0], $0xffff;
	[tilespmem:s14+$0x270] =	vst v0  }
0x9a: {  	[tilespmem:s14+$0x180] =	vst v48;
	v0 =	vld.idx.msk [tilespmem:v40+s2+$0x0], $0xffff  }
0x9b: {  	v36 =	vld.idx.msk [tilespmem:v36+s2+$0x0], $0xffff;
	[tilespmem:s14+$0x1C0] =	vst v8  }
0x9c: {  	v8 =	vld.idx.msk [tilespmem:v44+s2+$0x0], $0xffff;
	[tilespmem:s14+$0x1D0] =	vst v37;
	v37 =	vadd.s32 $0x1800, v1  }
0x9d: {  	v38 =	vld.idx.msk [tilespmem:v38+s2+$0x0], $0xffff;
	[tilespmem:s14+$0x1E0] =	vst v43  }
0x9e: {  	[tilespmem:s14+$0x210] =	vst v46;
	v40 =	vld.idx.msk [tilespmem:v42+s2+$0x0], $0xffff  }
0x9f: {  	[tilespmem:s14+$0x220] =	vst v45;
	v39 =	vld.idx.msk [tilespmem:v39+s2+$0x0], $0xffff  }
0xa0: {  	v41 =	vld.idx.msk [tilespmem:v41+s2+$0x0], $0xffff;
	[tilespmem:s14+$0x2F0] =	vst v0  }
0xa1: {  	[tilespmem:s14+$0x200] =	vst v36;
	v0 =	vld.idx.msk [tilespmem:v37+s2+$0x0], $0xffff  }
0xa2: {  	v30 =	vld.idx.msk [tilespmem:v30+s2+$0x0], $0xffff;
	[tilespmem:s14+$0x230] =	vst v8  }
0xa3: {  	v8 =	vld.idx.msk [tilespmem:v34+s2+$0x0], $0xffff;
	[tilespmem:s14+$0x240] =	vst v38;
	v34 =	vadd.s32 $0x1C00, v1  }
0xa4: {  	v32 =	vld.idx.msk [tilespmem:v32+s2+$0x0], $0xffff;
	[tilespmem:s14+$0x250] =	vst v40  }
0xa5: {  	v33 =	vld.idx.msk [tilespmem:v33+s2+$0x0], $0xffff;
	[tilespmem:s14+$0x260] =	vst v39  }
0xa6: {  	[tilespmem:s14+$0x290] =	vst v41;
	v31 =	vld.idx.msk [tilespmem:v31+s2+$0x0], $0xffff  }
0xa7: {  	v35 =	vld.idx.msk [tilespmem:v35+s2+$0x0], $0xffff;
	[tilespmem:s14+$0x370] =	vst v0  }
0xa8: {  	[tilespmem:s14+$0x280] =	vst v30;
	v0 =	vld.idx.msk [tilespmem:v34+s2+$0x0], $0xffff  }
0xa9: {  	v29 =	vld.idx.msk [tilespmem:v29+s2+$0x0], $0xffff;
	[tilespmem:s14+$0x2A0] =	vst v8  }
0xaa: {  	v8 =	vld.idx.msk [tilespmem:v25+s2+$0x0], $0xffff;
	[tilespmem:s14+$0x2B0] =	vst v32;
	v25 =	vadd.s32 $0x2000, v1  }
0xab: {  	v28 =	vld.idx.msk [tilespmem:v28+s2+$0x0], $0xffff;
	[tilespmem:s14+$0x2C0] =	vst v33  }
0xac: {  	v26 =	vld.idx.msk [tilespmem:v26+s2+$0x0], $0xffff;
	[tilespmem:s14+$0x2D0] =	vst v31  }
0xad: {  	v24 =	vld.idx.msk [tilespmem:v24+s2+$0x0], $0xffff;
	[tilespmem:s14+$0x2E0] =	vst v35  }
0xae: {  	v27 =	vld.idx.msk [tilespmem:v27+s2+$0x0], $0xffff;
	[tilespmem:s14+$0x3F0] =	vst v0  }
0xaf: {  	[tilespmem:s14+$0x300] =	vst v29;
	v0 =	vld.idx.msk [tilespmem:v25+s2+$0x0], $0xffff  }
0xb0: {  	[tilespmem:s14+$0x310] =	vst v8;
	v8 =	vld.idx.msk [tilespmem:v23+s2+$0x0], $0xffff  }
0xb1: {  	v1 =	vadd.s32 $0x2400, v1;
	v19 =	vld.idx.msk [tilespmem:v19+s2+$0x0], $0xffff;
	[tilespmem:s14+$0x320] =	vst v28  }
0xb2: {  	v22 =	vld.idx.msk [tilespmem:v22+s2+$0x0], $0xffff;
	[tilespmem:s14+$0x330] =	vst v26  }
0xb3: {  	v20 =	vld.idx.msk [tilespmem:v20+s2+$0x0], $0xffff;
	[tilespmem:s14+$0x340] =	vst v24  }
0xb4: {  	v18 =	vld.idx.msk [tilespmem:v18+s2+$0x0], $0xffff;
	[tilespmem:s14+$0x350] =	vst v27  }
0xb5: {  	v21 =	vld.idx.msk [tilespmem:v21+s2+$0x0], $0xffff;
	[tilespmem:s14+$0x2070] =	vst v0  }
0xb6: {  	[tilespmem:s14+$0x360] =	vst v8;
	v0 =	vld.idx.msk [tilespmem:v1+s2+$0x0], $0xffff  }
0xb7: {  	[tilespmem:s14+$0x380] =	vst v19;
	v1 =	vld.idx.msk [tilespmem:v17+s2+$0x0], $0xffff  }
0xb8: {  	[tilespmem:s14+$0x390] =	vst v22;
	v8 =	vld.idx.msk [tilespmem:v13+s2+$0x0], $0xffff  }
0xb9: {  	v13 =	vld.idx.msk [tilespmem:v16+s2+$0x0], $0xffff;
	[tilespmem:s14+$0x3A0] =	vst v20  }
0xba: {  	v14 =	vld.idx.msk [tilespmem:v14+s2+$0x0], $0xffff;
	[tilespmem:s14+$0x3B0] =	vst v18  }
0xbb: {  	v11 =	vld.idx.msk [tilespmem:v11+s2+$0x0], $0xffff;
	[tilespmem:s14+$0x3C0] =	vst v21  }
0xbc: {  	v12 =	vld.idx.msk [tilespmem:v12+s2+$0x0], $0xffff;
	[tilespmem:s14+$0x20F0] =	vst v0  }
0xbd: {  	v0 =	vld.idx.msk [tilespmem:v9+s2+$0x0], $0xffff;
	[tilespmem:s14+$0x3D0] =	vst v1  }
0xbe: {  	v1 =	vld.idx.msk [tilespmem:v15+s2+$0x0], $0xffff;
	[tilespmem:s14+$0x3E0] =	vst v8  }
0xbf: {  	[tilespmem:s14+$0x2000] =	vst v13;
	v8 =	vld.idx.msk [tilespmem:v10+s2+$0x0], $0xffff  }
0xc0: {  	v9 =	vld.idx.msk [tilespmem:v3+s2+$0x0], $0xffff;
	[tilespmem:s14+$0x2010] =	vst v14  }
0xc1: {  	v3 =	vld.idx.msk [tilespmem:v60+s2+$0x0], $0xffff;
	[tilespmem:s14+$0x2020] =	vst v11  }
.Ltmp0:
0xc2: {  	v7 =	vld.idx.msk [tilespmem:v7+s2+$0x0], $0xffff;
	[tilespmem:s14+$0x2030] =	vst v12;
	(pc) =	sbr.rel @p0 .LBB2_2-.Ltmp0, $4  }
0xc3: {  	v4 =	vld.idx.msk [tilespmem:v4+s2+$0x0], $0xffff;
	[tilespmem:s14+$0x2040] =	vst v0  }
0xc4: {  	v6 =	vld.idx.msk [tilespmem:v6+s2+$0x0], $0xffff;
	[tilespmem:s14+$0x2050] =	vst v1  }
0xc5: {  	v5 =	vld.idx.msk [tilespmem:v5+s2+$0x0], $0xffff;
	[tilespmem:s14+$0x2060] =	vst v8  }
0xc6: {  	s16 =	sadd.s32 $0x80, s16;
	[tilespmem:s14+$0x2080] =	vst v9;
	v8 =	vld.idx.msk [tilespmem:v2+s2+$0x0], $0xffff  }
0xc7: {  	[tilespmem:s14+$0x2090] =	vst v3  }
0xc8: {  	[tilespmem:s14+$0x20A0] =	vst v7  }
0xc9: {  	[tilespmem:s14+$0x20B0] =	vst v4  }
0xca: {  	[tilespmem:s14+$0x20C0] =	vst v6  }
0xcb: {  	[tilespmem:s14+$0x20D0] =	vst v5  }
0xcc: {  	v0 =	vimm.f32 $0.0e+00;
	[tilespmem:s14+$0x20E0] =	vst v8  }
0xcd: {  	[tilespmem:$0x4D00] =	vst v0  }
0xce: {  	[tilespmem:$0x4D80] =	vst v0  }
0xcf: {  	[tilespmem:$0x4E00] =	vst v0  }
0xd0: {  	[tilespmem:$0x4E80] =	vst v0  }
0xd1: {  	[tilespmem:$0x4F00] =	vst v0  }
0xd2: {  	[tilespmem:$0x4F80] =	vst v0  }
0xd3: {  	[tilespmem:$0x4D10] =	vst v0  }
0xd4: {  	[tilespmem:$0x4D90] =	vst v0  }
0xd5: {  	[tilespmem:$0x4E10] =	vst v0  }
0xd6: {  	[tilespmem:$0x4E90] =	vst v0  }
0xd7: {  	[tilespmem:$0x4F10] =	vst v0  }
0xd8: {  	[tilespmem:$0x4F90] =	vst v0  }
0xd9: {  	[tilespmem:$0x4D20] =	vst v0  }
0xda: {  	[tilespmem:$0x4DA0] =	vst v0  }
0xdb: {  	[tilespmem:$0x4E20] =	vst v0  }
0xdc: {  	[tilespmem:$0x4EA0] =	vst v0  }
0xdd: {  	[tilespmem:$0x4F20] =	vst v0  }
0xde: {  	[tilespmem:$0x4FA0] =	vst v0  }
0xdf: {  	[tilespmem:$0x4D30] =	vst v0  }
0xe0: {  	[tilespmem:$0x4DB0] =	vst v0  }
0xe1: {  	[tilespmem:$0x4E30] =	vst v0  }
0xe2: {  	[tilespmem:$0x4EB0] =	vst v0  }
0xe3: {  	[tilespmem:$0x4F30] =	vst v0  }
0xe4: {  	[tilespmem:$0x4FB0] =	vst v0  }
0xe5: {  	[tilespmem:$0x4D40] =	vst v0  }
0xe6: {  	[tilespmem:$0x4DC0] =	vst v0  }
0xe7: {  	[tilespmem:$0x4E40] =	vst v0  }
0xe8: {  	[tilespmem:$0x4EC0] =	vst v0  }
0xe9: {  	[tilespmem:$0x4F40] =	vst v0  }
0xea: {  	[tilespmem:$0x4FC0] =	vst v0  }
0xeb: {  	[tilespmem:$0x4D50] =	vst v0  }
0xec: {  	[tilespmem:$0x4DD0] =	vst v0  }
0xed: {  	[tilespmem:$0x4E50] =	vst v0  }
0xee: {  	[tilespmem:$0x4ED0] =	vst v0  }
0xef: {  	[tilespmem:$0x4F50] =	vst v0  }
0xf0: {  	[tilespmem:$0x4FD0] =	vst v0  }
0xf1: {  	[tilespmem:$0x4D60] =	vst v0  }
0xf2: {  	[tilespmem:$0x4DE0] =	vst v0  }
0xf3: {  	[tilespmem:$0x4E60] =	vst v0  }
0xf4: {  	[tilespmem:$0x4EE0] =	vst v0  }
0xf5: {  	[tilespmem:$0x4F60] =	vst v0  }
0xf6: {  	[tilespmem:$0x4FE0] =	vst v0  }
0xf7: {  	[tilespmem:$0x4D70] =	vst v0  }
0xf8: {  	[tilespmem:$0x4DF0] =	vst v0  }
0xf9: {  	[tilespmem:$0x4E70] =	vst v0  }
0xfa: {  	[tilespmem:$0x4EF0] =	vst v0  }
0xfb: {  	[tilespmem:$0x4F70] =	vst v0  }
0xfc: {  	[tilespmem:$0x4FF0] =	vst v0  }
0xfd: {  	[tilespmem:$0x5100] =	vst v0  }
0xfe: {  	[tilespmem:$0x5180] =	vst v0  }
0xff: {  	[tilespmem:$0x5200] =	vst v0  }
0x100: {  	[tilespmem:$0x5280] =	vst v0  }
0x101: {  	[tilespmem:$0x5300] =	vst v0  }
0x102: {  	[tilespmem:$0x5380] =	vst v0  }
0x103: {  	[tilespmem:$0x5110] =	vst v0  }
0x104: {  	[tilespmem:$0x5190] =	vst v0  }
0x105: {  	[tilespmem:$0x5210] =	vst v0  }
0x106: {  	[tilespmem:$0x5290] =	vst v0  }
0x107: {  	[tilespmem:$0x5310] =	vst v0  }
0x108: {  	[tilespmem:$0x5390] =	vst v0  }
0x109: {  	[tilespmem:$0x5120] =	vst v0  }
0x10a: {  	[tilespmem:$0x51A0] =	vst v0  }
0x10b: {  	[tilespmem:$0x5220] =	vst v0  }
0x10c: {  	[tilespmem:$0x52A0] =	vst v0  }
0x10d: {  	[tilespmem:$0x5320] =	vst v0  }
0x10e: {  	[tilespmem:$0x53A0] =	vst v0  }
0x10f: {  	[tilespmem:$0x5130] =	vst v0  }
0x110: {  	[tilespmem:$0x51B0] =	vst v0  }
0x111: {  	[tilespmem:$0x5230] =	vst v0  }
0x112: {  	[tilespmem:$0x52B0] =	vst v0  }
0x113: {  	[tilespmem:$0x5330] =	vst v0  }
0x114: {  	[tilespmem:$0x53B0] =	vst v0  }
0x115: {  	[tilespmem:$0x5140] =	vst v0  }
0x116: {  	[tilespmem:$0x51C0] =	vst v0  }
0x117: {  	[tilespmem:$0x5240] =	vst v0  }
0x118: {  	[tilespmem:$0x52C0] =	vst v0  }
0x119: {  	[tilespmem:$0x5340] =	vst v0  }
0x11a: {  	[tilespmem:$0x53C0] =	vst v0  }
0x11b: {  	[tilespmem:$0x5150] =	vst v0  }
0x11c: {  	[tilespmem:$0x51D0] =	vst v0  }
0x11d: {  	[tilespmem:$0x5250] =	vst v0  }
0x11e: {  	[tilespmem:$0x52D0] =	vst v0  }
0x11f: {  	[tilespmem:$0x5350] =	vst v0  }
0x120: {  	[tilespmem:$0x53D0] =	vst v0  }
0x121: {  	[tilespmem:$0x5160] =	vst v0  }
0x122: {  	[tilespmem:$0x51E0] =	vst v0  }
0x123: {  	[tilespmem:$0x5260] =	vst v0  }
0x124: {  	[tilespmem:$0x52E0] =	vst v0  }
0x125: {  	[tilespmem:$0x5360] =	vst v0  }
0x126: {  	[tilespmem:$0x53E0] =	vst v0  }
0x127: {  	[tilespmem:$0x5170] =	vst v0  }
0x128: {  	[tilespmem:$0x51F0] =	vst v0  }
0x129: {  	[tilespmem:$0x5270] =	vst v0  }
0x12a: {  	[tilespmem:$0x52F0] =	vst v0  }
0x12b: {  	[tilespmem:$0x5370] =	vst v0  }
0x12c: {  	[tilespmem:$0x53F0] =	vst v0  }
0x12d: {  	[tilespmem:$0x5500] =	vst v0  }
0x12e: {  	[tilespmem:$0x5580] =	vst v0  }
0x12f: {  	[tilespmem:$0x5600] =	vst v0  }
0x130: {  	[tilespmem:$0x5680] =	vst v0  }
0x131: {  	[tilespmem:$0x5700] =	vst v0  }
0x132: {  	[tilespmem:$0x5780] =	vst v0  }
0x133: {  	[tilespmem:$0x5510] =	vst v0  }
0x134: {  	[tilespmem:$0x5590] =	vst v0  }
0x135: {  	[tilespmem:$0x5610] =	vst v0  }
0x136: {  	[tilespmem:$0x5690] =	vst v0  }
0x137: {  	[tilespmem:$0x5710] =	vst v0  }
0x138: {  	[tilespmem:$0x5790] =	vst v0  }
0x139: {  	[tilespmem:$0x5520] =	vst v0  }
0x13a: {  	[tilespmem:$0x55A0] =	vst v0  }
0x13b: {  	[tilespmem:$0x5620] =	vst v0  }
0x13c: {  	[tilespmem:$0x56A0] =	vst v0  }
0x13d: {  	[tilespmem:$0x5720] =	vst v0  }
0x13e: {  	[tilespmem:$0x57A0] =	vst v0  }
0x13f: {  	[tilespmem:$0x5530] =	vst v0  }
0x140: {  	[tilespmem:$0x55B0] =	vst v0  }
0x141: {  	[tilespmem:$0x5630] =	vst v0  }
0x142: {  	[tilespmem:$0x56B0] =	vst v0  }
0x143: {  	[tilespmem:$0x5730] =	vst v0  }
0x144: {  	[tilespmem:$0x57B0] =	vst v0  }
0x145: {  	[tilespmem:$0x5540] =	vst v0  }
0x146: {  	[tilespmem:$0x55C0] =	vst v0  }
0x147: {  	[tilespmem:$0x5640] =	vst v0  }
0x148: {  	[tilespmem:$0x56C0] =	vst v0  }
0x149: {  	[tilespmem:$0x5740] =	vst v0  }
0x14a: {  	[tilespmem:$0x57C0] =	vst v0  }
0x14b: {  	[tilespmem:$0x5550] =	vst v0  }
0x14c: {  	[tilespmem:$0x55D0] =	vst v0  }
0x14d: {  	[tilespmem:$0x5650] =	vst v0  }
0x14e: {  	[tilespmem:$0x56D0] =	vst v0  }
0x14f: {  	[tilespmem:$0x5750] =	vst v0  }
0x150: {  	[tilespmem:$0x57D0] =	vst v0  }
0x151: {  	[tilespmem:$0x5560] =	vst v0  }
0x152: {  	[tilespmem:$0x55E0] =	vst v0  }
0x153: {  	[tilespmem:$0x5660] =	vst v0  }
0x154: {  	[tilespmem:$0x56E0] =	vst v0  }
0x155: {  	[tilespmem:$0x5760] =	vst v0  }
0x156: {  	[tilespmem:$0x57E0] =	vst v0  }
0x157: {  	[tilespmem:$0x5570] =	vst v0  }
0x158: {  	[tilespmem:$0x55F0] =	vst v0  }
0x159: {  	[tilespmem:$0x5670] =	vst v0  }
0x15a: {  	[tilespmem:$0x56F0] =	vst v0  }
0x15b: {  	[tilespmem:$0x5770] =	vst v0  }
0x15c: {  	[tilespmem:$0x57F0] =	vst v0  }
0x15d: {  	[tilespmem:$0x5900] =	vst v0  }
0x15e: {  	[tilespmem:$0x5980] =	vst v0  }
0x15f: {  	[tilespmem:$0x5A00] =	vst v0  }
0x160: {  	[tilespmem:$0x5A80] =	vst v0  }
0x161: {  	[tilespmem:$0x5B00] =	vst v0  }
0x162: {  	[tilespmem:$0x5B80] =	vst v0  }
0x163: {  	[tilespmem:$0x5910] =	vst v0  }
0x164: {  	[tilespmem:$0x5990] =	vst v0  }
0x165: {  	[tilespmem:$0x5A10] =	vst v0  }
0x166: {  	[tilespmem:$0x5A90] =	vst v0  }
0x167: {  	[tilespmem:$0x5B10] =	vst v0  }
0x168: {  	[tilespmem:$0x5B90] =	vst v0  }
0x169: {  	[tilespmem:$0x5920] =	vst v0  }
0x16a: {  	[tilespmem:$0x59A0] =	vst v0  }
0x16b: {  	[tilespmem:$0x5A20] =	vst v0  }
0x16c: {  	[tilespmem:$0x5AA0] =	vst v0  }
0x16d: {  	[tilespmem:$0x5B20] =	vst v0  }
0x16e: {  	[tilespmem:$0x5BA0] =	vst v0  }
0x16f: {  	[tilespmem:$0x5930] =	vst v0  }
0x170: {  	[tilespmem:$0x59B0] =	vst v0  }
0x171: {  	[tilespmem:$0x5A30] =	vst v0  }
0x172: {  	[tilespmem:$0x5AB0] =	vst v0  }
0x173: {  	[tilespmem:$0x5B30] =	vst v0  }
0x174: {  	[tilespmem:$0x5BB0] =	vst v0  }
0x175: {  	[tilespmem:$0x5940] =	vst v0  }
0x176: {  	[tilespmem:$0x59C0] =	vst v0  }
0x177: {  	[tilespmem:$0x5A40] =	vst v0  }
0x178: {  	[tilespmem:$0x5AC0] =	vst v0  }
0x179: {  	[tilespmem:$0x5B40] =	vst v0  }
0x17a: {  	[tilespmem:$0x5BC0] =	vst v0  }
0x17b: {  	[tilespmem:$0x5950] =	vst v0  }
0x17c: {  	[tilespmem:$0x59D0] =	vst v0  }
0x17d: {  	[tilespmem:$0x5A50] =	vst v0  }
0x17e: {  	[tilespmem:$0x5AD0] =	vst v0  }
0x17f: {  	[tilespmem:$0x5B50] =	vst v0  }
0x180: {  	[tilespmem:$0x5BD0] =	vst v0  }
0x181: {  	[tilespmem:$0x5960] =	vst v0  }
0x182: {  	[tilespmem:$0x59E0] =	vst v0  }
0x183: {  	[tilespmem:$0x5A60] =	vst v0  }
0x184: {  	[tilespmem:$0x5AE0] =	vst v0  }
0x185: {  	[tilespmem:$0x5B60] =	vst v0  }
0x186: {  	[tilespmem:$0x5BE0] =	vst v0  }
0x187: {  	[tilespmem:$0x5970] =	vst v0  }
0x188: {  	[tilespmem:$0x59F0] =	vst v0  }
0x189: {  	[tilespmem:$0x5A70] =	vst v0  }
0x18a: {  	[tilespmem:$0x5AF0] =	vst v0  }
0x18b: {  	[tilespmem:$0x5B70] =	vst v0  }
0x18c: {  	[tilespmem:$0x5BF0] =	vst v0  }
0x18d: {  	[tilespmem:$0x5D00] =	vst v0  }
0x18e: {  	[tilespmem:$0x5D80] =	vst v0  }
0x18f: {  	[tilespmem:$0x5E00] =	vst v0  }
0x190: {  	[tilespmem:$0x5E80] =	vst v0  }
0x191: {  	[tilespmem:$0x5F00] =	vst v0  }
0x192: {  	[tilespmem:$0x5F80] =	vst v0  }
0x193: {  	[tilespmem:$0x5D10] =	vst v0  }
0x194: {  	[tilespmem:$0x5D90] =	vst v0  }
0x195: {  	[tilespmem:$0x5E10] =	vst v0  }
0x196: {  	[tilespmem:$0x5E90] =	vst v0  }
0x197: {  	[tilespmem:$0x5F10] =	vst v0  }
0x198: {  	[tilespmem:$0x5F90] =	vst v0  }
0x199: {  	[tilespmem:$0x5D20] =	vst v0  }
0x19a: {  	[tilespmem:$0x5DA0] =	vst v0  }
0x19b: {  	[tilespmem:$0x5E20] =	vst v0  }
0x19c: {  	[tilespmem:$0x5EA0] =	vst v0  }
0x19d: {  	[tilespmem:$0x5F20] =	vst v0  }
0x19e: {  	[tilespmem:$0x5FA0] =	vst v0  }
0x19f: {  	[tilespmem:$0x5D30] =	vst v0  }
0x1a0: {  	[tilespmem:$0x5DB0] =	vst v0  }
0x1a1: {  	[tilespmem:$0x5E30] =	vst v0  }
0x1a2: {  	[tilespmem:$0x5EB0] =	vst v0  }
0x1a3: {  	[tilespmem:$0x5F30] =	vst v0  }
0x1a4: {  	[tilespmem:$0x5FB0] =	vst v0  }
0x1a5: {  	[tilespmem:$0x5D40] =	vst v0  }
0x1a6: {  	[tilespmem:$0x5DC0] =	vst v0  }
0x1a7: {  	[tilespmem:$0x5E40] =	vst v0  }
0x1a8: {  	[tilespmem:$0x5EC0] =	vst v0  }
0x1a9: {  	[tilespmem:$0x5F40] =	vst v0  }
0x1aa: {  	[tilespmem:$0x5FC0] =	vst v0  }
0x1ab: {  	[tilespmem:$0x5D50] =	vst v0  }
0x1ac: {  	[tilespmem:$0x5DD0] =	vst v0  }
0x1ad: {  	[tilespmem:$0x5E50] =	vst v0  }
0x1ae: {  	[tilespmem:$0x5ED0] =	vst v0  }
0x1af: {  	[tilespmem:$0x5F50] =	vst v0  }
0x1b0: {  	[tilespmem:$0x5FD0] =	vst v0  }
0x1b1: {  	[tilespmem:$0x5D60] =	vst v0  }
0x1b2: {  	[tilespmem:$0x5DE0] =	vst v0  }
0x1b3: {  	[tilespmem:$0x5E60] =	vst v0  }
0x1b4: {  	[tilespmem:$0x5EE0] =	vst v0  }
0x1b5: {  	[tilespmem:$0x5F60] =	vst v0  }
0x1b6: {  	[tilespmem:$0x5FE0] =	vst v0  }
0x1b7: {  	[tilespmem:$0x5D70] =	vst v0  }
0x1b8: {  	[tilespmem:$0x5DF0] =	vst v0  }
0x1b9: {  	[tilespmem:$0x5E70] =	vst v0  }
0x1ba: {  	[tilespmem:$0x5EF0] =	vst v0  }
0x1bb: {  	[tilespmem:$0x5F70] =	vst v0  }
0x1bc: {  	[tilespmem:$0x5FF0] =	vst v0  }
0x1bd: {  	[tilespmem:$0x6100] =	vst v0  }
0x1be: {  	[tilespmem:$0x6180] =	vst v0  }
0x1bf: {  	[tilespmem:$0x6200] =	vst v0  }
0x1c0: {  	[tilespmem:$0x6280] =	vst v0  }
0x1c1: {  	[tilespmem:$0x6300] =	vst v0  }
0x1c2: {  	[tilespmem:$0x6380] =	vst v0  }
0x1c3: {  	[tilespmem:$0x6110] =	vst v0  }
0x1c4: {  	[tilespmem:$0x6190] =	vst v0  }
0x1c5: {  	[tilespmem:$0x6210] =	vst v0  }
0x1c6: {  	[tilespmem:$0x6290] =	vst v0  }
0x1c7: {  	[tilespmem:$0x6310] =	vst v0  }
0x1c8: {  	[tilespmem:$0x6390] =	vst v0  }
0x1c9: {  	[tilespmem:$0x6120] =	vst v0  }
0x1ca: {  	[tilespmem:$0x61A0] =	vst v0  }
0x1cb: {  	[tilespmem:$0x6B70] =	vst v0  }
0x1cc: {  	[tilespmem:$0x6A70] =	vst v0  }
0x1cd: {  	[tilespmem:$0x62A0] =	vst v0  }
0x1ce: {  	[tilespmem:$0x6320] =	vst v0  }
0x1cf: {  	[tilespmem:$0x63A0] =	vst v0  }
0x1d0: {  	[tilespmem:$0x6130] =	vst v0  }
0x1d1: {  	[tilespmem:$0x61B0] =	vst v0  }
0x1d2: {  	[tilespmem:$0x6230] =	vst v0  }
0x1d3: {  	[tilespmem:$0x62B0] =	vst v0  }
0x1d4: {  	[tilespmem:$0x6330] =	vst v0  }
0x1d5: {  	[tilespmem:$0x63B0] =	vst v0  }
0x1d6: {  	[tilespmem:$0x6140] =	vst v0  }
0x1d7: {  	[tilespmem:$0x61C0] =	vst v0  }
0x1d8: {  	[tilespmem:$0x6240] =	vst v0  }
0x1d9: {  	[tilespmem:$0x62C0] =	vst v0  }
0x1da: {  	[tilespmem:$0x6340] =	vst v0  }
0x1db: {  	[tilespmem:$0x63C0] =	vst v0  }
0x1dc: {  	[tilespmem:$0x6150] =	vst v0  }
0x1dd: {  	[tilespmem:$0x61D0] =	vst v0  }
0x1de: {  	[tilespmem:$0x6250] =	vst v0  }
0x1df: {  	[tilespmem:$0x62D0] =	vst v0  }
0x1e0: {  	[tilespmem:$0x6350] =	vst v0  }
0x1e1: {  	[tilespmem:$0x63D0] =	vst v0  }
0x1e2: {  	[tilespmem:$0x6160] =	vst v0  }
0x1e3: {  	[tilespmem:$0x61E0] =	vst v0  }
0x1e4: {  	[tilespmem:$0x6260] =	vst v0  }
0x1e5: {  	[tilespmem:$0x62E0] =	vst v0  }
0x1e6: {  	[tilespmem:$0x6360] =	vst v0  }
0x1e7: {  	[tilespmem:$0x63E0] =	vst v0  }
0x1e8: {  	[tilespmem:$0x6170] =	vst v0  }
0x1e9: {  	[tilespmem:$0x61F0] =	vst v0  }
0x1ea: {  	[tilespmem:$0x6270] =	vst v0  }
0x1eb: {  	[tilespmem:$0x62F0] =	vst v0  }
0x1ec: {  	[tilespmem:$0x6370] =	vst v0  }
0x1ed: {  	[tilespmem:$0x63F0] =	vst v0  }
0x1ee: {  	[tilespmem:$0x6500] =	vst v0  }
0x1ef: {  	[tilespmem:$0x6580] =	vst v0  }
0x1f0: {  	[tilespmem:$0x6600] =	vst v0  }
0x1f1: {  	[tilespmem:$0x6680] =	vst v0  }
0x1f2: {  	[tilespmem:$0x6700] =	vst v0  }
0x1f3: {  	[tilespmem:$0x6780] =	vst v0  }
0x1f4: {  	[tilespmem:$0x6510] =	vst v0  }
0x1f5: {  	[tilespmem:$0x6590] =	vst v0  }
0x1f6: {  	[tilespmem:$0x6610] =	vst v0  }
0x1f7: {  	[tilespmem:$0x6690] =	vst v0  }
0x1f8: {  	[tilespmem:$0x6710] =	vst v0  }
0x1f9: {  	[tilespmem:$0x6790] =	vst v0  }
0x1fa: {  	[tilespmem:$0x6520] =	vst v0  }
0x1fb: {  	[tilespmem:$0x65A0] =	vst v0  }
0x1fc: {  	[tilespmem:$0x6620] =	vst v0  }
0x1fd: {  	[tilespmem:$0x66A0] =	vst v0  }
0x1fe: {  	[tilespmem:$0x6720] =	vst v0  }
0x1ff: {  	[tilespmem:$0x67A0] =	vst v0  }
0x200: {  	[tilespmem:$0x6530] =	vst v0  }
0x201: {  	[tilespmem:$0x65B0] =	vst v0  }
0x202: {  	[tilespmem:$0x6630] =	vst v0  }
0x203: {  	[tilespmem:$0x66B0] =	vst v0  }
0x204: {  	[tilespmem:$0x6730] =	vst v0  }
0x205: {  	[tilespmem:$0x67B0] =	vst v0  }
0x206: {  	[tilespmem:$0x6540] =	vst v0  }
0x207: {  	[tilespmem:$0x65C0] =	vst v0  }
0x208: {  	[tilespmem:$0x6640] =	vst v0  }
0x209: {  	[tilespmem:$0x66C0] =	vst v0  }
0x20a: {  	[tilespmem:$0x6740] =	vst v0  }
0x20b: {  	[tilespmem:$0x67C0] =	vst v0  }
0x20c: {  	[tilespmem:$0x6550] =	vst v0  }
0x20d: {  	[tilespmem:$0x65D0] =	vst v0  }
0x20e: {  	[tilespmem:$0x6650] =	vst v0  }
0x20f: {  	[tilespmem:$0x66D0] =	vst v0  }
0x210: {  	[tilespmem:$0x6750] =	vst v0  }
0x211: {  	[tilespmem:$0x67D0] =	vst v0  }
0x212: {  	[tilespmem:$0x6560] =	vst v0  }
0x213: {  	[tilespmem:$0x65E0] =	vst v0  }
0x214: {  	[tilespmem:$0x6660] =	vst v0  }
0x215: {  	[tilespmem:$0x66E0] =	vst v0  }
0x216: {  	[tilespmem:$0x6760] =	vst v0  }
0x217: {  	[tilespmem:$0x67E0] =	vst v0  }
0x218: {  	[tilespmem:$0x6570] =	vst v0  }
0x219: {  	[tilespmem:$0x65F0] =	vst v0  }
0x21a: {  	[tilespmem:$0x6670] =	vst v0  }
0x21b: {  	[tilespmem:$0x66F0] =	vst v0  }
0x21c: {  	[tilespmem:$0x6770] =	vst v0  }
0x21d: {  	[tilespmem:$0x67F0] =	vst v0  }
0x21e: {  	[tilespmem:$0x6900] =	vst v0  }
0x21f: {  	[tilespmem:$0x6980] =	vst v0  }
0x220: {  	[tilespmem:$0x6A00] =	vst v0  }
0x221: {  	[tilespmem:$0x6A80] =	vst v0  }
0x222: {  	[tilespmem:$0x6B00] =	vst v0  }
0x223: {  	[tilespmem:$0x6B80] =	vst v0  }
0x224: {  	[tilespmem:$0x6910] =	vst v0  }
0x225: {  	[tilespmem:$0x6990] =	vst v0  }
0x226: {  	[tilespmem:$0x6A10] =	vst v0  }
0x227: {  	[tilespmem:$0x6A90] =	vst v0  }
0x228: {  	[tilespmem:$0x6B10] =	vst v0  }
0x229: {  	[tilespmem:$0x6B90] =	vst v0  }
0x22a: {  	[tilespmem:$0x6920] =	vst v0  }
0x22b: {  	[tilespmem:$0x69A0] =	vst v0  }
0x22c: {  	[tilespmem:$0x6A20] =	vst v0  }
0x22d: {  	[tilespmem:$0x6AA0] =	vst v0  }
0x22e: {  	[tilespmem:$0x6B20] =	vst v0  }
0x22f: {  	[tilespmem:$0x6BA0] =	vst v0  }
0x230: {  	[tilespmem:$0x6930] =	vst v0  }
0x231: {  	[tilespmem:$0x69B0] =	vst v0  }
0x232: {  	[tilespmem:$0x6A30] =	vst v0  }
0x233: {  	[tilespmem:$0x6AB0] =	vst v0  }
0x234: {  	[tilespmem:$0x6B30] =	vst v0  }
0x235: {  	[tilespmem:$0x6BB0] =	vst v0  }
0x236: {  	[tilespmem:$0x6940] =	vst v0  }
0x237: {  	[tilespmem:$0x69C0] =	vst v0  }
0x238: {  	[tilespmem:$0x6A40] =	vst v0  }
0x239: {  	[tilespmem:$0x6AC0] =	vst v0  }
0x23a: {  	[tilespmem:$0x6B40] =	vst v0  }
0x23b: {  	[tilespmem:$0x6BC0] =	vst v0  }
0x23c: {  	[tilespmem:$0x6950] =	vst v0  }
0x23d: {  	[tilespmem:$0x69D0] =	vst v0  }
0x23e: {  	[tilespmem:$0x6A50] =	vst v0  }
0x23f: {  	[tilespmem:$0x6AD0] =	vst v0  }
0x240: {  	[tilespmem:$0x6B50] =	vst v0  }
0x241: {  	[tilespmem:$0x6BD0] =	vst v0  }
0x242: {  	[tilespmem:$0x6960] =	vst v0  }
0x243: {  	[tilespmem:$0x69E0] =	vst v0  }
0x244: {  	[tilespmem:$0x6A60] =	vst v0  }
0x245: {  	[tilespmem:$0x6AE0] =	vst v0  }
0x246: {  	[tilespmem:$0x6B60] =	vst v0  }
0x247: {  	[tilespmem:$0x6BE0] =	vst v0  }
0x248: {  	[tilespmem:$0x6970] =	vst v0  }
0x249: {  	[tilespmem:$0x69F0] =	vst v0  }
0x24a: {  	s13 =	sadd.s32 $0x1, s13;
	[tilespmem:$0x6AF0] =	vst v0  }
0x24b: {  	p0 =	sne.s32 s13, s6;
	[tilespmem:$0x6220] =	vst v0  }
.Ltmp1:
0x24c: {  	[tilespmem:$0x6BF0] =	vst v0;
	(pc) =	sbr.rel @p0 .LBB2_1-.Ltmp1, $4  }
0x24d: {  	[hbm4b:s5+s9] =	stream.strided.scatter [tilespmem:s11], [sflag:$0x2], $0x4000, s10, s9, $0x38;
	[tilespmem:$0x6C00] =	vst v63  }
0x24e: {  	_ =	swait.ge [sflag:s12], $0x4000  }
0x24f: {  	[sflag:s12] =	ssyncset.done $0x0  }
0x250: {  	[sflag:s12] =	ssyncadd.s32 $0xFFFFC000  }
0x251: {  	_ =	sfence.sel $0x180000  }
0x252: {  	[bflag:$0x0] =	sbarrier.arrive $0xFFFF  }
0x253: {  	p0 =	sne.s32 s1, $0x0;
	_ =	strace $0x90000047  }
0x254: {  	s0 =	sadd.s32 @!p0 $0x100000, s0;
	[bflag:$0x2] =	sbarrier.arrive $0xFFFF  }
0x255: {  	[sflag:s0] =	ssyncadd.tile.s32 @!p0 $0x1;
	_ =	shalt  }
.Lfunc_end2:
_tile_overlayer_lowered:
.L_overlay_start_2:
0x256: {  	(tag) =	ssettag $0x2  }
0x257: {  	s0 =	rddreg [dreg:$0x0];
	s2 =	stileid.u32  }
0x258: {  	s1 =	rddreg [dreg:$0x1];
	p0 =	sne.s32 s2, $0x0  }
0x259: {  	s3 =	rddreg [dreg:$0x2];
	[bflag:$0x3] =	sbarrier.arrive $0xFFFF;
	s2 =	simm.s32 @!p0 $0x1C02  }
0x25a: {  	[timem:s3], [sflag:s2] =	dma.local @!p0 [hbm:s0], s1  }
0x25b: {  	s0 =	simm.s32 @!p0 $0x2  }
0x25c: {  	_ =	swait.ge @!p0 [sflag:s0], s1  }
0x25d: {  	s1 =	ssub.s32 @!p0 $0x0, s1;
	[sflag:s0] =	ssyncset.done @!p0 $0x0  }
0x25e: {  	[sflag:s0] =	ssyncadd.s32 @!p0 s1  }
0x25f: {  	[bflag:$0x3] =	sbarrier.arrive $0xFFFF  }
0x260: {  	_ =	shalt  }

</sc_bundles>
